<compile_context>
chip_gen: v7x
topology: tpu7x:2x2x1
jax: 0.10.2.dev20260603
libtpu: 0.0.44.dev20260713+nightly
codegen_flags: <defaults>
</compile_context>

<pallas_src>
import functools

import jax
import jax.numpy as jnp
from jax import lax
from jax.experimental import pallas as pl
from jax.experimental.pallas import tpu as pltpu
from jax.experimental.pallas import tpu_sc as plsc

DIM = 64
HALF = 32
DGRP = 2
CHUNK = 4096
NSLOT = 2


def _rope_gather(position_ids, cos_t, sin_t):
    bsz, seq = position_ids.shape
    info = plsc.get_sparse_core_info()
    nw = info.num_cores * info.num_subcores
    n_grp = HALF // DGRP
    b_grp = nw // n_grp
    b_per_w = bsz // b_grp
    n_ch = seq // CHUNK

    mesh = plsc.VectorSubcoreMesh(core_axis_name="c", subcore_axis_name="s")

    @functools.partial(
        pl.kernel,
        mesh=mesh,
        compiler_params=pltpu.CompilerParams(
            use_tc_tiling_on_sc=True, needs_layout_passes=False),
        out_type=(
            jax.ShapeDtypeStruct((bsz, DIM, seq), jnp.float32),
            jax.ShapeDtypeStruct((bsz, DIM, seq), jnp.float32),
        ),
        scratch_types=[
            pltpu.VMEM((2 * DGRP * seq,), jnp.float32),
            pltpu.VMEM((b_per_w * seq,), jnp.int32),
            pltpu.VMEM((NSLOT, 2, DGRP, CHUNK), jnp.float32),
            pltpu.SemaphoreType.DMA,
            pltpu.SemaphoreType.DMA,
            pltpu.SemaphoreType.DMA((NSLOT,)),
        ],
    )
    def k(cos_hbm, sin_hbm, idx_hbm, cos_out, sin_out,
          rows_v, idx_v, obuf, rsem, isem, osem):
        wid = lax.axis_index("s") * info.num_cores + lax.axis_index("c")
        g = wid // b_grp
        bq = wid % b_grp
        d0 = g * DGRP
        b0 = bq * b_per_w

        ops = []
        for dd in range(DGRP):
            ops.append(pltpu.async_copy(
                cos_hbm.at[d0 + dd, :], rows_v.at[pl.ds(dd * seq, seq)], rsem))
            ops.append(pltpu.async_copy(
                sin_hbm.at[d0 + dd, :],
                rows_v.at[pl.ds((DGRP + dd) * seq, seq)], rsem))
        iops = []
        for bi in range(b_per_w):
            iops.append(pltpu.async_copy(
                idx_hbm.at[b0 + bi, :], idx_v.at[pl.ds(bi * seq, seq)],
                rsem if bi == 0 else isem))
        for op in ops:
            op.wait()
        iops[0].wait()

        wops = [[] for _ in range(NSLOT)]
        for bi in range(b_per_w):
            if bi > 0:
                iops[bi].wait()
            for j in range(n_ch):
                sl = (bi * n_ch + j) % NSLOT
                for op in wops[sl]:
                    op.wait()
                wops[sl] = []
                ob = obuf.at[sl]
                s0 = j * CHUNK

                @plsc.parallel_loop(0, CHUNK // 16, step=1, unroll=4)
                def body(i):
                    idxv = idx_v[pl.ds(bi * seq + s0 + i * 16, 16)]
                    for tt in range(2):
                        for dd in range(DGRP):
                            flat = idxv + ((tt * DGRP + dd) * seq)
                            ob[tt, dd, pl.ds(i * 16, 16)] = plsc.load_gather(
                                rows_v, [flat])

                b = b0 + bi
                for half in range(2):
                    dh = half * HALF + d0
                    wops[sl].append(pltpu.async_copy(
                        ob.at[0], cos_out.at[b, pl.ds(dh, DGRP), pl.ds(s0, CHUNK)],
                        osem.at[sl]))
                    wops[sl].append(pltpu.async_copy(
                        ob.at[1], sin_out.at[b, pl.ds(dh, DGRP), pl.ds(s0, CHUNK)],
                        osem.at[sl]))
        for sl in range(NSLOT):
            for op in wops[sl]:
                op.wait()

    return k(cos_t, sin_t, position_ids)


def kernel(x, position_ids, cos_cached, sin_cached):
    cos_t = jnp.swapaxes(cos_cached, 0, 1)
    sin_t = jnp.swapaxes(sin_cached, 0, 1)
    cos_o, sin_o = _rope_gather(position_ids, cos_t, sin_t)
    cos = jnp.swapaxes(cos_o, 1, 2).astype(x.dtype)
    sin = jnp.swapaxes(sin_o, 1, 2).astype(x.dtype)
    return cos, sin

# --- scband reference (transcript-rebuilt; emitter-appended) ---
"""Pipeline reference for scband-qeff-deepseek-v3-rotary-embedding-56650618634359 (READ-ONLY COPY).

The authoritative reference and input builder live on the scoring server;
editing this copy changes nothing except your own understanding.
"""

import jax, jax.numpy as jnp
import numpy as np

DIM = 64
THETA = 10000.0
MAX_POS = 8192


def _build_caches():
    inv_freq = 1.0 / (THETA ** (np.arange(0, DIM, 2, dtype=np.float32) / DIM))
    t = np.arange(MAX_POS, dtype=np.float32)
    freqs = np.outer(t, inv_freq)
    emb = np.concatenate([freqs, freqs], axis=-1)
    cos_cached = jnp.asarray(np.cos(emb), dtype=jnp.float32)
    sin_cached = jnp.asarray(np.sin(emb), dtype=jnp.float32)
    return cos_cached, sin_cached


def setup_inputs(seed: int = 0) -> dict:
    key = jax.random.key(seed)
    k1, k2 = jax.random.split(key)
    x = jax.random.normal(k1, (4, 8192, DIM), dtype=jnp.float32)
    position_ids = jax.random.randint(k2, (4, 8192), 0, MAX_POS, dtype=jnp.int32)
    cos_cached, sin_cached = _build_caches()
    return {"x": x, "position_ids": position_ids, "cos_cached": cos_cached, "sin_cached": sin_cached}


def reference(x, position_ids, cos_cached, sin_cached):
    # attention_scaling = 1.0 for default rope (no rope_scaling)
    attention_scaling = 1.0
    cos = jnp.take(cos_cached, position_ids, axis=0) * attention_scaling
    sin = jnp.take(sin_cached, position_ids, axis=0) * attention_scaling
    return (cos.astype(x.dtype), sin.astype(x.dtype))

if __name__ == "__main__":
    import jax
    _d = setup_inputs()
    print(jax.jit(kernel)(*tuple(_d.values())))

</pallas_src>

<mosaic_0001>
#map = affine_map<(d0, d1) -> (0, 0)>
#map1 = affine_map<(d0, d1) -> (0, 0, 0)>
module attributes {stable_mosaic.version = 14 : i64} {
  func.func @k(%arg0: i32, %arg1: i32, %arg2: memref<64x8192xf32, #tpu.memory_space<hbm>>, %arg3: memref<64x8192xf32, #tpu.memory_space<hbm>>, %arg4: memref<4x8192xi32, #tpu.memory_space<hbm>>, %arg5: memref<4x64x8192xf32, #tpu.memory_space<hbm>>, %arg6: memref<4x64x8192xf32, #tpu.memory_space<hbm>>, %arg7: memref<32768xf32, #tpu.memory_space<vmem>>, %arg8: memref<16384xi32, #tpu.memory_space<vmem>>, %arg9: memref<2x2x2x4096xf32, #tpu.memory_space<vmem>>, %arg10: memref<!tpu.dma_semaphore, #tpu.memory_space<semaphore_mem>>, %arg11: memref<!tpu.dma_semaphore, #tpu.memory_space<semaphore_mem>>, %arg12: memref<2x!tpu.dma_semaphore, #tpu.memory_space<semaphore_mem>>) attributes {dimension_semantics = [#tpu.dimension_semantics<core_parallel>, #tpu.dimension_semantics<subcore_parallel>], iteration_bounds = array<i64: 2, 16>, scalar_prefetch = 0 : i64, scratch_operands = 6 : i64, tpu.core_type = #tpu.core_type<sc_vector_subcore>, window_params = [{transform_indices = #map}, {transform_indices = #map}, {transform_indices = #map}, {transform_indices = #map1}, {transform_indices = #map1}]} {
    %mul3A = arith.constant 2 : i32
    %mul3A_0 = arith.muli %arg1, %mul3A : i32
    %add3A = arith.addi %mul3A_0, %arg0 : i32
    %jit3A = arith.constant 2 : i32
    %div3A = arith.divsi %add3A, %jit3A : i32
    %sign3A = arith.constant 0 : i32
    %sign3A_1 = arith.cmpi sgt, %add3A, %sign3A : i32
    %sign3A_2 = arith.extui %sign3A_1 : i1 to i32
    %sign3A_3 = arith.constant 0 : i32
    %sign3A_4 = arith.cmpi slt, %add3A, %sign3A_3 : i32
    %sign3A_5 = arith.extui %sign3A_4 : i1 to i32
    %sign3A_6 = arith.subi %sign3A_2, %sign3A_5 : i32
    %sign3A_7 = arith.constant 0 : i32
    %sign3A_8 = arith.cmpi sgt, %jit3A, %sign3A_7 : i32
    %sign3A_9 = arith.extui %sign3A_8 : i1 to i32
    %sign3A_10 = arith.constant 0 : i32
    %sign3A_11 = arith.cmpi slt, %jit3A, %sign3A_10 : i32
    %sign3A_12 = arith.extui %sign3A_11 : i1 to i32
    %sign3A_13 = arith.subi %sign3A_9, %sign3A_12 : i32
    %ne3A = arith.cmpi ne, %sign3A_6, %sign3A_13 : i32
    %rem3A = arith.remsi %add3A, %jit3A : i32
    %ne3A_14 = arith.constant 0 : i32
    %ne3A_15 = arith.cmpi ne, %rem3A, %ne3A_14 : i32
    %and3A = arith.andi %ne3A, %ne3A_15 : i1
    %sub3A = arith.constant 1 : i32
    %sub3A_16 = arith.subi %div3A, %sub3A : i32
    %select_n3A = arith.select %and3A, %sub3A_16, %div3A : i32
    %jit3A_17 = arith.constant 2 : i32
    %eq3A = arith.constant 0 : i32
    %eq3A_18 = arith.cmpi eq, %jit3A_17, %eq3A : i32
    %jit3A_19 = arith.constant 1 : i32
    %select_n3A_20 = arith.select %eq3A_18, %jit3A_19, %jit3A_17 : i32
    %rem3A_21 = arith.remsi %add3A, %select_n3A_20 : i32
    %ne3A_22 = arith.constant 0 : i32
    %ne3A_23 = arith.cmpi ne, %rem3A_21, %ne3A_22 : i32
    %lt3A = arith.constant 0 : i32
    %lt3A_24 = arith.cmpi slt, %rem3A_21, %lt3A : i32
    %lt3A_25 = arith.constant 0 : i32
    %lt3A_26 = arith.cmpi slt, %select_n3A_20, %lt3A_25 : i32
    %ne3A_27 = arith.xori %lt3A_24, %lt3A_26 : i1
    %and3A_28 = arith.andi %ne3A_27, %ne3A_23 : i1
    %add3A_29 = arith.addi %rem3A_21, %select_n3A_20 : i32
    %select_n3A_30 = arith.select %and3A_28, %add3A_29, %rem3A_21 : i32
    %mul3A_31 = arith.constant 2 : i32
    %mul3A_32 = arith.muli %select_n3A, %mul3A_31 : i32
    %mul3A_33 = arith.constant 2 : i32
    %mul3A_34 = arith.muli %select_n3A_30, %mul3A_33 : i32
    %add3A_35 = arith.constant 0 : i32
    %add3A_36 = arith.addi %mul3A_32, %add3A_35 : i32
    %dma_start3A = arith.constant 0 : i32
    %dma_start3A_37 = tpu.memref_slice %arg7[%dma_start3A] : memref<32768xf32, #tpu.memory_space<vmem>> -> memref<8192xf32, #tpu.memory_space<vmem>>
    %dma_start3A_38 = arith.constant 0 : i32
    %dma_start3A_39 = tpu.memref_slice %arg2[%add3A_36, %dma_start3A_38] : memref<64x8192xf32, #tpu.memory_space<hbm>> -> memref<1x8192xf32, #tpu.memory_space<hbm>>
    %dma_start3A_40 = tpu.memref_squeeze %dma_start3A_39 : memref<1x8192xf32, #tpu.memory_space<hbm>> -> memref<8192xf32, #tpu.memory_space<hbm>>
    %dma_start3A_41 = arith.constant 0 : i32
    %dma_start3A_42 = tpu.memref_slice %arg7[%dma_start3A_41] : memref<32768xf32, #tpu.memory_space<vmem>> -> memref<8192xf32, #tpu.memory_space<vmem>>
    %dma_start3A_43 = arith.constant 0 : i32
    %dma_start3A_44 = tpu.memref_slice %arg2[%add3A_36, %dma_start3A_43] : memref<64x8192xf32, #tpu.memory_space<hbm>> -> memref<1x8192xf32, #tpu.memory_space<hbm>>
    %dma_start3A_45 = tpu.memref_squeeze %dma_start3A_44 : memref<1x8192xf32, #tpu.memory_space<hbm>> -> memref<8192xf32, #tpu.memory_space<hbm>>
    tpu.enqueue_dma source(%dma_start3A_45 : memref<8192xf32, #tpu.memory_space<hbm>>) target(%dma_start3A_42 : memref<8192xf32, #tpu.memory_space<vmem>>) target_semaphore(%arg10 : memref<!tpu.dma_semaphore, #tpu.memory_space<semaphore_mem>>)
    %add3A_46 = arith.constant 0 : i32
    %add3A_47 = arith.addi %mul3A_32, %add3A_46 : i32
    %dma_start3A_48 = arith.constant 16384 : i32
    %dma_start3A_49 = tpu.memref_slice %arg7[%dma_start3A_48] : memref<32768xf32, #tpu.memory_space<vmem>> -> memref<8192xf32, #tpu.memory_space<vmem>>
    %dma_start3A_50 = arith.constant 0 : i32
    %dma_start3A_51 = tpu.memref_slice %arg3[%add3A_47, %dma_start3A_50] : memref<64x8192xf32, #tpu.memory_space<hbm>> -> memref<1x8192xf32, #tpu.memory_space<hbm>>
    %dma_start3A_52 = tpu.memref_squeeze %dma_start3A_51 : memref<1x8192xf32, #tpu.memory_space<hbm>> -> memref<8192xf32, #tpu.memory_space<hbm>>
    %dma_start3A_53 = arith.constant 16384 : i32
    %dma_start3A_54 = tpu.memref_slice %arg7[%dma_start3A_53] : memref<32768xf32, #tpu.memory_space<vmem>> -> memref<8192xf32, #tpu.memory_space<vmem>>
    %dma_start3A_55 = arith.constant 0 : i32
    %dma_start3A_56 = tpu.memref_slice %arg3[%add3A_47, %dma_start3A_55] : memref<64x8192xf32, #tpu.memory_space<hbm>> -> memref<1x8192xf32, #tpu.memory_space<hbm>>
    %dma_start3A_57 = tpu.memref_squeeze %dma_start3A_56 : memref<1x8192xf32, #tpu.memory_space<hbm>> -> memref<8192xf32, #tpu.memory_space<hbm>>
    tpu.enqueue_dma source(%dma_start3A_57 : memref<8192xf32, #tpu.memory_space<hbm>>) target(%dma_start3A_54 : memref<8192xf32, #tpu.memory_space<vmem>>) target_semaphore(%arg10 : memref<!tpu.dma_semaphore, #tpu.memory_space<semaphore_mem>>)
    %add3A_58 = arith.constant 1 : i32
    %add3A_59 = arith.addi %mul3A_32, %add3A_58 : i32
    %dma_start3A_60 = arith.constant 8192 : i32
    %dma_start3A_61 = tpu.memref_slice %arg7[%dma_start3A_60] : memref<32768xf32, #tpu.memory_space<vmem>> -> memref<8192xf32, #tpu.memory_space<vmem>>
    %dma_start3A_62 = arith.constant 0 : i32
    %dma_start3A_63 = tpu.memref_slice %arg2[%add3A_59, %dma_start3A_62] : memref<64x8192xf32, #tpu.memory_space<hbm>> -> memref<1x8192xf32, #tpu.memory_space<hbm>>
    %dma_start3A_64 = tpu.memref_squeeze %dma_start3A_63 : memref<1x8192xf32, #tpu.memory_space<hbm>> -> memref<8192xf32, #tpu.memory_space<hbm>>
    %dma_start3A_65 = arith.constant 8192 : i32
    %dma_start3A_66 = tpu.memref_slice %arg7[%dma_start3A_65] : memref<32768xf32, #tpu.memory_space<vmem>> -> memref<8192xf32, #tpu.memory_space<vmem>>
    %dma_start3A_67 = arith.constant 0 : i32
    %dma_start3A_68 = tpu.memref_slice %arg2[%add3A_59, %dma_start3A_67] : memref<64x8192xf32, #tpu.memory_space<hbm>> -> memref<1x8192xf32, #tpu.memory_space<hbm>>
    %dma_start3A_69 = tpu.memref_squeeze %dma_start3A_68 : memref<1x8192xf32, #tpu.memory_space<hbm>> -> memref<8192xf32, #tpu.memory_space<hbm>>
    tpu.enqueue_dma source(%dma_start3A_69 : memref<8192xf32, #tpu.memory_space<hbm>>) target(%dma_start3A_66 : memref<8192xf32, #tpu.memory_space<vmem>>) target_semaphore(%arg10 : memref<!tpu.dma_semaphore, #tpu.memory_space<semaphore_mem>>)
    %add3A_70 = arith.constant 1 : i32
    %add3A_71 = arith.addi %mul3A_32, %add3A_70 : i32
    %dma_start3A_72 = arith.constant 24576 : i32
    %dma_start3A_73 = tpu.memref_slice %arg7[%dma_start3A_72] : memref<32768xf32, #tpu.memory_space<vmem>> -> memref<8192xf32, #tpu.memory_space<vmem>>
    %dma_start3A_74 = arith.constant 0 : i32
    %dma_start3A_75 = tpu.memref_slice %arg3[%add3A_71, %dma_start3A_74] : memref<64x8192xf32, #tpu.memory_space<hbm>> -> memref<1x8192xf32, #tpu.memory_space<hbm>>
    %dma_start3A_76 = tpu.memref_squeeze %dma_start3A_75 : memref<1x8192xf32, #tpu.memory_space<hbm>> -> memref<8192xf32, #tpu.memory_space<hbm>>
    %dma_start3A_77 = arith.constant 24576 : i32
    %dma_start3A_78 = tpu.memref_slice %arg7[%dma_start3A_77] : memref<32768xf32, #tpu.memory_space<vmem>> -> memref<8192xf32, #tpu.memory_space<vmem>>
    %dma_start3A_79 = arith.constant 0 : i32
    %dma_start3A_80 = tpu.memref_slice %arg3[%add3A_71, %dma_start3A_79] : memref<64x8192xf32, #tpu.memory_space<hbm>> -> memref<1x8192xf32, #tpu.memory_space<hbm>>
    %dma_start3A_81 = tpu.memref_squeeze %dma_start3A_80 : memref<1x8192xf32, #tpu.memory_space<hbm>> -> memref<8192xf32, #tpu.memory_space<hbm>>
    tpu.enqueue_dma source(%dma_start3A_81 : memref<8192xf32, #tpu.memory_space<hbm>>) target(%dma_start3A_78 : memref<8192xf32, #tpu.memory_space<vmem>>) target_semaphore(%arg10 : memref<!tpu.dma_semaphore, #tpu.memory_space<semaphore_mem>>)
    %add3A_82 = arith.constant 0 : i32
    %add3A_83 = arith.addi %mul3A_34, %add3A_82 : i32
    %dma_start3A_84 = arith.constant 0 : i32
    %dma_start3A_85 = tpu.memref_slice %arg8[%dma_start3A_84] : memref<16384xi32, #tpu.memory_space<vmem>> -> memref<8192xi32, #tpu.memory_space<vmem>>
    %dma_start3A_86 = arith.constant 0 : i32
    %dma_start3A_87 = tpu.memref_slice %arg4[%add3A_83, %dma_start3A_86] : memref<4x8192xi32, #tpu.memory_space<hbm>> -> memref<1x8192xi32, #tpu.memory_space<hbm>>
    %dma_start3A_88 = tpu.memref_squeeze %dma_start3A_87 : memref<1x8192xi32, #tpu.memory_space<hbm>> -> memref<8192xi32, #tpu.memory_space<hbm>>
    %dma_start3A_89 = arith.constant 0 : i32
    %dma_start3A_90 = tpu.memref_slice %arg8[%dma_start3A_89] : memref<16384xi32, #tpu.memory_space<vmem>> -> memref<8192xi32, #tpu.memory_space<vmem>>
    %dma_start3A_91 = arith.constant 0 : i32
    %dma_start3A_92 = tpu.memref_slice %arg4[%add3A_83, %dma_start3A_91] : memref<4x8192xi32, #tpu.memory_space<hbm>> -> memref<1x8192xi32, #tpu.memory_space<hbm>>
    %dma_start3A_93 = tpu.memref_squeeze %dma_start3A_92 : memref<1x8192xi32, #tpu.memory_space<hbm>> -> memref<8192xi32, #tpu.memory_space<hbm>>
    tpu.enqueue_dma source(%dma_start3A_93 : memref<8192xi32, #tpu.memory_space<hbm>>) target(%dma_start3A_90 : memref<8192xi32, #tpu.memory_space<vmem>>) target_semaphore(%arg10 : memref<!tpu.dma_semaphore, #tpu.memory_space<semaphore_mem>>)
    %add3A_94 = arith.constant 1 : i32
    %add3A_95 = arith.addi %mul3A_34, %add3A_94 : i32
    %dma_start3A_96 = arith.constant 8192 : i32
    %dma_start3A_97 = tpu.memref_slice %arg8[%dma_start3A_96] : memref<16384xi32, #tpu.memory_space<vmem>> -> memref<8192xi32, #tpu.memory_space<vmem>>
    %dma_start3A_98 = arith.constant 0 : i32
    %dma_start3A_99 = tpu.memref_slice %arg4[%add3A_95, %dma_start3A_98] : memref<4x8192xi32, #tpu.memory_space<hbm>> -> memref<1x8192xi32, #tpu.memory_space<hbm>>
    %dma_start3A_100 = tpu.memref_squeeze %dma_start3A_99 : memref<1x8192xi32, #tpu.memory_space<hbm>> -> memref<8192xi32, #tpu.memory_space<hbm>>
    %dma_start3A_101 = arith.constant 8192 : i32
    %dma_start3A_102 = tpu.memref_slice %arg8[%dma_start3A_101] : memref<16384xi32, #tpu.memory_space<vmem>> -> memref<8192xi32, #tpu.memory_space<vmem>>
    %dma_start3A_103 = arith.constant 0 : i32
    %dma_start3A_104 = tpu.memref_slice %arg4[%add3A_95, %dma_start3A_103] : memref<4x8192xi32, #tpu.memory_space<hbm>> -> memref<1x8192xi32, #tpu.memory_space<hbm>>
    %dma_start3A_105 = tpu.memref_squeeze %dma_start3A_104 : memref<1x8192xi32, #tpu.memory_space<hbm>> -> memref<8192xi32, #tpu.memory_space<hbm>>
    tpu.enqueue_dma source(%dma_start3A_105 : memref<8192xi32, #tpu.memory_space<hbm>>) target(%dma_start3A_102 : memref<8192xi32, #tpu.memory_space<vmem>>) target_semaphore(%arg11 : memref<!tpu.dma_semaphore, #tpu.memory_space<semaphore_mem>>)
    %dma_wait3A = arith.constant 0 : i32
    %dma_wait3A_106 = tpu.memref_slice %arg7[%dma_wait3A] : memref<32768xf32, #tpu.memory_space<vmem>> -> memref<8192xf32, #tpu.memory_space<vmem>>
    %dma_wait3A_107 = arith.constant 0 : i32
    %dma_wait3A_108 = tpu.memref_slice %arg2[%add3A_36, %dma_wait3A_107] : memref<64x8192xf32, #tpu.memory_space<hbm>> -> memref<1x8192xf32, #tpu.memory_space<hbm>>
    %dma_wait3A_109 = tpu.memref_squeeze %dma_wait3A_108 : memref<1x8192xf32, #tpu.memory_space<hbm>> -> memref<8192xf32, #tpu.memory_space<hbm>>
    %dma_wait3A_110 = arith.constant 0 : i32
    %dma_wait3A_111 = tpu.memref_slice %arg7[%dma_wait3A_110] : memref<32768xf32, #tpu.memory_space<vmem>> -> memref<8192xf32, #tpu.memory_space<vmem>>
    %dma_wait3A_112 = arith.constant 0 : i32
    %dma_wait3A_113 = tpu.memref_slice %arg2[%add3A_36, %dma_wait3A_112] : memref<64x8192xf32, #tpu.memory_space<hbm>> -> memref<1x8192xf32, #tpu.memory_space<hbm>>
    %dma_wait3A_114 = tpu.memref_squeeze %dma_wait3A_113 : memref<1x8192xf32, #tpu.memory_space<hbm>> -> memref<8192xf32, #tpu.memory_space<hbm>>
    tpu.wait_dma2 semaphore(%arg10 : memref<!tpu.dma_semaphore, #tpu.memory_space<semaphore_mem>>) src(%dma_wait3A_114 : memref<8192xf32, #tpu.memory_space<hbm>>) dst(%dma_wait3A_111 : memref<8192xf32, #tpu.memory_space<vmem>>)
    %dma_wait3A_115 = arith.constant 16384 : i32
    %dma_wait3A_116 = tpu.memref_slice %arg7[%dma_wait3A_115] : memref<32768xf32, #tpu.memory_space<vmem>> -> memref<8192xf32, #tpu.memory_space<vmem>>
    %dma_wait3A_117 = arith.constant 0 : i32
    %dma_wait3A_118 = tpu.memref_slice %arg3[%add3A_47, %dma_wait3A_117] : memref<64x8192xf32, #tpu.memory_space<hbm>> -> memref<1x8192xf32, #tpu.memory_space<hbm>>
    %dma_wait3A_119 = tpu.memref_squeeze %dma_wait3A_118 : memref<1x8192xf32, #tpu.memory_space<hbm>> -> memref<8192xf32, #tpu.memory_space<hbm>>
    %dma_wait3A_120 = arith.constant 16384 : i32
    %dma_wait3A_121 = tpu.memref_slice %arg7[%dma_wait3A_120] : memref<32768xf32, #tpu.memory_space<vmem>> -> memref<8192xf32, #tpu.memory_space<vmem>>
    %dma_wait3A_122 = arith.constant 0 : i32
    %dma_wait3A_123 = tpu.memref_slice %arg3[%add3A_47, %dma_wait3A_122] : memref<64x8192xf32, #tpu.memory_space<hbm>> -> memref<1x8192xf32, #tpu.memory_space<hbm>>
    %dma_wait3A_124 = tpu.memref_squeeze %dma_wait3A_123 : memref<1x8192xf32, #tpu.memory_space<hbm>> -> memref<8192xf32, #tpu.memory_space<hbm>>
    tpu.wait_dma2 semaphore(%arg10 : memref<!tpu.dma_semaphore, #tpu.memory_space<semaphore_mem>>) src(%dma_wait3A_124 : memref<8192xf32, #tpu.memory_space<hbm>>) dst(%dma_wait3A_121 : memref<8192xf32, #tpu.memory_space<vmem>>)
    %dma_wait3A_125 = arith.constant 8192 : i32
    %dma_wait3A_126 = tpu.memref_slice %arg7[%dma_wait3A_125] : memref<32768xf32, #tpu.memory_space<vmem>> -> memref<8192xf32, #tpu.memory_space<vmem>>
    %dma_wait3A_127 = arith.constant 0 : i32
    %dma_wait3A_128 = tpu.memref_slice %arg2[%add3A_59, %dma_wait3A_127] : memref<64x8192xf32, #tpu.memory_space<hbm>> -> memref<1x8192xf32, #tpu.memory_space<hbm>>
    %dma_wait3A_129 = tpu.memref_squeeze %dma_wait3A_128 : memref<1x8192xf32, #tpu.memory_space<hbm>> -> memref<8192xf32, #tpu.memory_space<hbm>>
    %dma_wait3A_130 = arith.constant 8192 : i32
    %dma_wait3A_131 = tpu.memref_slice %arg7[%dma_wait3A_130] : memref<32768xf32, #tpu.memory_space<vmem>> -> memref<8192xf32, #tpu.memory_space<vmem>>
    %dma_wait3A_132 = arith.constant 0 : i32
    %dma_wait3A_133 = tpu.memref_slice %arg2[%add3A_59, %dma_wait3A_132] : memref<64x8192xf32, #tpu.memory_space<hbm>> -> memref<1x8192xf32, #tpu.memory_space<hbm>>
    %dma_wait3A_134 = tpu.memref_squeeze %dma_wait3A_133 : memref<1x8192xf32, #tpu.memory_space<hbm>> -> memref<8192xf32, #tpu.memory_space<hbm>>
    tpu.wait_dma2 semaphore(%arg10 : memref<!tpu.dma_semaphore, #tpu.memory_space<semaphore_mem>>) src(%dma_wait3A_134 : memref<8192xf32, #tpu.memory_space<hbm>>) dst(%dma_wait3A_131 : memref<8192xf32, #tpu.memory_space<vmem>>)
    %dma_wait3A_135 = arith.constant 24576 : i32
    %dma_wait3A_136 = tpu.memref_slice %arg7[%dma_wait3A_135] : memref<32768xf32, #tpu.memory_space<vmem>> -> memref<8192xf32, #tpu.memory_space<vmem>>
    %dma_wait3A_137 = arith.constant 0 : i32
    %dma_wait3A_138 = tpu.memref_slice %arg3[%add3A_71, %dma_wait3A_137] : memref<64x8192xf32, #tpu.memory_space<hbm>> -> memref<1x8192xf32, #tpu.memory_space<hbm>>
    %dma_wait3A_139 = tpu.memref_squeeze %dma_wait3A_138 : memref<1x8192xf32, #tpu.memory_space<hbm>> -> memref<8192xf32, #tpu.memory_space<hbm>>
    %dma_wait3A_140 = arith.constant 24576 : i32
    %dma_wait3A_141 = tpu.memref_slice %arg7[%dma_wait3A_140] : memref<32768xf32, #tpu.memory_space<vmem>> -> memref<8192xf32, #tpu.memory_space<vmem>>
    %dma_wait3A_142 = arith.constant 0 : i32
    %dma_wait3A_143 = tpu.memref_slice %arg3[%add3A_71, %dma_wait3A_142] : memref<64x8192xf32, #tpu.memory_space<hbm>> -> memref<1x8192xf32, #tpu.memory_space<hbm>>
    %dma_wait3A_144 = tpu.memref_squeeze %dma_wait3A_143 : memref<1x8192xf32, #tpu.memory_space<hbm>> -> memref<8192xf32, #tpu.memory_space<hbm>>
    tpu.wait_dma2 semaphore(%arg10 : memref<!tpu.dma_semaphore, #tpu.memory_space<semaphore_mem>>) src(%dma_wait3A_144 : memref<8192xf32, #tpu.memory_space<hbm>>) dst(%dma_wait3A_141 : memref<8192xf32, #tpu.memory_space<vmem>>)
    %dma_wait3A_145 = arith.constant 0 : i32
    %dma_wait3A_146 = tpu.memref_slice %arg8[%dma_wait3A_145] : memref<16384xi32, #tpu.memory_space<vmem>> -> memref<8192xi32, #tpu.memory_space<vmem>>
    %dma_wait3A_147 = arith.constant 0 : i32
    %dma_wait3A_148 = tpu.memref_slice %arg4[%add3A_83, %dma_wait3A_147] : memref<4x8192xi32, #tpu.memory_space<hbm>> -> memref<1x8192xi32, #tpu.memory_space<hbm>>
    %dma_wait3A_149 = tpu.memref_squeeze %dma_wait3A_148 : memref<1x8192xi32, #tpu.memory_space<hbm>> -> memref<8192xi32, #tpu.memory_space<hbm>>
    %dma_wait3A_150 = arith.constant 0 : i32
    %dma_wait3A_151 = tpu.memref_slice %arg8[%dma_wait3A_150] : memref<16384xi32, #tpu.memory_space<vmem>> -> memref<8192xi32, #tpu.memory_space<vmem>>
    %dma_wait3A_152 = arith.constant 0 : i32
    %dma_wait3A_153 = tpu.memref_slice %arg4[%add3A_83, %dma_wait3A_152] : memref<4x8192xi32, #tpu.memory_space<hbm>> -> memref<1x8192xi32, #tpu.memory_space<hbm>>
    %dma_wait3A_154 = tpu.memref_squeeze %dma_wait3A_153 : memref<1x8192xi32, #tpu.memory_space<hbm>> -> memref<8192xi32, #tpu.memory_space<hbm>>
    tpu.wait_dma2 semaphore(%arg10 : memref<!tpu.dma_semaphore, #tpu.memory_space<semaphore_mem>>) src(%dma_wait3A_154 : memref<8192xi32, #tpu.memory_space<hbm>>) dst(%dma_wait3A_151 : memref<8192xi32, #tpu.memory_space<vmem>>)
    %parallel_loop3A = arith.constant 0 : i32
    %parallel_loop3A_155 = arith.constant 256 : i32
    %parallel_loop3A_156 = arith.constant 1 : i32
    %parallel_loop3A_157 = arith.constant 0 : i32
    scf.for %parallel_loop3A_1132 = %parallel_loop3A to %parallel_loop3A_155 step %parallel_loop3A_156  : i32 {
      %parallel_loop3A_1133 = arith.constant 16 : i32
      %parallel_loop3A_1134 = arith.muli %parallel_loop3A_1132, %parallel_loop3A_1133 : i32
      %parallel_loop3A_1135 = arith.constant 0 : i32
      %parallel_loop3A_1136 = arith.addi %parallel_loop3A_1135, %parallel_loop3A_1134 : i32
      %parallel_loop3A_1137 = arith.index_cast %parallel_loop3A_1136 : i32 to index
      %parallel_loop3A_1138 = tpu.vector_load %arg8[%parallel_loop3A_1137] {strides = array<i32>} : memref<16384xi32, #tpu.memory_space<vmem>>, vector<16xi32>,
      %parallel_loop3A_1139 = arith.constant 0 : i32
      %parallel_loop3A_1140 = vector.broadcast %parallel_loop3A_1139 : i32 to vector<16xi32>
      %parallel_loop3A_1141 = arith.addi %parallel_loop3A_1138, %parallel_loop3A_1140 : vector<16xi32>
      %parallel_loop3A_1142 = tpu.vector_load_idx %arg7[%parallel_loop3A_1141] : memref<32768xf32, #tpu.memory_space<vmem>>[vector<16xi32>], vector<16xf32>,
      %parallel_loop3A_1143 = arith.constant 16 : i32
      %parallel_loop3A_1144 = arith.muli %parallel_loop3A_1132, %parallel_loop3A_1143 : i32
      %parallel_loop3A_1145 = arith.constant 0 : i32
      %parallel_loop3A_1146 = arith.constant 0 : i32
      %parallel_loop3A_1147 = arith.constant 0 : i32
      %parallel_loop3A_1148 = arith.constant 0 : i32
      %parallel_loop3A_1149 = arith.constant 0 : i32
      %parallel_loop3A_1150 = tpu.memref_slice %arg9[%parallel_loop3A_157, %parallel_loop3A_1147, %parallel_loop3A_1148, %parallel_loop3A_1149] : memref<2x2x2x4096xf32, #tpu.memory_space<vmem>> -> memref<1x2x2x4096xf32, #tpu.memory_space<vmem>>
      %parallel_loop3A_1151 = tpu.memref_squeeze %parallel_loop3A_1150 : memref<1x2x2x4096xf32, #tpu.memory_space<vmem>> -> memref<2x2x4096xf32, #tpu.memory_space<vmem>>
      %parallel_loop3A_1152 = arith.index_cast %parallel_loop3A_1145 : i32 to index
      %parallel_loop3A_1153 = arith.index_cast %parallel_loop3A_1146 : i32 to index
      %parallel_loop3A_1154 = arith.index_cast %parallel_loop3A_1144 : i32 to index
      %parallel_loop3A_1155 = tpu.vector_load %parallel_loop3A_1151[%parallel_loop3A_1152, %parallel_loop3A_1153, %parallel_loop3A_1154] {strides = array<i32>} : memref<2x2x4096xf32, #tpu.memory_space<vmem>>, vector<16xf32>,
      tpu.vector_store %parallel_loop3A_1151[%parallel_loop3A_1152, %parallel_loop3A_1153, %parallel_loop3A_1154], %parallel_loop3A_1142 {strides = array<i32>} : memref<2x2x4096xf32, #tpu.memory_space<vmem>>, vector<16xf32>,
      %parallel_loop3A_1156 = arith.constant 8192 : i32
      %parallel_loop3A_1157 = vector.broadcast %parallel_loop3A_1156 : i32 to vector<16xi32>
      %parallel_loop3A_1158 = arith.addi %parallel_loop3A_1138, %parallel_loop3A_1157 : vector<16xi32>
      %parallel_loop3A_1159 = tpu.vector_load_idx %arg7[%parallel_loop3A_1158] : memref<32768xf32, #tpu.memory_space<vmem>>[vector<16xi32>], vector<16xf32>,
      %parallel_loop3A_1160 = arith.constant 16 : i32
      %parallel_loop3A_1161 = arith.muli %parallel_loop3A_1132, %parallel_loop3A_1160 : i32
      %parallel_loop3A_1162 = arith.constant 0 : i32
      %parallel_loop3A_1163 = arith.constant 1 : i32
      %parallel_loop3A_1164 = arith.constant 0 : i32
      %parallel_loop3A_1165 = arith.constant 0 : i32
      %parallel_loop3A_1166 = arith.constant 0 : i32
      %parallel_loop3A_1167 = tpu.memref_slice %arg9[%parallel_loop3A_157, %parallel_loop3A_1164, %parallel_loop3A_1165, %parallel_loop3A_1166] : memref<2x2x2x4096xf32, #tpu.memory_space<vmem>> -> memref<1x2x2x4096xf32, #tpu.memory_space<vmem>>
      %parallel_loop3A_1168 = tpu.memref_squeeze %parallel_loop3A_1167 : memref<1x2x2x4096xf32, #tpu.memory_space<vmem>> -> memref<2x2x4096xf32, #tpu.memory_space<vmem>>
      %parallel_loop3A_1169 = arith.index_cast %parallel_loop3A_1162 : i32 to index
      %parallel_loop3A_1170 = arith.index_cast %parallel_loop3A_1163 : i32 to index
      %parallel_loop3A_1171 = arith.index_cast %parallel_loop3A_1161 : i32 to index
      %parallel_loop3A_1172 = tpu.vector_load %parallel_loop3A_1168[%parallel_loop3A_1169, %parallel_loop3A_1170, %parallel_loop3A_1171] {strides = array<i32>} : memref<2x2x4096xf32, #tpu.memory_space<vmem>>, vector<16xf32>,
      tpu.vector_store %parallel_loop3A_1168[%parallel_loop3A_1169, %parallel_loop3A_1170, %parallel_loop3A_1171], %parallel_loop3A_1159 {strides = array<i32>} : memref<2x2x4096xf32, #tpu.memory_space<vmem>>, vector<16xf32>,
      %parallel_loop3A_1173 = arith.constant 16384 : i32
      %parallel_loop3A_1174 = vector.broadcast %parallel_loop3A_1173 : i32 to vector<16xi32>
      %parallel_loop3A_1175 = arith.addi %parallel_loop3A_1138, %parallel_loop3A_1174 : vector<16xi32>
      %parallel_loop3A_1176 = tpu.vector_load_idx %arg7[%parallel_loop3A_1175] : memref<32768xf32, #tpu.memory_space<vmem>>[vector<16xi32>], vector<16xf32>,
      %parallel_loop3A_1177 = arith.constant 16 : i32
      %parallel_loop3A_1178 = arith.muli %parallel_loop3A_1132, %parallel_loop3A_1177 : i32
      %parallel_loop3A_1179 = arith.constant 1 : i32
      %parallel_loop3A_1180 = arith.constant 0 : i32
      %parallel_loop3A_1181 = arith.constant 0 : i32
      %parallel_loop3A_1182 = arith.constant 0 : i32
      %parallel_loop3A_1183 = arith.constant 0 : i32
      %parallel_loop3A_1184 = tpu.memref_slice %arg9[%parallel_loop3A_157, %parallel_loop3A_1181, %parallel_loop3A_1182, %parallel_loop3A_1183] : memref<2x2x2x4096xf32, #tpu.memory_space<vmem>> -> memref<1x2x2x4096xf32, #tpu.memory_space<vmem>>
      %parallel_loop3A_1185 = tpu.memref_squeeze %parallel_loop3A_1184 : memref<1x2x2x4096xf32, #tpu.memory_space<vmem>> -> memref<2x2x4096xf32, #tpu.memory_space<vmem>>
      %parallel_loop3A_1186 = arith.index_cast %parallel_loop3A_1179 : i32 to index
      %parallel_loop3A_1187 = arith.index_cast %parallel_loop3A_1180 : i32 to index
      %parallel_loop3A_1188 = arith.index_cast %parallel_loop3A_1178 : i32 to index
      %parallel_loop3A_1189 = tpu.vector_load %parallel_loop3A_1185[%parallel_loop3A_1186, %parallel_loop3A_1187, %parallel_loop3A_1188] {strides = array<i32>} : memref<2x2x4096xf32, #tpu.memory_space<vmem>>, vector<16xf32>,
      tpu.vector_store %parallel_loop3A_1185[%parallel_loop3A_1186, %parallel_loop3A_1187, %parallel_loop3A_1188], %parallel_loop3A_1176 {strides = array<i32>} : memref<2x2x4096xf32, #tpu.memory_space<vmem>>, vector<16xf32>,
      %parallel_loop3A_1190 = arith.constant 24576 : i32
      %parallel_loop3A_1191 = vector.broadcast %parallel_loop3A_1190 : i32 to vector<16xi32>
      %parallel_loop3A_1192 = arith.addi %parallel_loop3A_1138, %parallel_loop3A_1191 : vector<16xi32>
      %parallel_loop3A_1193 = tpu.vector_load_idx %arg7[%parallel_loop3A_1192] : memref<32768xf32, #tpu.memory_space<vmem>>[vector<16xi32>], vector<16xf32>,
      %parallel_loop3A_1194 = arith.constant 16 : i32
      %parallel_loop3A_1195 = arith.muli %parallel_loop3A_1132, %parallel_loop3A_1194 : i32
      %parallel_loop3A_1196 = arith.constant 1 : i32
      %parallel_loop3A_1197 = arith.constant 1 : i32
      %parallel_loop3A_1198 = arith.constant 0 : i32
      %parallel_loop3A_1199 = arith.constant 0 : i32
      %parallel_loop3A_1200 = arith.constant 0 : i32
      %parallel_loop3A_1201 = tpu.memref_slice %arg9[%parallel_loop3A_157, %parallel_loop3A_1198, %parallel_loop3A_1199, %parallel_loop3A_1200] : memref<2x2x2x4096xf32, #tpu.memory_space<vmem>> -> memref<1x2x2x4096xf32, #tpu.memory_space<vmem>>
      %parallel_loop3A_1202 = tpu.memref_squeeze %parallel_loop3A_1201 : memref<1x2x2x4096xf32, #tpu.memory_space<vmem>> -> memref<2x2x4096xf32, #tpu.memory_space<vmem>>
      %parallel_loop3A_1203 = arith.index_cast %parallel_loop3A_1196 : i32 to index
      %parallel_loop3A_1204 = arith.index_cast %parallel_loop3A_1197 : i32 to index
      %parallel_loop3A_1205 = arith.index_cast %parallel_loop3A_1195 : i32 to index
      %parallel_loop3A_1206 = tpu.vector_load %parallel_loop3A_1202[%parallel_loop3A_1203, %parallel_loop3A_1204, %parallel_loop3A_1205] {strides = array<i32>} : memref<2x2x4096xf32, #tpu.memory_space<vmem>>, vector<16xf32>,
      tpu.vector_store %parallel_loop3A_1202[%parallel_loop3A_1203, %parallel_loop3A_1204, %parallel_loop3A_1205], %parallel_loop3A_1193 {strides = array<i32>} : memref<2x2x4096xf32, #tpu.memory_space<vmem>>, vector<16xf32>,
    } {sc.loop_unroll_factor = 4 : i64, sc.parallel_access}
    %add3A_158 = arith.constant 0 : i32
    %add3A_159 = arith.addi %mul3A_34, %add3A_158 : i32
    %add3A_160 = arith.constant 0 : i32
    %add3A_161 = arith.addi %add3A_160, %mul3A_32 : i32
    %dma_start3A_162 = arith.constant 0 : i32
    %dma_start3A_163 = arith.constant 0 : i32
    %dma_start3A_164 = arith.constant 0 : i32
    %dma_start3A_165 = arith.constant 0 : i32
    %dma_start3A_166 = arith.constant 0 : i32
    %dma_start3A_167 = arith.constant 0 : i32
    %dma_start3A_168 = tpu.memref_slice %arg9[%dma_start3A_162, %dma_start3A_165, %dma_start3A_166, %dma_start3A_167] : memref<2x2x2x4096xf32, #tpu.memory_space<vmem>> -> memref<1x2x2x4096xf32, #tpu.memory_space<vmem>>
    %dma_start3A_169 = tpu.memref_squeeze %dma_start3A_168 : memref<1x2x2x4096xf32, #tpu.memory_space<vmem>> -> memref<2x2x4096xf32, #tpu.memory_space<vmem>>
    %dma_start3A_170 = arith.constant 0 : i32
    %dma_start3A_171 = arith.constant 0 : i32
    %dma_start3A_172 = tpu.memref_slice %dma_start3A_169[%dma_start3A_163, %dma_start3A_170, %dma_start3A_171] : memref<2x2x4096xf32, #tpu.memory_space<vmem>> -> memref<1x2x4096xf32, #tpu.memory_space<vmem>>
    %dma_start3A_173 = tpu.memref_squeeze %dma_start3A_172 : memref<1x2x4096xf32, #tpu.memory_space<vmem>> -> memref<2x4096xf32, #tpu.memory_space<vmem>>
    %dma_start3A_174 = arith.constant 0 : i32
    %dma_start3A_175 = tpu.memref_slice %arg5[%add3A_159, %add3A_161, %dma_start3A_174] : memref<4x64x8192xf32, #tpu.memory_space<hbm>> -> memref<1x2x4096xf32, #tpu.memory_space<hbm>>
    %dma_start3A_176 = tpu.memref_squeeze %dma_start3A_175 : memref<1x2x4096xf32, #tpu.memory_space<hbm>> -> memref<2x4096xf32, #tpu.memory_space<hbm>>
    %dma_start3A_177 = tpu.memref_slice %arg12[%dma_start3A_164] : memref<2x!tpu.dma_semaphore, #tpu.memory_space<semaphore_mem>> -> memref<1x!tpu.dma_semaphore, #tpu.memory_space<semaphore_mem>>
    %dma_start3A_178 = tpu.memref_squeeze %dma_start3A_177 : memref<1x!tpu.dma_semaphore, #tpu.memory_space<semaphore_mem>> -> memref<!tpu.dma_semaphore, #tpu.memory_space<semaphore_mem>>
    %dma_start3A_179 = arith.constant 0 : i32
    %dma_start3A_180 = tpu.memref_slice %arg5[%add3A_159, %add3A_161, %dma_start3A_179] : memref<4x64x8192xf32, #tpu.memory_space<hbm>> -> memref<1x2x4096xf32, #tpu.memory_space<hbm>>
    %dma_start3A_181 = tpu.memref_squeeze %dma_start3A_180 : memref<1x2x4096xf32, #tpu.memory_space<hbm>> -> memref<2x4096xf32, #tpu.memory_space<hbm>>
    %dma_start3A_182 = arith.constant 0 : i32
    %dma_start3A_183 = arith.constant 0 : i32
    %dma_start3A_184 = arith.constant 0 : i32
    %dma_start3A_185 = tpu.memref_slice %arg9[%dma_start3A_162, %dma_start3A_182, %dma_start3A_183, %dma_start3A_184] : memref<2x2x2x4096xf32, #tpu.memory_space<vmem>> -> memref<1x2x2x4096xf32, #tpu.memory_space<vmem>>
    %dma_start3A_186 = tpu.memref_squeeze %dma_start3A_185 : memref<1x2x2x4096xf32, #tpu.memory_space<vmem>> -> memref<2x2x4096xf32, #tpu.memory_space<vmem>>
    %dma_start3A_187 = arith.constant 0 : i32
    %dma_start3A_188 = arith.constant 0 : i32
    %dma_start3A_189 = tpu.memref_slice %dma_start3A_186[%dma_start3A_163, %dma_start3A_187, %dma_start3A_188] : memref<2x2x4096xf32, #tpu.memory_space<vmem>> -> memref<1x2x4096xf32, #tpu.memory_space<vmem>>
    %dma_start3A_190 = tpu.memref_squeeze %dma_start3A_189 : memref<1x2x4096xf32, #tpu.memory_space<vmem>> -> memref<2x4096xf32, #tpu.memory_space<vmem>>
    tpu.enqueue_dma source(%dma_start3A_190 : memref<2x4096xf32, #tpu.memory_space<vmem>>) target(%dma_start3A_181 : memref<2x4096xf32, #tpu.memory_space<hbm>>) target_semaphore(%dma_start3A_178 : memref<!tpu.dma_semaphore, #tpu.memory_space<semaphore_mem>>)
    %dma_start3A_191 = arith.constant 0 : i32
    %dma_start3A_192 = arith.constant 1 : i32
    %dma_start3A_193 = arith.constant 0 : i32
    %dma_start3A_194 = arith.constant 0 : i32
    %dma_start3A_195 = arith.constant 0 : i32
    %dma_start3A_196 = arith.constant 0 : i32
    %dma_start3A_197 = tpu.memref_slice %arg9[%dma_start3A_191, %dma_start3A_194, %dma_start3A_195, %dma_start3A_196] : memref<2x2x2x4096xf32, #tpu.memory_space<vmem>> -> memref<1x2x2x4096xf32, #tpu.memory_space<vmem>>
    %dma_start3A_198 = tpu.memref_squeeze %dma_start3A_197 : memref<1x2x2x4096xf32, #tpu.memory_space<vmem>> -> memref<2x2x4096xf32, #tpu.memory_space<vmem>>
    %dma_start3A_199 = arith.constant 0 : i32
    %dma_start3A_200 = arith.constant 0 : i32
    %dma_start3A_201 = tpu.memref_slice %dma_start3A_198[%dma_start3A_192, %dma_start3A_199, %dma_start3A_200] : memref<2x2x4096xf32, #tpu.memory_space<vmem>> -> memref<1x2x4096xf32, #tpu.memory_space<vmem>>
    %dma_start3A_202 = tpu.memref_squeeze %dma_start3A_201 : memref<1x2x4096xf32, #tpu.memory_space<vmem>> -> memref<2x4096xf32, #tpu.memory_space<vmem>>
    %dma_start3A_203 = arith.constant 0 : i32
    %dma_start3A_204 = tpu.memref_slice %arg6[%add3A_159, %add3A_161, %dma_start3A_203] : memref<4x64x8192xf32, #tpu.memory_space<hbm>> -> memref<1x2x4096xf32, #tpu.memory_space<hbm>>
    %dma_start3A_205 = tpu.memref_squeeze %dma_start3A_204 : memref<1x2x4096xf32, #tpu.memory_space<hbm>> -> memref<2x4096xf32, #tpu.memory_space<hbm>>
    %dma_start3A_206 = tpu.memref_slice %arg12[%dma_start3A_193] : memref<2x!tpu.dma_semaphore, #tpu.memory_space<semaphore_mem>> -> memref<1x!tpu.dma_semaphore, #tpu.memory_space<semaphore_mem>>
    %dma_start3A_207 = tpu.memref_squeeze %dma_start3A_206 : memref<1x!tpu.dma_semaphore, #tpu.memory_space<semaphore_mem>> -> memref<!tpu.dma_semaphore, #tpu.memory_space<semaphore_mem>>
    %dma_start3A_208 = arith.constant 0 : i32
    %dma_start3A_209 = tpu.memref_slice %arg6[%add3A_159, %add3A_161, %dma_start3A_208] : memref<4x64x8192xf32, #tpu.memory_space<hbm>> -> memref<1x2x4096xf32, #tpu.memory_space<hbm>>
    %dma_start3A_210 = tpu.memref_squeeze %dma_start3A_209 : memref<1x2x4096xf32, #tpu.memory_space<hbm>> -> memref<2x4096xf32, #tpu.memory_space<hbm>>
    %dma_start3A_211 = arith.constant 0 : i32
    %dma_start3A_212 = arith.constant 0 : i32
    %dma_start3A_213 = arith.constant 0 : i32
    %dma_start3A_214 = tpu.memref_slice %arg9[%dma_start3A_191, %dma_start3A_211, %dma_start3A_212, %dma_start3A_213] : memref<2x2x2x4096xf32, #tpu.memory_space<vmem>> -> memref<1x2x2x4096xf32, #tpu.memory_space<vmem>>
    %dma_start3A_215 = tpu.memref_squeeze %dma_start3A_214 : memref<1x2x2x4096xf32, #tpu.memory_space<vmem>> -> memref<2x2x4096xf32, #tpu.memory_space<vmem>>
    %dma_start3A_216 = arith.constant 0 : i32
    %dma_start3A_217 = arith.constant 0 : i32
    %dma_start3A_218 = tpu.memref_slice %dma_start3A_215[%dma_start3A_192, %dma_start3A_216, %dma_start3A_217] : memref<2x2x4096xf32, #tpu.memory_space<vmem>> -> memref<1x2x4096xf32, #tpu.memory_space<vmem>>
    %dma_start3A_219 = tpu.memref_squeeze %dma_start3A_218 : memref<1x2x4096xf32, #tpu.memory_space<vmem>> -> memref<2x4096xf32, #tpu.memory_space<vmem>>
    tpu.enqueue_dma source(%dma_start3A_219 : memref<2x4096xf32, #tpu.memory_space<vmem>>) target(%dma_start3A_210 : memref<2x4096xf32, #tpu.memory_space<hbm>>) target_semaphore(%dma_start3A_207 : memref<!tpu.dma_semaphore, #tpu.memory_space<semaphore_mem>>)
    %add3A_220 = arith.constant 32 : i32
    %add3A_221 = arith.addi %add3A_220, %mul3A_32 : i32
    %dma_start3A_222 = arith.constant 0 : i32
    %dma_start3A_223 = arith.constant 0 : i32
    %dma_start3A_224 = arith.constant 0 : i32
    %dma_start3A_225 = arith.constant 0 : i32
    %dma_start3A_226 = arith.constant 0 : i32
    %dma_start3A_227 = arith.constant 0 : i32
    %dma_start3A_228 = tpu.memref_slice %arg9[%dma_start3A_222, %dma_start3A_225, %dma_start3A_226, %dma_start3A_227] : memref<2x2x2x4096xf32, #tpu.memory_space<vmem>> -> memref<1x2x2x4096xf32, #tpu.memory_space<vmem>>
    %dma_start3A_229 = tpu.memref_squeeze %dma_start3A_228 : memref<1x2x2x4096xf32, #tpu.memory_space<vmem>> -> memref<2x2x4096xf32, #tpu.memory_space<vmem>>
    %dma_start3A_230 = arith.constant 0 : i32
    %dma_start3A_231 = arith.constant 0 : i32
    %dma_start3A_232 = tpu.memref_slice %dma_start3A_229[%dma_start3A_223, %dma_start3A_230, %dma_start3A_231] : memref<2x2x4096xf32, #tpu.memory_space<vmem>> -> memref<1x2x4096xf32, #tpu.memory_space<vmem>>
    %dma_start3A_233 = tpu.memref_squeeze %dma_start3A_232 : memref<1x2x4096xf32, #tpu.memory_space<vmem>> -> memref<2x4096xf32, #tpu.memory_space<vmem>>
    %dma_start3A_234 = arith.constant 0 : i32
    %dma_start3A_235 = tpu.memref_slice %arg5[%add3A_159, %add3A_221, %dma_start3A_234] : memref<4x64x8192xf32, #tpu.memory_space<hbm>> -> memref<1x2x4096xf32, #tpu.memory_space<hbm>>
    %dma_start3A_236 = tpu.memref_squeeze %dma_start3A_235 : memref<1x2x4096xf32, #tpu.memory_space<hbm>> -> memref<2x4096xf32, #tpu.memory_space<hbm>>
    %dma_start3A_237 = tpu.memref_slice %arg12[%dma_start3A_224] : memref<2x!tpu.dma_semaphore, #tpu.memory_space<semaphore_mem>> -> memref<1x!tpu.dma_semaphore, #tpu.memory_space<semaphore_mem>>
    %dma_start3A_238 = tpu.memref_squeeze %dma_start3A_237 : memref<1x!tpu.dma_semaphore, #tpu.memory_space<semaphore_mem>> -> memref<!tpu.dma_semaphore, #tpu.memory_space<semaphore_mem>>
    %dma_start3A_239 = arith.constant 0 : i32
    %dma_start3A_240 = tpu.memref_slice %arg5[%add3A_159, %add3A_221, %dma_start3A_239] : memref<4x64x8192xf32, #tpu.memory_space<hbm>> -> memref<1x2x4096xf32, #tpu.memory_space<hbm>>
    %dma_start3A_241 = tpu.memref_squeeze %dma_start3A_240 : memref<1x2x4096xf32, #tpu.memory_space<hbm>> -> memref<2x4096xf32, #tpu.memory_space<hbm>>
    %dma_start3A_242 = arith.constant 0 : i32
    %dma_start3A_243 = arith.constant 0 : i32
    %dma_start3A_244 = arith.constant 0 : i32
    %dma_start3A_245 = tpu.memref_slice %arg9[%dma_start3A_222, %dma_start3A_242, %dma_start3A_243, %dma_start3A_244] : memref<2x2x2x4096xf32, #tpu.memory_space<vmem>> -> memref<1x2x2x4096xf32, #tpu.memory_space<vmem>>
    %dma_start3A_246 = tpu.memref_squeeze %dma_start3A_245 : memref<1x2x2x4096xf32, #tpu.memory_space<vmem>> -> memref<2x2x4096xf32, #tpu.memory_space<vmem>>
    %dma_start3A_247 = arith.constant 0 : i32
    %dma_start3A_248 = arith.constant 0 : i32
    %dma_start3A_249 = tpu.memref_slice %dma_start3A_246[%dma_start3A_223, %dma_start3A_247, %dma_start3A_248] : memref<2x2x4096xf32, #tpu.memory_space<vmem>> -> memref<1x2x4096xf32, #tpu.memory_space<vmem>>
    %dma_start3A_250 = tpu.memref_squeeze %dma_start3A_249 : memref<1x2x4096xf32, #tpu.memory_space<vmem>> -> memref<2x4096xf32, #tpu.memory_space<vmem>>
    tpu.enqueue_dma source(%dma_start3A_250 : memref<2x4096xf32, #tpu.memory_space<vmem>>) target(%dma_start3A_241 : memref<2x4096xf32, #tpu.memory_space<hbm>>) target_semaphore(%dma_start3A_238 : memref<!tpu.dma_semaphore, #tpu.memory_space<semaphore_mem>>)
    %dma_start3A_251 = arith.constant 0 : i32
    %dma_start3A_252 = arith.constant 1 : i32
    %dma_start3A_253 = arith.constant 0 : i32
    %dma_start3A_254 = arith.constant 0 : i32
    %dma_start3A_255 = arith.constant 0 : i32
    %dma_start3A_256 = arith.constant 0 : i32
    %dma_start3A_257 = tpu.memref_slice %arg9[%dma_start3A_251, %dma_start3A_254, %dma_start3A_255, %dma_start3A_256] : memref<2x2x2x4096xf32, #tpu.memory_space<vmem>> -> memref<1x2x2x4096xf32, #tpu.memory_space<vmem>>
    %dma_start3A_258 = tpu.memref_squeeze %dma_start3A_257 : memref<1x2x2x4096xf32, #tpu.memory_space<vmem>> -> memref<2x2x4096xf32, #tpu.memory_space<vmem>>
    %dma_start3A_259 = arith.constant 0 : i32
    %dma_start3A_260 = arith.constant 0 : i32
    %dma_start3A_261 = tpu.memref_slice %dma_start3A_258[%dma_start3A_252, %dma_start3A_259, %dma_start3A_260] : memref<2x2x4096xf32, #tpu.memory_space<vmem>> -> memref<1x2x4096xf32, #tpu.memory_space<vmem>>
    %dma_start3A_262 = tpu.memref_squeeze %dma_start3A_261 : memref<1x2x4096xf32, #tpu.memory_space<vmem>> -> memref<2x4096xf32, #tpu.memory_space<vmem>>
    %dma_start3A_263 = arith.constant 0 : i32
    %dma_start3A_264 = tpu.memref_slice %arg6[%add3A_159, %add3A_221, %dma_start3A_263] : memref<4x64x8192xf32, #tpu.memory_space<hbm>> -> memref<1x2x4096xf32, #tpu.memory_space<hbm>>
    %dma_start3A_265 = tpu.memref_squeeze %dma_start3A_264 : memref<1x2x4096xf32, #tpu.memory_space<hbm>> -> memref<2x4096xf32, #tpu.memory_space<hbm>>
    %dma_start3A_266 = tpu.memref_slice %arg12[%dma_start3A_253] : memref<2x!tpu.dma_semaphore, #tpu.memory_space<semaphore_mem>> -> memref<1x!tpu.dma_semaphore, #tpu.memory_space<semaphore_mem>>
    %dma_start3A_267 = tpu.memref_squeeze %dma_start3A_266 : memref<1x!tpu.dma_semaphore, #tpu.memory_space<semaphore_mem>> -> memref<!tpu.dma_semaphore, #tpu.memory_space<semaphore_mem>>
    %dma_start3A_268 = arith.constant 0 : i32
    %dma_start3A_269 = tpu.memref_slice %arg6[%add3A_159, %add3A_221, %dma_start3A_268] : memref<4x64x8192xf32, #tpu.memory_space<hbm>> -> memref<1x2x4096xf32, #tpu.memory_space<hbm>>
    %dma_start3A_270 = tpu.memref_squeeze %dma_start3A_269 : memref<1x2x4096xf32, #tpu.memory_space<hbm>> -> memref<2x4096xf32, #tpu.memory_space<hbm>>
    %dma_start3A_271 = arith.constant 0 : i32
    %dma_start3A_272 = arith.constant 0 : i32
    %dma_start3A_273 = arith.constant 0 : i32
    %dma_start3A_274 = tpu.memref_slice %arg9[%dma_start3A_251, %dma_start3A_271, %dma_start3A_272, %dma_start3A_273] : memref<2x2x2x4096xf32, #tpu.memory_space<vmem>> -> memref<1x2x2x4096xf32, #tpu.memory_space<vmem>>
    %dma_start3A_275 = tpu.memref_squeeze %dma_start3A_274 : memref<1x2x2x4096xf32, #tpu.memory_space<vmem>> -> memref<2x2x4096xf32, #tpu.memory_space<vmem>>
    %dma_start3A_276 = arith.constant 0 : i32
    %dma_start3A_277 = arith.constant 0 : i32
    %dma_start3A_278 = tpu.memref_slice %dma_start3A_275[%dma_start3A_252, %dma_start3A_276, %dma_start3A_277] : memref<2x2x4096xf32, #tpu.memory_space<vmem>> -> memref<1x2x4096xf32, #tpu.memory_space<vmem>>
    %dma_start3A_279 = tpu.memref_squeeze %dma_start3A_278 : memref<1x2x4096xf32, #tpu.memory_space<vmem>> -> memref<2x4096xf32, #tpu.memory_space<vmem>>
    tpu.enqueue_dma source(%dma_start3A_279 : memref<2x4096xf32, #tpu.memory_space<vmem>>) target(%dma_start3A_270 : memref<2x4096xf32, #tpu.memory_space<hbm>>) target_semaphore(%dma_start3A_267 : memref<!tpu.dma_semaphore, #tpu.memory_space<semaphore_mem>>)
    %parallel_loop3A_280 = arith.constant 0 : i32
    %parallel_loop3A_281 = arith.constant 256 : i32
    %parallel_loop3A_282 = arith.constant 1 : i32
    %parallel_loop3A_283 = arith.constant 1 : i32
    scf.for %parallel_loop3A_1132 = %parallel_loop3A_280 to %parallel_loop3A_281 step %parallel_loop3A_282  : i32 {
      %parallel_loop3A_1133 = arith.constant 16 : i32
      %parallel_loop3A_1134 = arith.muli %parallel_loop3A_1132, %parallel_loop3A_1133 : i32
      %parallel_loop3A_1135 = arith.constant 4096 : i32
      %parallel_loop3A_1136 = arith.addi %parallel_loop3A_1135, %parallel_loop3A_1134 : i32
      %parallel_loop3A_1137 = arith.index_cast %parallel_loop3A_1136 : i32 to index
      %parallel_loop3A_1138 = tpu.vector_load %arg8[%parallel_loop3A_1137] {strides = array<i32>} : memref<16384xi32, #tpu.memory_space<vmem>>, vector<16xi32>,
      %parallel_loop3A_1139 = arith.constant 0 : i32
      %parallel_loop3A_1140 = vector.broadcast %parallel_loop3A_1139 : i32 to vector<16xi32>
      %parallel_loop3A_1141 = arith.addi %parallel_loop3A_1138, %parallel_loop3A_1140 : vector<16xi32>
      %parallel_loop3A_1142 = tpu.vector_load_idx %arg7[%parallel_loop3A_1141] : memref<32768xf32, #tpu.memory_space<vmem>>[vector<16xi32>], vector<16xf32>,
      %parallel_loop3A_1143 = arith.constant 16 : i32
      %parallel_loop3A_1144 = arith.muli %parallel_loop3A_1132, %parallel_loop3A_1143 : i32
      %parallel_loop3A_1145 = arith.constant 0 : i32
      %parallel_loop3A_1146 = arith.constant 0 : i32
      %parallel_loop3A_1147 = arith.constant 0 : i32
      %parallel_loop3A_1148 = arith.constant 0 : i32
      %parallel_loop3A_1149 = arith.constant 0 : i32
      %parallel_loop3A_1150 = tpu.memref_slice %arg9[%parallel_loop3A_283, %parallel_loop3A_1147, %parallel_loop3A_1148, %parallel_loop3A_1149] : memref<2x2x2x4096xf32, #tpu.memory_space<vmem>> -> memref<1x2x2x4096xf32, #tpu.memory_space<vmem>>
      %parallel_loop3A_1151 = tpu.memref_squeeze %parallel_loop3A_1150 : memref<1x2x2x4096xf32, #tpu.memory_space<vmem>> -> memref<2x2x4096xf32, #tpu.memory_space<vmem>>
      %parallel_loop3A_1152 = arith.index_cast %parallel_loop3A_1145 : i32 to index
      %parallel_loop3A_1153 = arith.index_cast %parallel_loop3A_1146 : i32 to index
      %parallel_loop3A_1154 = arith.index_cast %parallel_loop3A_1144 : i32 to index
      %parallel_loop3A_1155 = tpu.vector_load %parallel_loop3A_1151[%parallel_loop3A_1152, %parallel_loop3A_1153, %parallel_loop3A_1154] {strides = array<i32>} : memref<2x2x4096xf32, #tpu.memory_space<vmem>>, vector<16xf32>,
      tpu.vector_store %parallel_loop3A_1151[%parallel_loop3A_1152, %parallel_loop3A_1153, %parallel_loop3A_1154], %parallel_loop3A_1142 {strides = array<i32>} : memref<2x2x4096xf32, #tpu.memory_space<vmem>>, vector<16xf32>,
      %parallel_loop3A_1156 = arith.constant 8192 : i32
      %parallel_loop3A_1157 = vector.broadcast %parallel_loop3A_1156 : i32 to vector<16xi32>
      %parallel_loop3A_1158 = arith.addi %parallel_loop3A_1138, %parallel_loop3A_1157 : vector<16xi32>
      %parallel_loop3A_1159 = tpu.vector_load_idx %arg7[%parallel_loop3A_1158] : memref<32768xf32, #tpu.memory_space<vmem>>[vector<16xi32>], vector<16xf32>,
      %parallel_loop3A_1160 = arith.constant 16 : i32
      %parallel_loop3A_1161 = arith.muli %parallel_loop3A_1132, %parallel_loop3A_1160 : i32
      %parallel_loop3A_1162 = arith.constant 0 : i32
      %parallel_loop3A_1163 = arith.constant 1 : i32
      %parallel_loop3A_1164 = arith.constant 0 : i32
      %parallel_loop3A_1165 = arith.constant 0 : i32
      %parallel_loop3A_1166 = arith.constant 0 : i32
      %parallel_loop3A_1167 = tpu.memref_slice %arg9[%parallel_loop3A_283, %parallel_loop3A_1164, %parallel_loop3A_1165, %parallel_loop3A_1166] : memref<2x2x2x4096xf32, #tpu.memory_space<vmem>> -> memref<1x2x2x4096xf32, #tpu.memory_space<vmem>>
      %parallel_loop3A_1168 = tpu.memref_squeeze %parallel_loop3A_1167 : memref<1x2x2x4096xf32, #tpu.memory_space<vmem>> -> memref<2x2x4096xf32, #tpu.memory_space<vmem>>
      %parallel_loop3A_1169 = arith.index_cast %parallel_loop3A_1162 : i32 to index
      %parallel_loop3A_1170 = arith.index_cast %parallel_loop3A_1163 : i32 to index
      %parallel_loop3A_1171 = arith.index_cast %parallel_loop3A_1161 : i32 to index
      %parallel_loop3A_1172 = tpu.vector_load %parallel_loop3A_1168[%parallel_loop3A_1169, %parallel_loop3A_1170, %parallel_loop3A_1171] {strides = array<i32>} : memref<2x2x4096xf32, #tpu.memory_space<vmem>>, vector<16xf32>,
      tpu.vector_store %parallel_loop3A_1168[%parallel_loop3A_1169, %parallel_loop3A_1170, %parallel_loop3A_1171], %parallel_loop3A_1159 {strides = array<i32>} : memref<2x2x4096xf32, #tpu.memory_space<vmem>>, vector<16xf32>,
      %parallel_loop3A_1173 = arith.constant 16384 : i32
      %parallel_loop3A_1174 = vector.broadcast %parallel_loop3A_1173 : i32 to vector<16xi32>
      %parallel_loop3A_1175 = arith.addi %parallel_loop3A_1138, %parallel_loop3A_1174 : vector<16xi32>
      %parallel_loop3A_1176 = tpu.vector_load_idx %arg7[%parallel_loop3A_1175] : memref<32768xf32, #tpu.memory_space<vmem>>[vector<16xi32>], vector<16xf32>,
      %parallel_loop3A_1177 = arith.constant 16 : i32
      %parallel_loop3A_1178 = arith.muli %parallel_loop3A_1132, %parallel_loop3A_1177 : i32
      %parallel_loop3A_1179 = arith.constant 1 : i32
      %parallel_loop3A_1180 = arith.constant 0 : i32
      %parallel_loop3A_1181 = arith.constant 0 : i32
      %parallel_loop3A_1182 = arith.constant 0 : i32
      %parallel_loop3A_1183 = arith.constant 0 : i32
      %parallel_loop3A_1184 = tpu.memref_slice %arg9[%parallel_loop3A_283, %parallel_loop3A_1181, %parallel_loop3A_1182, %parallel_loop3A_1183] : memref<2x2x2x4096xf32, #tpu.memory_space<vmem>> -> memref<1x2x2x4096xf32, #tpu.memory_space<vmem>>
      %parallel_loop3A_1185 = tpu.memref_squeeze %parallel_loop3A_1184 : memref<1x2x2x4096xf32, #tpu.memory_space<vmem>> -> memref<2x2x4096xf32, #tpu.memory_space<vmem>>
      %parallel_loop3A_1186 = arith.index_cast %parallel_loop3A_1179 : i32 to index
      %parallel_loop3A_1187 = arith.index_cast %parallel_loop3A_1180 : i32 to index
      %parallel_loop3A_1188 = arith.index_cast %parallel_loop3A_1178 : i32 to index
      %parallel_loop3A_1189 = tpu.vector_load %parallel_loop3A_1185[%parallel_loop3A_1186, %parallel_loop3A_1187, %parallel_loop3A_1188] {strides = array<i32>} : memref<2x2x4096xf32, #tpu.memory_space<vmem>>, vector<16xf32>,
      tpu.vector_store %parallel_loop3A_1185[%parallel_loop3A_1186, %parallel_loop3A_1187, %parallel_loop3A_1188], %parallel_loop3A_1176 {strides = array<i32>} : memref<2x2x4096xf32, #tpu.memory_space<vmem>>, vector<16xf32>,
      %parallel_loop3A_1190 = arith.constant 24576 : i32
      %parallel_loop3A_1191 = vector.broadcast %parallel_loop3A_1190 : i32 to vector<16xi32>
      %parallel_loop3A_1192 = arith.addi %parallel_loop3A_1138, %parallel_loop3A_1191 : vector<16xi32>
      %parallel_loop3A_1193 = tpu.vector_load_idx %arg7[%parallel_loop3A_1192] : memref<32768xf32, #tpu.memory_space<vmem>>[vector<16xi32>], vector<16xf32>,
      %parallel_loop3A_1194 = arith.constant 16 : i32
      %parallel_loop3A_1195 = arith.muli %parallel_loop3A_1132, %parallel_loop3A_1194 : i32
      %parallel_loop3A_1196 = arith.constant 1 : i32
      %parallel_loop3A_1197 = arith.constant 1 : i32
      %parallel_loop3A_1198 = arith.constant 0 : i32
      %parallel_loop3A_1199 = arith.constant 0 : i32
      %parallel_loop3A_1200 = arith.constant 0 : i32
      %parallel_loop3A_1201 = tpu.memref_slice %arg9[%parallel_loop3A_283, %parallel_loop3A_1198, %parallel_loop3A_1199, %parallel_loop3A_1200] : memref<2x2x2x4096xf32, #tpu.memory_space<vmem>> -> memref<1x2x2x4096xf32, #tpu.memory_space<vmem>>
      %parallel_loop3A_1202 = tpu.memref_squeeze %parallel_loop3A_1201 : memref<1x2x2x4096xf32, #tpu.memory_space<vmem>> -> memref<2x2x4096xf32, #tpu.memory_space<vmem>>
      %parallel_loop3A_1203 = arith.index_cast %parallel_loop3A_1196 : i32 to index
      %parallel_loop3A_1204 = arith.index_cast %parallel_loop3A_1197 : i32 to index
      %parallel_loop3A_1205 = arith.index_cast %parallel_loop3A_1195 : i32 to index
      %parallel_loop3A_1206 = tpu.vector_load %parallel_loop3A_1202[%parallel_loop3A_1203, %parallel_loop3A_1204, %parallel_loop3A_1205] {strides = array<i32>} : memref<2x2x4096xf32, #tpu.memory_space<vmem>>, vector<16xf32>,
      tpu.vector_store %parallel_loop3A_1202[%parallel_loop3A_1203, %parallel_loop3A_1204, %parallel_loop3A_1205], %parallel_loop3A_1193 {strides = array<i32>} : memref<2x2x4096xf32, #tpu.memory_space<vmem>>, vector<16xf32>,
    } {sc.loop_unroll_factor = 4 : i64, sc.parallel_access}
    %add3A_284 = arith.constant 0 : i32
    %add3A_285 = arith.addi %mul3A_34, %add3A_284 : i32
    %add3A_286 = arith.constant 0 : i32
    %add3A_287 = arith.addi %add3A_286, %mul3A_32 : i32
    %dma_start3A_288 = arith.constant 1 : i32
    %dma_start3A_289 = arith.constant 0 : i32
    %dma_start3A_290 = arith.constant 1 : i32
    %dma_start3A_291 = arith.constant 0 : i32
    %dma_start3A_292 = arith.constant 0 : i32
    %dma_start3A_293 = arith.constant 0 : i32
    %dma_start3A_294 = tpu.memref_slice %arg9[%dma_start3A_288, %dma_start3A_291, %dma_start3A_292, %dma_start3A_293] : memref<2x2x2x4096xf32, #tpu.memory_space<vmem>> -> memref<1x2x2x4096xf32, #tpu.memory_space<vmem>>
    %dma_start3A_295 = tpu.memref_squeeze %dma_start3A_294 : memref<1x2x2x4096xf32, #tpu.memory_space<vmem>> -> memref<2x2x4096xf32, #tpu.memory_space<vmem>>
    %dma_start3A_296 = arith.constant 0 : i32
    %dma_start3A_297 = arith.constant 0 : i32
    %dma_start3A_298 = tpu.memref_slice %dma_start3A_295[%dma_start3A_289, %dma_start3A_296, %dma_start3A_297] : memref<2x2x4096xf32, #tpu.memory_space<vmem>> -> memref<1x2x4096xf32, #tpu.memory_space<vmem>>
    %dma_start3A_299 = tpu.memref_squeeze %dma_start3A_298 : memref<1x2x4096xf32, #tpu.memory_space<vmem>> -> memref<2x4096xf32, #tpu.memory_space<vmem>>
    %dma_start3A_300 = arith.constant 4096 : i32
    %dma_start3A_301 = tpu.memref_slice %arg5[%add3A_285, %add3A_287, %dma_start3A_300] : memref<4x64x8192xf32, #tpu.memory_space<hbm>> -> memref<1x2x4096xf32, #tpu.memory_space<hbm>>
    %dma_start3A_302 = tpu.memref_squeeze %dma_start3A_301 : memref<1x2x4096xf32, #tpu.memory_space<hbm>> -> memref<2x4096xf32, #tpu.memory_space<hbm>>
    %dma_start3A_303 = tpu.memref_slice %arg12[%dma_start3A_290] : memref<2x!tpu.dma_semaphore, #tpu.memory_space<semaphore_mem>> -> memref<1x!tpu.dma_semaphore, #tpu.memory_space<semaphore_mem>>
    %dma_start3A_304 = tpu.memref_squeeze %dma_start3A_303 : memref<1x!tpu.dma_semaphore, #tpu.memory_space<semaphore_mem>> -> memref<!tpu.dma_semaphore, #tpu.memory_space<semaphore_mem>>
    %dma_start3A_305 = arith.constant 4096 : i32
    %dma_start3A_306 = tpu.memref_slice %arg5[%add3A_285, %add3A_287, %dma_start3A_305] : memref<4x64x8192xf32, #tpu.memory_space<hbm>> -> memref<1x2x4096xf32, #tpu.memory_space<hbm>>
    %dma_start3A_307 = tpu.memref_squeeze %dma_start3A_306 : memref<1x2x4096xf32, #tpu.memory_space<hbm>> -> memref<2x4096xf32, #tpu.memory_space<hbm>>
    %dma_start3A_308 = arith.constant 0 : i32
    %dma_start3A_309 = arith.constant 0 : i32
    %dma_start3A_310 = arith.constant 0 : i32
    %dma_start3A_311 = tpu.memref_slice %arg9[%dma_start3A_288, %dma_start3A_308, %dma_start3A_309, %dma_start3A_310] : memref<2x2x2x4096xf32, #tpu.memory_space<vmem>> -> memref<1x2x2x4096xf32, #tpu.memory_space<vmem>>
    %dma_start3A_312 = tpu.memref_squeeze %dma_start3A_311 : memref<1x2x2x4096xf32, #tpu.memory_space<vmem>> -> memref<2x2x4096xf32, #tpu.memory_space<vmem>>
    %dma_start3A_313 = arith.constant 0 : i32
    %dma_start3A_314 = arith.constant 0 : i32
    %dma_start3A_315 = tpu.memref_slice %dma_start3A_312[%dma_start3A_289, %dma_start3A_313, %dma_start3A_314] : memref<2x2x4096xf32, #tpu.memory_space<vmem>> -> memref<1x2x4096xf32, #tpu.memory_space<vmem>>
    %dma_start3A_316 = tpu.memref_squeeze %dma_start3A_315 : memref<1x2x4096xf32, #tpu.memory_space<vmem>> -> memref<2x4096xf32, #tpu.memory_space<vmem>>
    tpu.enqueue_dma source(%dma_start3A_316 : memref<2x4096xf32, #tpu.memory_space<vmem>>) target(%dma_start3A_307 : memref<2x4096xf32, #tpu.memory_space<hbm>>) target_semaphore(%dma_start3A_304 : memref<!tpu.dma_semaphore, #tpu.memory_space<semaphore_mem>>)
    %dma_start3A_317 = arith.constant 1 : i32
    %dma_start3A_318 = arith.constant 1 : i32
    %dma_start3A_319 = arith.constant 1 : i32
    %dma_start3A_320 = arith.constant 0 : i32
    %dma_start3A_321 = arith.constant 0 : i32
    %dma_start3A_322 = arith.constant 0 : i32
    %dma_start3A_323 = tpu.memref_slice %arg9[%dma_start3A_317, %dma_start3A_320, %dma_start3A_321, %dma_start3A_322] : memref<2x2x2x4096xf32, #tpu.memory_space<vmem>> -> memref<1x2x2x4096xf32, #tpu.memory_space<vmem>>
    %dma_start3A_324 = tpu.memref_squeeze %dma_start3A_323 : memref<1x2x2x4096xf32, #tpu.memory_space<vmem>> -> memref<2x2x4096xf32, #tpu.memory_space<vmem>>
    %dma_start3A_325 = arith.constant 0 : i32
    %dma_start3A_326 = arith.constant 0 : i32
    %dma_start3A_327 = tpu.memref_slice %dma_start3A_324[%dma_start3A_318, %dma_start3A_325, %dma_start3A_326] : memref<2x2x4096xf32, #tpu.memory_space<vmem>> -> memref<1x2x4096xf32, #tpu.memory_space<vmem>>
    %dma_start3A_328 = tpu.memref_squeeze %dma_start3A_327 : memref<1x2x4096xf32, #tpu.memory_space<vmem>> -> memref<2x4096xf32, #tpu.memory_space<vmem>>
    %dma_start3A_329 = arith.constant 4096 : i32
    %dma_start3A_330 = tpu.memref_slice %arg6[%add3A_285, %add3A_287, %dma_start3A_329] : memref<4x64x8192xf32, #tpu.memory_space<hbm>> -> memref<1x2x4096xf32, #tpu.memory_space<hbm>>
    %dma_start3A_331 = tpu.memref_squeeze %dma_start3A_330 : memref<1x2x4096xf32, #tpu.memory_space<hbm>> -> memref<2x4096xf32, #tpu.memory_space<hbm>>
    %dma_start3A_332 = tpu.memref_slice %arg12[%dma_start3A_319] : memref<2x!tpu.dma_semaphore, #tpu.memory_space<semaphore_mem>> -> memref<1x!tpu.dma_semaphore, #tpu.memory_space<semaphore_mem>>
    %dma_start3A_333 = tpu.memref_squeeze %dma_start3A_332 : memref<1x!tpu.dma_semaphore, #tpu.memory_space<semaphore_mem>> -> memref<!tpu.dma_semaphore, #tpu.memory_space<semaphore_mem>>
    %dma_start3A_334 = arith.constant 4096 : i32
    %dma_start3A_335 = tpu.memref_slice %arg6[%add3A_285, %add3A_287, %dma_start3A_334] : memref<4x64x8192xf32, #tpu.memory_space<hbm>> -> memref<1x2x4096xf32, #tpu.memory_space<hbm>>
    %dma_start3A_336 = tpu.memref_squeeze %dma_start3A_335 : memref<1x2x4096xf32, #tpu.memory_space<hbm>> -> memref<2x4096xf32, #tpu.memory_space<hbm>>
    %dma_start3A_337 = arith.constant 0 : i32
    %dma_start3A_338 = arith.constant 0 : i32
    %dma_start3A_339 = arith.constant 0 : i32
    %dma_start3A_340 = tpu.memref_slice %arg9[%dma_start3A_317, %dma_start3A_337, %dma_start3A_338, %dma_start3A_339] : memref<2x2x2x4096xf32, #tpu.memory_space<vmem>> -> memref<1x2x2x4096xf32, #tpu.memory_space<vmem>>
    %dma_start3A_341 = tpu.memref_squeeze %dma_start3A_340 : memref<1x2x2x4096xf32, #tpu.memory_space<vmem>> -> memref<2x2x4096xf32, #tpu.memory_space<vmem>>
    %dma_start3A_342 = arith.constant 0 : i32
    %dma_start3A_343 = arith.constant 0 : i32
    %dma_start3A_344 = tpu.memref_slice %dma_start3A_341[%dma_start3A_318, %dma_start3A_342, %dma_start3A_343] : memref<2x2x4096xf32, #tpu.memory_space<vmem>> -> memref<1x2x4096xf32, #tpu.memory_space<vmem>>
    %dma_start3A_345 = tpu.memref_squeeze %dma_start3A_344 : memref<1x2x4096xf32, #tpu.memory_space<vmem>> -> memref<2x4096xf32, #tpu.memory_space<vmem>>
    tpu.enqueue_dma source(%dma_start3A_345 : memref<2x4096xf32, #tpu.memory_space<vmem>>) target(%dma_start3A_336 : memref<2x4096xf32, #tpu.memory_space<hbm>>) target_semaphore(%dma_start3A_333 : memref<!tpu.dma_semaphore, #tpu.memory_space<semaphore_mem>>)
    %add3A_346 = arith.constant 32 : i32
    %add3A_347 = arith.addi %add3A_346, %mul3A_32 : i32
    %dma_start3A_348 = arith.constant 1 : i32
    %dma_start3A_349 = arith.constant 0 : i32
    %dma_start3A_350 = arith.constant 1 : i32
    %dma_start3A_351 = arith.constant 0 : i32
    %dma_start3A_352 = arith.constant 0 : i32
    %dma_start3A_353 = arith.constant 0 : i32
    %dma_start3A_354 = tpu.memref_slice %arg9[%dma_start3A_348, %dma_start3A_351, %dma_start3A_352, %dma_start3A_353] : memref<2x2x2x4096xf32, #tpu.memory_space<vmem>> -> memref<1x2x2x4096xf32, #tpu.memory_space<vmem>>
    %dma_start3A_355 = tpu.memref_squeeze %dma_start3A_354 : memref<1x2x2x4096xf32, #tpu.memory_space<vmem>> -> memref<2x2x4096xf32, #tpu.memory_space<vmem>>
    %dma_start3A_356 = arith.constant 0 : i32
    %dma_start3A_357 = arith.constant 0 : i32
    %dma_start3A_358 = tpu.memref_slice %dma_start3A_355[%dma_start3A_349, %dma_start3A_356, %dma_start3A_357] : memref<2x2x4096xf32, #tpu.memory_space<vmem>> -> memref<1x2x4096xf32, #tpu.memory_space<vmem>>
    %dma_start3A_359 = tpu.memref_squeeze %dma_start3A_358 : memref<1x2x4096xf32, #tpu.memory_space<vmem>> -> memref<2x4096xf32, #tpu.memory_space<vmem>>
    %dma_start3A_360 = arith.constant 4096 : i32
    %dma_start3A_361 = tpu.memref_slice %arg5[%add3A_285, %add3A_347, %dma_start3A_360] : memref<4x64x8192xf32, #tpu.memory_space<hbm>> -> memref<1x2x4096xf32, #tpu.memory_space<hbm>>
    %dma_start3A_362 = tpu.memref_squeeze %dma_start3A_361 : memref<1x2x4096xf32, #tpu.memory_space<hbm>> -> memref<2x4096xf32, #tpu.memory_space<hbm>>
    %dma_start3A_363 = tpu.memref_slice %arg12[%dma_start3A_350] : memref<2x!tpu.dma_semaphore, #tpu.memory_space<semaphore_mem>> -> memref<1x!tpu.dma_semaphore, #tpu.memory_space<semaphore_mem>>
    %dma_start3A_364 = tpu.memref_squeeze %dma_start3A_363 : memref<1x!tpu.dma_semaphore, #tpu.memory_space<semaphore_mem>> -> memref<!tpu.dma_semaphore, #tpu.memory_space<semaphore_mem>>
    %dma_start3A_365 = arith.constant 4096 : i32
    %dma_start3A_366 = tpu.memref_slice %arg5[%add3A_285, %add3A_347, %dma_start3A_365] : memref<4x64x8192xf32, #tpu.memory_space<hbm>> -> memref<1x2x4096xf32, #tpu.memory_space<hbm>>
    %dma_start3A_367 = tpu.memref_squeeze %dma_start3A_366 : memref<1x2x4096xf32, #tpu.memory_space<hbm>> -> memref<2x4096xf32, #tpu.memory_space<hbm>>
    %dma_start3A_368 = arith.constant 0 : i32
    %dma_start3A_369 = arith.constant 0 : i32
    %dma_start3A_370 = arith.constant 0 : i32
    %dma_start3A_371 = tpu.memref_slice %arg9[%dma_start3A_348, %dma_start3A_368, %dma_start3A_369, %dma_start3A_370] : memref<2x2x2x4096xf32, #tpu.memory_space<vmem>> -> memref<1x2x2x4096xf32, #tpu.memory_space<vmem>>
    %dma_start3A_372 = tpu.memref_squeeze %dma_start3A_371 : memref<1x2x2x4096xf32, #tpu.memory_space<vmem>> -> memref<2x2x4096xf32, #tpu.memory_space<vmem>>
    %dma_start3A_373 = arith.constant 0 : i32
    %dma_start3A_374 = arith.constant 0 : i32
    %dma_start3A_375 = tpu.memref_slice %dma_start3A_372[%dma_start3A_349, %dma_start3A_373, %dma_start3A_374] : memref<2x2x4096xf32, #tpu.memory_space<vmem>> -> memref<1x2x4096xf32, #tpu.memory_space<vmem>>
    %dma_start3A_376 = tpu.memref_squeeze %dma_start3A_375 : memref<1x2x4096xf32, #tpu.memory_space<vmem>> -> memref<2x4096xf32, #tpu.memory_space<vmem>>
    tpu.enqueue_dma source(%dma_start3A_376 : memref<2x4096xf32, #tpu.memory_space<vmem>>) target(%dma_start3A_367 : memref<2x4096xf32, #tpu.memory_space<hbm>>) target_semaphore(%dma_start3A_364 : memref<!tpu.dma_semaphore, #tpu.memory_space<semaphore_mem>>)
    %dma_start3A_377 = arith.constant 1 : i32
    %dma_start3A_378 = arith.constant 1 : i32
    %dma_start3A_379 = arith.constant 1 : i32
    %dma_start3A_380 = arith.constant 0 : i32
    %dma_start3A_381 = arith.constant 0 : i32
    %dma_start3A_382 = arith.constant 0 : i32
    %dma_start3A_383 = tpu.memref_slice %arg9[%dma_start3A_377, %dma_start3A_380, %dma_start3A_381, %dma_start3A_382] : memref<2x2x2x4096xf32, #tpu.memory_space<vmem>> -> memref<1x2x2x4096xf32, #tpu.memory_space<vmem>>
    %dma_start3A_384 = tpu.memref_squeeze %dma_start3A_383 : memref<1x2x2x4096xf32, #tpu.memory_space<vmem>> -> memref<2x2x4096xf32, #tpu.memory_space<vmem>>
    %dma_start3A_385 = arith.constant 0 : i32
    %dma_start3A_386 = arith.constant 0 : i32
    %dma_start3A_387 = tpu.memref_slice %dma_start3A_384[%dma_start3A_378, %dma_start3A_385, %dma_start3A_386] : memref<2x2x4096xf32, #tpu.memory_space<vmem>> -> memref<1x2x4096xf32, #tpu.memory_space<vmem>>
    %dma_start3A_388 = tpu.memref_squeeze %dma_start3A_387 : memref<1x2x4096xf32, #tpu.memory_space<vmem>> -> memref<2x4096xf32, #tpu.memory_space<vmem>>
    %dma_start3A_389 = arith.constant 4096 : i32
    %dma_start3A_390 = tpu.memref_slice %arg6[%add3A_285, %add3A_347, %dma_start3A_389] : memref<4x64x8192xf32, #tpu.memory_space<hbm>> -> memref<1x2x4096xf32, #tpu.memory_space<hbm>>
    %dma_start3A_391 = tpu.memref_squeeze %dma_start3A_390 : memref<1x2x4096xf32, #tpu.memory_space<hbm>> -> memref<2x4096xf32, #tpu.memory_space<hbm>>
    %dma_start3A_392 = tpu.memref_slice %arg12[%dma_start3A_379] : memref<2x!tpu.dma_semaphore, #tpu.memory_space<semaphore_mem>> -> memref<1x!tpu.dma_semaphore, #tpu.memory_space<semaphore_mem>>
    %dma_start3A_393 = tpu.memref_squeeze %dma_start3A_392 : memref<1x!tpu.dma_semaphore, #tpu.memory_space<semaphore_mem>> -> memref<!tpu.dma_semaphore, #tpu.memory_space<semaphore_mem>>
    %dma_start3A_394 = arith.constant 4096 : i32
    %dma_start3A_395 = tpu.memref_slice %arg6[%add3A_285, %add3A_347, %dma_start3A_394] : memref<4x64x8192xf32, #tpu.memory_space<hbm>> -> memref<1x2x4096xf32, #tpu.memory_space<hbm>>
    %dma_start3A_396 = tpu.memref_squeeze %dma_start3A_395 : memref<1x2x4096xf32, #tpu.memory_space<hbm>> -> memref<2x4096xf32, #tpu.memory_space<hbm>>
    %dma_start3A_397 = arith.constant 0 : i32
    %dma_start3A_398 = arith.constant 0 : i32
    %dma_start3A_399 = arith.constant 0 : i32
    %dma_start3A_400 = tpu.memref_slice %arg9[%dma_start3A_377, %dma_start3A_397, %dma_start3A_398, %dma_start3A_399] : memref<2x2x2x4096xf32, #tpu.memory_space<vmem>> -> memref<1x2x2x4096xf32, #tpu.memory_space<vmem>>
    %dma_start3A_401 = tpu.memref_squeeze %dma_start3A_400 : memref<1x2x2x4096xf32, #tpu.memory_space<vmem>> -> memref<2x2x4096xf32, #tpu.memory_space<vmem>>
    %dma_start3A_402 = arith.constant 0 : i32
    %dma_start3A_403 = arith.constant 0 : i32
    %dma_start3A_404 = tpu.memref_slice %dma_start3A_401[%dma_start3A_378, %dma_start3A_402, %dma_start3A_403] : memref<2x2x4096xf32, #tpu.memory_space<vmem>> -> memref<1x2x4096xf32, #tpu.memory_space<vmem>>
    %dma_start3A_405 = tpu.memref_squeeze %dma_start3A_404 : memref<1x2x4096xf32, #tpu.memory_space<vmem>> -> memref<2x4096xf32, #tpu.memory_space<vmem>>
    tpu.enqueue_dma source(%dma_start3A_405 : memref<2x4096xf32, #tpu.memory_space<vmem>>) target(%dma_start3A_396 : memref<2x4096xf32, #tpu.memory_space<hbm>>) target_semaphore(%dma_start3A_393 : memref<!tpu.dma_semaphore, #tpu.memory_space<semaphore_mem>>)
    %dma_wait3A_406 = arith.constant 8192 : i32
    %dma_wait3A_407 = tpu.memref_slice %arg8[%dma_wait3A_406] : memref<16384xi32, #tpu.memory_space<vmem>> -> memref<8192xi32, #tpu.memory_space<vmem>>
    %dma_wait3A_408 = arith.constant 0 : i32
    %dma_wait3A_409 = tpu.memref_slice %arg4[%add3A_95, %dma_wait3A_408] : memref<4x8192xi32, #tpu.memory_space<hbm>> -> memref<1x8192xi32, #tpu.memory_space<hbm>>
    %dma_wait3A_410 = tpu.memref_squeeze %dma_wait3A_409 : memref<1x8192xi32, #tpu.memory_space<hbm>> -> memref<8192xi32, #tpu.memory_space<hbm>>
    %dma_wait3A_411 = arith.constant 8192 : i32
    %dma_wait3A_412 = tpu.memref_slice %arg8[%dma_wait3A_411] : memref<16384xi32, #tpu.memory_space<vmem>> -> memref<8192xi32, #tpu.memory_space<vmem>>
    %dma_wait3A_413 = arith.constant 0 : i32
    %dma_wait3A_414 = tpu.memref_slice %arg4[%add3A_95, %dma_wait3A_413] : memref<4x8192xi32, #tpu.memory_space<hbm>> -> memref<1x8192xi32, #tpu.memory_space<hbm>>
    %dma_wait3A_415 = tpu.memref_squeeze %dma_wait3A_414 : memref<1x8192xi32, #tpu.memory_space<hbm>> -> memref<8192xi32, #tpu.memory_space<hbm>>
    tpu.wait_dma2 semaphore(%arg11 : memref<!tpu.dma_semaphore, #tpu.memory_space<semaphore_mem>>) src(%dma_wait3A_415 : memref<8192xi32, #tpu.memory_space<hbm>>) dst(%dma_wait3A_412 : memref<8192xi32, #tpu.memory_space<vmem>>)
    %dma_wait3A_416 = arith.constant 0 : i32
    %dma_wait3A_417 = arith.constant 0 : i32
    %dma_wait3A_418 = arith.constant 0 : i32
    %dma_wait3A_419 = arith.constant 0 : i32
    %dma_wait3A_420 = arith.constant 0 : i32
    %dma_wait3A_421 = arith.constant 0 : i32
    %dma_wait3A_422 = tpu.memref_slice %arg9[%dma_wait3A_416, %dma_wait3A_419, %dma_wait3A_420, %dma_wait3A_421] : memref<2x2x2x4096xf32, #tpu.memory_space<vmem>> -> memref<1x2x2x4096xf32, #tpu.memory_space<vmem>>
    %dma_wait3A_423 = tpu.memref_squeeze %dma_wait3A_422 : memref<1x2x2x4096xf32, #tpu.memory_space<vmem>> -> memref<2x2x4096xf32, #tpu.memory_space<vmem>>
    %dma_wait3A_424 = arith.constant 0 : i32
    %dma_wait3A_425 = arith.constant 0 : i32
    %dma_wait3A_426 = tpu.memref_slice %dma_wait3A_423[%dma_wait3A_417, %dma_wait3A_424, %dma_wait3A_425] : memref<2x2x4096xf32, #tpu.memory_space<vmem>> -> memref<1x2x4096xf32, #tpu.memory_space<vmem>>
    %dma_wait3A_427 = tpu.memref_squeeze %dma_wait3A_426 : memref<1x2x4096xf32, #tpu.memory_space<vmem>> -> memref<2x4096xf32, #tpu.memory_space<vmem>>
    %dma_wait3A_428 = arith.constant 0 : i32
    %dma_wait3A_429 = tpu.memref_slice %arg5[%add3A_159, %add3A_161, %dma_wait3A_428] : memref<4x64x8192xf32, #tpu.memory_space<hbm>> -> memref<1x2x4096xf32, #tpu.memory_space<hbm>>
    %dma_wait3A_430 = tpu.memref_squeeze %dma_wait3A_429 : memref<1x2x4096xf32, #tpu.memory_space<hbm>> -> memref<2x4096xf32, #tpu.memory_space<hbm>>
    %dma_wait3A_431 = tpu.memref_slice %arg12[%dma_wait3A_418] : memref<2x!tpu.dma_semaphore, #tpu.memory_space<semaphore_mem>> -> memref<1x!tpu.dma_semaphore, #tpu.memory_space<semaphore_mem>>
    %dma_wait3A_432 = tpu.memref_squeeze %dma_wait3A_431 : memref<1x!tpu.dma_semaphore, #tpu.memory_space<semaphore_mem>> -> memref<!tpu.dma_semaphore, #tpu.memory_space<semaphore_mem>>
    %dma_wait3A_433 = arith.constant 0 : i32
    %dma_wait3A_434 = tpu.memref_slice %arg5[%add3A_159, %add3A_161, %dma_wait3A_433] : memref<4x64x8192xf32, #tpu.memory_space<hbm>> -> memref<1x2x4096xf32, #tpu.memory_space<hbm>>
    %dma_wait3A_435 = tpu.memref_squeeze %dma_wait3A_434 : memref<1x2x4096xf32, #tpu.memory_space<hbm>> -> memref<2x4096xf32, #tpu.memory_space<hbm>>
    %dma_wait3A_436 = arith.constant 0 : i32
    %dma_wait3A_437 = arith.constant 0 : i32
    %dma_wait3A_438 = arith.constant 0 : i32
    %dma_wait3A_439 = tpu.memref_slice %arg9[%dma_wait3A_416, %dma_wait3A_436, %dma_wait3A_437, %dma_wait3A_438] : memref<2x2x2x4096xf32, #tpu.memory_space<vmem>> -> memref<1x2x2x4096xf32, #tpu.memory_space<vmem>>
    %dma_wait3A_440 = tpu.memref_squeeze %dma_wait3A_439 : memref<1x2x2x4096xf32, #tpu.memory_space<vmem>> -> memref<2x2x4096xf32, #tpu.memory_space<vmem>>
    %dma_wait3A_441 = arith.constant 0 : i32
    %dma_wait3A_442 = arith.constant 0 : i32
    %dma_wait3A_443 = tpu.memref_slice %dma_wait3A_440[%dma_wait3A_417, %dma_wait3A_441, %dma_wait3A_442] : memref<2x2x4096xf32, #tpu.memory_space<vmem>> -> memref<1x2x4096xf32, #tpu.memory_space<vmem>>
    %dma_wait3A_444 = tpu.memref_squeeze %dma_wait3A_443 : memref<1x2x4096xf32, #tpu.memory_space<vmem>> -> memref<2x4096xf32, #tpu.memory_space<vmem>>
    tpu.wait_dma2 semaphore(%dma_wait3A_432 : memref<!tpu.dma_semaphore, #tpu.memory_space<semaphore_mem>>) src(%dma_wait3A_444 : memref<2x4096xf32, #tpu.memory_space<vmem>>) dst(%dma_wait3A_435 : memref<2x4096xf32, #tpu.memory_space<hbm>>)
    %dma_wait3A_445 = arith.constant 0 : i32
    %dma_wait3A_446 = arith.constant 1 : i32
    %dma_wait3A_447 = arith.constant 0 : i32
    %dma_wait3A_448 = arith.constant 0 : i32
    %dma_wait3A_449 = arith.constant 0 : i32
    %dma_wait3A_450 = arith.constant 0 : i32
    %dma_wait3A_451 = tpu.memref_slice %arg9[%dma_wait3A_445, %dma_wait3A_448, %dma_wait3A_449, %dma_wait3A_450] : memref<2x2x2x4096xf32, #tpu.memory_space<vmem>> -> memref<1x2x2x4096xf32, #tpu.memory_space<vmem>>
    %dma_wait3A_452 = tpu.memref_squeeze %dma_wait3A_451 : memref<1x2x2x4096xf32, #tpu.memory_space<vmem>> -> memref<2x2x4096xf32, #tpu.memory_space<vmem>>
    %dma_wait3A_453 = arith.constant 0 : i32
    %dma_wait3A_454 = arith.constant 0 : i32
    %dma_wait3A_455 = tpu.memref_slice %dma_wait3A_452[%dma_wait3A_446, %dma_wait3A_453, %dma_wait3A_454] : memref<2x2x4096xf32, #tpu.memory_space<vmem>> -> memref<1x2x4096xf32, #tpu.memory_space<vmem>>
    %dma_wait3A_456 = tpu.memref_squeeze %dma_wait3A_455 : memref<1x2x4096xf32, #tpu.memory_space<vmem>> -> memref<2x4096xf32, #tpu.memory_space<vmem>>
    %dma_wait3A_457 = arith.constant 0 : i32
    %dma_wait3A_458 = tpu.memref_slice %arg6[%add3A_159, %add3A_161, %dma_wait3A_457] : memref<4x64x8192xf32, #tpu.memory_space<hbm>> -> memref<1x2x4096xf32, #tpu.memory_space<hbm>>
    %dma_wait3A_459 = tpu.memref_squeeze %dma_wait3A_458 : memref<1x2x4096xf32, #tpu.memory_space<hbm>> -> memref<2x4096xf32, #tpu.memory_space<hbm>>
    %dma_wait3A_460 = tpu.memref_slice %arg12[%dma_wait3A_447] : memref<2x!tpu.dma_semaphore, #tpu.memory_space<semaphore_mem>> -> memref<1x!tpu.dma_semaphore, #tpu.memory_space<semaphore_mem>>
    %dma_wait3A_461 = tpu.memref_squeeze %dma_wait3A_460 : memref<1x!tpu.dma_semaphore, #tpu.memory_space<semaphore_mem>> -> memref<!tpu.dma_semaphore, #tpu.memory_space<semaphore_mem>>
    %dma_wait3A_462 = arith.constant 0 : i32
    %dma_wait3A_463 = tpu.memref_slice %arg6[%add3A_159, %add3A_161, %dma_wait3A_462] : memref<4x64x8192xf32, #tpu.memory_space<hbm>> -> memref<1x2x4096xf32, #tpu.memory_space<hbm>>
    %dma_wait3A_464 = tpu.memref_squeeze %dma_wait3A_463 : memref<1x2x4096xf32, #tpu.memory_space<hbm>> -> memref<2x4096xf32, #tpu.memory_space<hbm>>
    %dma_wait3A_465 = arith.constant 0 : i32
    %dma_wait3A_466 = arith.constant 0 : i32
    %dma_wait3A_467 = arith.constant 0 : i32
    %dma_wait3A_468 = tpu.memref_slice %arg9[%dma_wait3A_445, %dma_wait3A_465, %dma_wait3A_466, %dma_wait3A_467] : memref<2x2x2x4096xf32, #tpu.memory_space<vmem>> -> memref<1x2x2x4096xf32, #tpu.memory_space<vmem>>
    %dma_wait3A_469 = tpu.memref_squeeze %dma_wait3A_468 : memref<1x2x2x4096xf32, #tpu.memory_space<vmem>> -> memref<2x2x4096xf32, #tpu.memory_space<vmem>>
    %dma_wait3A_470 = arith.constant 0 : i32
    %dma_wait3A_471 = arith.constant 0 : i32
    %dma_wait3A_472 = tpu.memref_slice %dma_wait3A_469[%dma_wait3A_446, %dma_wait3A_470, %dma_wait3A_471] : memref<2x2x4096xf32, #tpu.memory_space<vmem>> -> memref<1x2x4096xf32, #tpu.memory_space<vmem>>
    %dma_wait3A_473 = tpu.memref_squeeze %dma_wait3A_472 : memref<1x2x4096xf32, #tpu.memory_space<vmem>> -> memref<2x4096xf32, #tpu.memory_space<vmem>>
    tpu.wait_dma2 semaphore(%dma_wait3A_461 : memref<!tpu.dma_semaphore, #tpu.memory_space<semaphore_mem>>) src(%dma_wait3A_473 : memref<2x4096xf32, #tpu.memory_space<vmem>>) dst(%dma_wait3A_464 : memref<2x4096xf32, #tpu.memory_space<hbm>>)
    %dma_wait3A_474 = arith.constant 0 : i32
    %dma_wait3A_475 = arith.constant 0 : i32
    %dma_wait3A_476 = arith.constant 0 : i32
    %dma_wait3A_477 = arith.constant 0 : i32
    %dma_wait3A_478 = arith.constant 0 : i32
    %dma_wait3A_479 = arith.constant 0 : i32
    %dma_wait3A_480 = tpu.memref_slice %arg9[%dma_wait3A_474, %dma_wait3A_477, %dma_wait3A_478, %dma_wait3A_479] : memref<2x2x2x4096xf32, #tpu.memory_space<vmem>> -> memref<1x2x2x4096xf32, #tpu.memory_space<vmem>>
    %dma_wait3A_481 = tpu.memref_squeeze %dma_wait3A_480 : memref<1x2x2x4096xf32, #tpu.memory_space<vmem>> -> memref<2x2x4096xf32, #tpu.memory_space<vmem>>
    %dma_wait3A_482 = arith.constant 0 : i32
    %dma_wait3A_483 = arith.constant 0 : i32
    %dma_wait3A_484 = tpu.memref_slice %dma_wait3A_481[%dma_wait3A_475, %dma_wait3A_482, %dma_wait3A_483] : memref<2x2x4096xf32, #tpu.memory_space<vmem>> -> memref<1x2x4096xf32, #tpu.memory_space<vmem>>
    %dma_wait3A_485 = tpu.memref_squeeze %dma_wait3A_484 : memref<1x2x4096xf32, #tpu.memory_space<vmem>> -> memref<2x4096xf32, #tpu.memory_space<vmem>>
    %dma_wait3A_486 = arith.constant 0 : i32
    %dma_wait3A_487 = tpu.memref_slice %arg5[%add3A_159, %add3A_221, %dma_wait3A_486] : memref<4x64x8192xf32, #tpu.memory_space<hbm>> -> memref<1x2x4096xf32, #tpu.memory_space<hbm>>
    %dma_wait3A_488 = tpu.memref_squeeze %dma_wait3A_487 : memref<1x2x4096xf32, #tpu.memory_space<hbm>> -> memref<2x4096xf32, #tpu.memory_space<hbm>>
    %dma_wait3A_489 = tpu.memref_slice %arg12[%dma_wait3A_476] : memref<2x!tpu.dma_semaphore, #tpu.memory_space<semaphore_mem>> -> memref<1x!tpu.dma_semaphore, #tpu.memory_space<semaphore_mem>>
    %dma_wait3A_490 = tpu.memref_squeeze %dma_wait3A_489 : memref<1x!tpu.dma_semaphore, #tpu.memory_space<semaphore_mem>> -> memref<!tpu.dma_semaphore, #tpu.memory_space<semaphore_mem>>
    %dma_wait3A_491 = arith.constant 0 : i32
    %dma_wait3A_492 = tpu.memref_slice %arg5[%add3A_159, %add3A_221, %dma_wait3A_491] : memref<4x64x8192xf32, #tpu.memory_space<hbm>> -> memref<1x2x4096xf32, #tpu.memory_space<hbm>>
    %dma_wait3A_493 = tpu.memref_squeeze %dma_wait3A_492 : memref<1x2x4096xf32, #tpu.memory_space<hbm>> -> memref<2x4096xf32, #tpu.memory_space<hbm>>
    %dma_wait3A_494 = arith.constant 0 : i32
    %dma_wait3A_495 = arith.constant 0 : i32
    %dma_wait3A_496 = arith.constant 0 : i32
    %dma_wait3A_497 = tpu.memref_slice %arg9[%dma_wait3A_474, %dma_wait3A_494, %dma_wait3A_495, %dma_wait3A_496] : memref<2x2x2x4096xf32, #tpu.memory_space<vmem>> -> memref<1x2x2x4096xf32, #tpu.memory_space<vmem>>
    %dma_wait3A_498 = tpu.memref_squeeze %dma_wait3A_497 : memref<1x2x2x4096xf32, #tpu.memory_space<vmem>> -> memref<2x2x4096xf32, #tpu.memory_space<vmem>>
    %dma_wait3A_499 = arith.constant 0 : i32
    %dma_wait3A_500 = arith.constant 0 : i32
    %dma_wait3A_501 = tpu.memref_slice %dma_wait3A_498[%dma_wait3A_475, %dma_wait3A_499, %dma_wait3A_500] : memref<2x2x4096xf32, #tpu.memory_space<vmem>> -> memref<1x2x4096xf32, #tpu.memory_space<vmem>>
    %dma_wait3A_502 = tpu.memref_squeeze %dma_wait3A_501 : memref<1x2x4096xf32, #tpu.memory_space<vmem>> -> memref<2x4096xf32, #tpu.memory_space<vmem>>
    tpu.wait_dma2 semaphore(%dma_wait3A_490 : memref<!tpu.dma_semaphore, #tpu.memory_space<semaphore_mem>>) src(%dma_wait3A_502 : memref<2x4096xf32, #tpu.memory_space<vmem>>) dst(%dma_wait3A_493 : memref<2x4096xf32, #tpu.memory_space<hbm>>)
    %dma_wait3A_503 = arith.constant 0 : i32
    %dma_wait3A_504 = arith.constant 1 : i32
    %dma_wait3A_505 = arith.constant 0 : i32
    %dma_wait3A_506 = arith.constant 0 : i32
    %dma_wait3A_507 = arith.constant 0 : i32
    %dma_wait3A_508 = arith.constant 0 : i32
    %dma_wait3A_509 = tpu.memref_slice %arg9[%dma_wait3A_503, %dma_wait3A_506, %dma_wait3A_507, %dma_wait3A_508] : memref<2x2x2x4096xf32, #tpu.memory_space<vmem>> -> memref<1x2x2x4096xf32, #tpu.memory_space<vmem>>
    %dma_wait3A_510 = tpu.memref_squeeze %dma_wait3A_509 : memref<1x2x2x4096xf32, #tpu.memory_space<vmem>> -> memref<2x2x4096xf32, #tpu.memory_space<vmem>>
    %dma_wait3A_511 = arith.constant 0 : i32
    %dma_wait3A_512 = arith.constant 0 : i32
    %dma_wait3A_513 = tpu.memref_slice %dma_wait3A_510[%dma_wait3A_504, %dma_wait3A_511, %dma_wait3A_512] : memref<2x2x4096xf32, #tpu.memory_space<vmem>> -> memref<1x2x4096xf32, #tpu.memory_space<vmem>>
    %dma_wait3A_514 = tpu.memref_squeeze %dma_wait3A_513 : memref<1x2x4096xf32, #tpu.memory_space<vmem>> -> memref<2x4096xf32, #tpu.memory_space<vmem>>
    %dma_wait3A_515 = arith.constant 0 : i32
    %dma_wait3A_516 = tpu.memref_slice %arg6[%add3A_159, %add3A_221, %dma_wait3A_515] : memref<4x64x8192xf32, #tpu.memory_space<hbm>> -> memref<1x2x4096xf32, #tpu.memory_space<hbm>>
    %dma_wait3A_517 = tpu.memref_squeeze %dma_wait3A_516 : memref<1x2x4096xf32, #tpu.memory_space<hbm>> -> memref<2x4096xf32, #tpu.memory_space<hbm>>
    %dma_wait3A_518 = tpu.memref_slice %arg12[%dma_wait3A_505] : memref<2x!tpu.dma_semaphore, #tpu.memory_space<semaphore_mem>> -> memref<1x!tpu.dma_semaphore, #tpu.memory_space<semaphore_mem>>
    %dma_wait3A_519 = tpu.memref_squeeze %dma_wait3A_518 : memref<1x!tpu.dma_semaphore, #tpu.memory_space<semaphore_mem>> -> memref<!tpu.dma_semaphore, #tpu.memory_space<semaphore_mem>>
    %dma_wait3A_520 = arith.constant 0 : i32
    %dma_wait3A_521 = tpu.memref_slice %arg6[%add3A_159, %add3A_221, %dma_wait3A_520] : memref<4x64x8192xf32, #tpu.memory_space<hbm>> -> memref<1x2x4096xf32, #tpu.memory_space<hbm>>
    %dma_wait3A_522 = tpu.memref_squeeze %dma_wait3A_521 : memref<1x2x4096xf32, #tpu.memory_space<hbm>> -> memref<2x4096xf32, #tpu.memory_space<hbm>>
    %dma_wait3A_523 = arith.constant 0 : i32
    %dma_wait3A_524 = arith.constant 0 : i32
    %dma_wait3A_525 = arith.constant 0 : i32
    %dma_wait3A_526 = tpu.memref_slice %arg9[%dma_wait3A_503, %dma_wait3A_523, %dma_wait3A_524, %dma_wait3A_525] : memref<2x2x2x4096xf32, #tpu.memory_space<vmem>> -> memref<1x2x2x4096xf32, #tpu.memory_space<vmem>>
    %dma_wait3A_527 = tpu.memref_squeeze %dma_wait3A_526 : memref<1x2x2x4096xf32, #tpu.memory_space<vmem>> -> memref<2x2x4096xf32, #tpu.memory_space<vmem>>
    %dma_wait3A_528 = arith.constant 0 : i32
    %dma_wait3A_529 = arith.constant 0 : i32
    %dma_wait3A_530 = tpu.memref_slice %dma_wait3A_527[%dma_wait3A_504, %dma_wait3A_528, %dma_wait3A_529] : memref<2x2x4096xf32, #tpu.memory_space<vmem>> -> memref<1x2x4096xf32, #tpu.memory_space<vmem>>
    %dma_wait3A_531 = tpu.memref_squeeze %dma_wait3A_530 : memref<1x2x4096xf32, #tpu.memory_space<vmem>> -> memref<2x4096xf32, #tpu.memory_space<vmem>>
    tpu.wait_dma2 semaphore(%dma_wait3A_519 : memref<!tpu.dma_semaphore, #tpu.memory_space<semaphore_mem>>) src(%dma_wait3A_531 : memref<2x4096xf32, #tpu.memory_space<vmem>>) dst(%dma_wait3A_522 : memref<2x4096xf32, #tpu.memory_space<hbm>>)
    %parallel_loop3A_532 = arith.constant 0 : i32
    %parallel_loop3A_533 = arith.constant 256 : i32
    %parallel_loop3A_534 = arith.constant 1 : i32
    %parallel_loop3A_535 = arith.constant 0 : i32
    scf.for %parallel_loop3A_1132 = %parallel_loop3A_532 to %parallel_loop3A_533 step %parallel_loop3A_534  : i32 {
      %parallel_loop3A_1133 = arith.constant 16 : i32
      %parallel_loop3A_1134 = arith.muli %parallel_loop3A_1132, %parallel_loop3A_1133 : i32
      %parallel_loop3A_1135 = arith.constant 8192 : i32
      %parallel_loop3A_1136 = arith.addi %parallel_loop3A_1135, %parallel_loop3A_1134 : i32
      %parallel_loop3A_1137 = arith.index_cast %parallel_loop3A_1136 : i32 to index
      %parallel_loop3A_1138 = tpu.vector_load %arg8[%parallel_loop3A_1137] {strides = array<i32>} : memref<16384xi32, #tpu.memory_space<vmem>>, vector<16xi32>,
      %parallel_loop3A_1139 = arith.constant 0 : i32
      %parallel_loop3A_1140 = vector.broadcast %parallel_loop3A_1139 : i32 to vector<16xi32>
      %parallel_loop3A_1141 = arith.addi %parallel_loop3A_1138, %parallel_loop3A_1140 : vector<16xi32>
      %parallel_loop3A_1142 = tpu.vector_load_idx %arg7[%parallel_loop3A_1141] : memref<32768xf32, #tpu.memory_space<vmem>>[vector<16xi32>], vector<16xf32>,
      %parallel_loop3A_1143 = arith.constant 16 : i32
      %parallel_loop3A_1144 = arith.muli %parallel_loop3A_1132, %parallel_loop3A_1143 : i32
      %parallel_loop3A_1145 = arith.constant 0 : i32
      %parallel_loop3A_1146 = arith.constant 0 : i32
      %parallel_loop3A_1147 = arith.constant 0 : i32
      %parallel_loop3A_1148 = arith.constant 0 : i32
      %parallel_loop3A_1149 = arith.constant 0 : i32
      %parallel_loop3A_1150 = tpu.memref_slice %arg9[%parallel_loop3A_535, %parallel_loop3A_1147, %parallel_loop3A_1148, %parallel_loop3A_1149] : memref<2x2x2x4096xf32, #tpu.memory_space<vmem>> -> memref<1x2x2x4096xf32, #tpu.memory_space<vmem>>
      %parallel_loop3A_1151 = tpu.memref_squeeze %parallel_loop3A_1150 : memref<1x2x2x4096xf32, #tpu.memory_space<vmem>> -> memref<2x2x4096xf32, #tpu.memory_space<vmem>>
      %parallel_loop3A_1152 = arith.index_cast %parallel_loop3A_1145 : i32 to index
      %parallel_loop3A_1153 = arith.index_cast %parallel_loop3A_1146 : i32 to index
      %parallel_loop3A_1154 = arith.index_cast %parallel_loop3A_1144 : i32 to index
      %parallel_loop3A_1155 = tpu.vector_load %parallel_loop3A_1151[%parallel_loop3A_1152, %parallel_loop3A_1153, %parallel_loop3A_1154] {strides = array<i32>} : memref<2x2x4096xf32, #tpu.memory_space<vmem>>, vector<16xf32>,
      tpu.vector_store %parallel_loop3A_1151[%parallel_loop3A_1152, %parallel_loop3A_1153, %parallel_loop3A_1154], %parallel_loop3A_1142 {strides = array<i32>} : memref<2x2x4096xf32, #tpu.memory_space<vmem>>, vector<16xf32>,
      %parallel_loop3A_1156 = arith.constant 8192 : i32
      %parallel_loop3A_1157 = vector.broadcast %parallel_loop3A_1156 : i32 to vector<16xi32>
      %parallel_loop3A_1158 = arith.addi %parallel_loop3A_1138, %parallel_loop3A_1157 : vector<16xi32>
      %parallel_loop3A_1159 = tpu.vector_load_idx %arg7[%parallel_loop3A_1158] : memref<32768xf32, #tpu.memory_space<vmem>>[vector<16xi32>], vector<16xf32>,
      %parallel_loop3A_1160 = arith.constant 16 : i32
      %parallel_loop3A_1161 = arith.muli %parallel_loop3A_1132, %parallel_loop3A_1160 : i32
      %parallel_loop3A_1162 = arith.constant 0 : i32
      %parallel_loop3A_1163 = arith.constant 1 : i32
      %parallel_loop3A_1164 = arith.constant 0 : i32
      %parallel_loop3A_1165 = arith.constant 0 : i32
      %parallel_loop3A_1166 = arith.constant 0 : i32
      %parallel_loop3A_1167 = tpu.memref_slice %arg9[%parallel_loop3A_535, %parallel_loop3A_1164, %parallel_loop3A_1165, %parallel_loop3A_1166] : memref<2x2x2x4096xf32, #tpu.memory_space<vmem>> -> memref<1x2x2x4096xf32, #tpu.memory_space<vmem>>
      %parallel_loop3A_1168 = tpu.memref_squeeze %parallel_loop3A_1167 : memref<1x2x2x4096xf32, #tpu.memory_space<vmem>> -> memref<2x2x4096xf32, #tpu.memory_space<vmem>>
      %parallel_loop3A_1169 = arith.index_cast %parallel_loop3A_1162 : i32 to index
      %parallel_loop3A_1170 = arith.index_cast %parallel_loop3A_1163 : i32 to index
      %parallel_loop3A_1171 = arith.index_cast %parallel_loop3A_1161 : i32 to index
      %parallel_loop3A_1172 = tpu.vector_load %parallel_loop3A_1168[%parallel_loop3A_1169, %parallel_loop3A_1170, %parallel_loop3A_1171] {strides = array<i32>} : memref<2x2x4096xf32, #tpu.memory_space<vmem>>, vector<16xf32>,
      tpu.vector_store %parallel_loop3A_1168[%parallel_loop3A_1169, %parallel_loop3A_1170, %parallel_loop3A_1171], %parallel_loop3A_1159 {strides = array<i32>} : memref<2x2x4096xf32, #tpu.memory_space<vmem>>, vector<16xf32>,
      %parallel_loop3A_1173 = arith.constant 16384 : i32
      %parallel_loop3A_1174 = vector.broadcast %parallel_loop3A_1173 : i32 to vector<16xi32>
      %parallel_loop3A_1175 = arith.addi %parallel_loop3A_1138, %parallel_loop3A_1174 : vector<16xi32>
      %parallel_loop3A_1176 = tpu.vector_load_idx %arg7[%parallel_loop3A_1175] : memref<32768xf32, #tpu.memory_space<vmem>>[vector<16xi32>], vector<16xf32>,
      %parallel_loop3A_1177 = arith.constant 16 : i32
      %parallel_loop3A_1178 = arith.muli %parallel_loop3A_1132, %parallel_loop3A_1177 : i32
      %parallel_loop3A_1179 = arith.constant 1 : i32
      %parallel_loop3A_1180 = arith.constant 0 : i32
      %parallel_loop3A_1181 = arith.constant 0 : i32
      %parallel_loop3A_1182 = arith.constant 0 : i32
      %parallel_loop3A_1183 = arith.constant 0 : i32
      %parallel_loop3A_1184 = tpu.memref_slice %arg9[%parallel_loop3A_535, %parallel_loop3A_1181, %parallel_loop3A_1182, %parallel_loop3A_1183] : memref<2x2x2x4096xf32, #tpu.memory_space<vmem>> -> memref<1x2x2x4096xf32, #tpu.memory_space<vmem>>
      %parallel_loop3A_1185 = tpu.memref_squeeze %parallel_loop3A_1184 : memref<1x2x2x4096xf32, #tpu.memory_space<vmem>> -> memref<2x2x4096xf32, #tpu.memory_space<vmem>>
      %parallel_loop3A_1186 = arith.index_cast %parallel_loop3A_1179 : i32 to index
      %parallel_loop3A_1187 = arith.index_cast %parallel_loop3A_1180 : i32 to index
      %parallel_loop3A_1188 = arith.index_cast %parallel_loop3A_1178 : i32 to index
      %parallel_loop3A_1189 = tpu.vector_load %parallel_loop3A_1185[%parallel_loop3A_1186, %parallel_loop3A_1187, %parallel_loop3A_1188] {strides = array<i32>} : memref<2x2x4096xf32, #tpu.memory_space<vmem>>, vector<16xf32>,
      tpu.vector_store %parallel_loop3A_1185[%parallel_loop3A_1186, %parallel_loop3A_1187, %parallel_loop3A_1188], %parallel_loop3A_1176 {strides = array<i32>} : memref<2x2x4096xf32, #tpu.memory_space<vmem>>, vector<16xf32>,
      %parallel_loop3A_1190 = arith.constant 24576 : i32
      %parallel_loop3A_1191 = vector.broadcast %parallel_loop3A_1190 : i32 to vector<16xi32>
      %parallel_loop3A_1192 = arith.addi %parallel_loop3A_1138, %parallel_loop3A_1191 : vector<16xi32>
      %parallel_loop3A_1193 = tpu.vector_load_idx %arg7[%parallel_loop3A_1192] : memref<32768xf32, #tpu.memory_space<vmem>>[vector<16xi32>], vector<16xf32>,
      %parallel_loop3A_1194 = arith.constant 16 : i32
      %parallel_loop3A_1195 = arith.muli %parallel_loop3A_1132, %parallel_loop3A_1194 : i32
      %parallel_loop3A_1196 = arith.constant 1 : i32
      %parallel_loop3A_1197 = arith.constant 1 : i32
      %parallel_loop3A_1198 = arith.constant 0 : i32
      %parallel_loop3A_1199 = arith.constant 0 : i32
      %parallel_loop3A_1200 = arith.constant 0 : i32
      %parallel_loop3A_1201 = tpu.memref_slice %arg9[%parallel_loop3A_535, %parallel_loop3A_1198, %parallel_loop3A_1199, %parallel_loop3A_1200] : memref<2x2x2x4096xf32, #tpu.memory_space<vmem>> -> memref<1x2x2x4096xf32, #tpu.memory_space<vmem>>
      %parallel_loop3A_1202 = tpu.memref_squeeze %parallel_loop3A_1201 : memref<1x2x2x4096xf32, #tpu.memory_space<vmem>> -> memref<2x2x4096xf32, #tpu.memory_space<vmem>>
      %parallel_loop3A_1203 = arith.index_cast %parallel_loop3A_1196 : i32 to index
      %parallel_loop3A_1204 = arith.index_cast %parallel_loop3A_1197 : i32 to index
      %parallel_loop3A_1205 = arith.index_cast %parallel_loop3A_1195 : i32 to index
      %parallel_loop3A_1206 = tpu.vector_load %parallel_loop3A_1202[%parallel_loop3A_1203, %parallel_loop3A_1204, %parallel_loop3A_1205] {strides = array<i32>} : memref<2x2x4096xf32, #tpu.memory_space<vmem>>, vector<16xf32>,
      tpu.vector_store %parallel_loop3A_1202[%parallel_loop3A_1203, %parallel_loop3A_1204, %parallel_loop3A_1205], %parallel_loop3A_1193 {strides = array<i32>} : memref<2x2x4096xf32, #tpu.memory_space<vmem>>, vector<16xf32>,
    } {sc.loop_unroll_factor = 4 : i64, sc.parallel_access}
    %add3A_536 = arith.constant 1 : i32
    %add3A_537 = arith.addi %mul3A_34, %add3A_536 : i32
    %add3A_538 = arith.constant 0 : i32
    %add3A_539 = arith.addi %add3A_538, %mul3A_32 : i32
    %dma_start3A_540 = arith.constant 0 : i32
    %dma_start3A_541 = arith.constant 0 : i32
    %dma_start3A_542 = arith.constant 0 : i32
    %dma_start3A_543 = arith.constant 0 : i32
    %dma_start3A_544 = arith.constant 0 : i32
    %dma_start3A_545 = arith.constant 0 : i32
    %dma_start3A_546 = tpu.memref_slice %arg9[%dma_start3A_540, %dma_start3A_543, %dma_start3A_544, %dma_start3A_545] : memref<2x2x2x4096xf32, #tpu.memory_space<vmem>> -> memref<1x2x2x4096xf32, #tpu.memory_space<vmem>>
    %dma_start3A_547 = tpu.memref_squeeze %dma_start3A_546 : memref<1x2x2x4096xf32, #tpu.memory_space<vmem>> -> memref<2x2x4096xf32, #tpu.memory_space<vmem>>
    %dma_start3A_548 = arith.constant 0 : i32
    %dma_start3A_549 = arith.constant 0 : i32
    %dma_start3A_550 = tpu.memref_slice %dma_start3A_547[%dma_start3A_541, %dma_start3A_548, %dma_start3A_549] : memref<2x2x4096xf32, #tpu.memory_space<vmem>> -> memref<1x2x4096xf32, #tpu.memory_space<vmem>>
    %dma_start3A_551 = tpu.memref_squeeze %dma_start3A_550 : memref<1x2x4096xf32, #tpu.memory_space<vmem>> -> memref<2x4096xf32, #tpu.memory_space<vmem>>
    %dma_start3A_552 = arith.constant 0 : i32
    %dma_start3A_553 = tpu.memref_slice %arg5[%add3A_537, %add3A_539, %dma_start3A_552] : memref<4x64x8192xf32, #tpu.memory_space<hbm>> -> memref<1x2x4096xf32, #tpu.memory_space<hbm>>
    %dma_start3A_554 = tpu.memref_squeeze %dma_start3A_553 : memref<1x2x4096xf32, #tpu.memory_space<hbm>> -> memref<2x4096xf32, #tpu.memory_space<hbm>>
    %dma_start3A_555 = tpu.memref_slice %arg12[%dma_start3A_542] : memref<2x!tpu.dma_semaphore, #tpu.memory_space<semaphore_mem>> -> memref<1x!tpu.dma_semaphore, #tpu.memory_space<semaphore_mem>>
    %dma_start3A_556 = tpu.memref_squeeze %dma_start3A_555 : memref<1x!tpu.dma_semaphore, #tpu.memory_space<semaphore_mem>> -> memref<!tpu.dma_semaphore, #tpu.memory_space<semaphore_mem>>
    %dma_start3A_557 = arith.constant 0 : i32
    %dma_start3A_558 = tpu.memref_slice %arg5[%add3A_537, %add3A_539, %dma_start3A_557] : memref<4x64x8192xf32, #tpu.memory_space<hbm>> -> memref<1x2x4096xf32, #tpu.memory_space<hbm>>
    %dma_start3A_559 = tpu.memref_squeeze %dma_start3A_558 : memref<1x2x4096xf32, #tpu.memory_space<hbm>> -> memref<2x4096xf32, #tpu.memory_space<hbm>>
    %dma_start3A_560 = arith.constant 0 : i32
    %dma_start3A_561 = arith.constant 0 : i32
    %dma_start3A_562 = arith.constant 0 : i32
    %dma_start3A_563 = tpu.memref_slice %arg9[%dma_start3A_540, %dma_start3A_560, %dma_start3A_561, %dma_start3A_562] : memref<2x2x2x4096xf32, #tpu.memory_space<vmem>> -> memref<1x2x2x4096xf32, #tpu.memory_space<vmem>>
    %dma_start3A_564 = tpu.memref_squeeze %dma_start3A_563 : memref<1x2x2x4096xf32, #tpu.memory_space<vmem>> -> memref<2x2x4096xf32, #tpu.memory_space<vmem>>
    %dma_start3A_565 = arith.constant 0 : i32
    %dma_start3A_566 = arith.constant 0 : i32
    %dma_start3A_567 = tpu.memref_slice %dma_start3A_564[%dma_start3A_541, %dma_start3A_565, %dma_start3A_566] : memref<2x2x4096xf32, #tpu.memory_space<vmem>> -> memref<1x2x4096xf32, #tpu.memory_space<vmem>>
    %dma_start3A_568 = tpu.memref_squeeze %dma_start3A_567 : memref<1x2x4096xf32, #tpu.memory_space<vmem>> -> memref<2x4096xf32, #tpu.memory_space<vmem>>
    tpu.enqueue_dma source(%dma_start3A_568 : memref<2x4096xf32, #tpu.memory_space<vmem>>) target(%dma_start3A_559 : memref<2x4096xf32, #tpu.memory_space<hbm>>) target_semaphore(%dma_start3A_556 : memref<!tpu.dma_semaphore, #tpu.memory_space<semaphore_mem>>)
    %dma_start3A_569 = arith.constant 0 : i32
    %dma_start3A_570 = arith.constant 1 : i32
    %dma_start3A_571 = arith.constant 0 : i32
    %dma_start3A_572 = arith.constant 0 : i32
    %dma_start3A_573 = arith.constant 0 : i32
    %dma_start3A_574 = arith.constant 0 : i32
    %dma_start3A_575 = tpu.memref_slice %arg9[%dma_start3A_569, %dma_start3A_572, %dma_start3A_573, %dma_start3A_574] : memref<2x2x2x4096xf32, #tpu.memory_space<vmem>> -> memref<1x2x2x4096xf32, #tpu.memory_space<vmem>>
    %dma_start3A_576 = tpu.memref_squeeze %dma_start3A_575 : memref<1x2x2x4096xf32, #tpu.memory_space<vmem>> -> memref<2x2x4096xf32, #tpu.memory_space<vmem>>
    %dma_start3A_577 = arith.constant 0 : i32
    %dma_start3A_578 = arith.constant 0 : i32
    %dma_start3A_579 = tpu.memref_slice %dma_start3A_576[%dma_start3A_570, %dma_start3A_577, %dma_start3A_578] : memref<2x2x4096xf32, #tpu.memory_space<vmem>> -> memref<1x2x4096xf32, #tpu.memory_space<vmem>>
    %dma_start3A_580 = tpu.memref_squeeze %dma_start3A_579 : memref<1x2x4096xf32, #tpu.memory_space<vmem>> -> memref<2x4096xf32, #tpu.memory_space<vmem>>
    %dma_start3A_581 = arith.constant 0 : i32
    %dma_start3A_582 = tpu.memref_slice %arg6[%add3A_537, %add3A_539, %dma_start3A_581] : memref<4x64x8192xf32, #tpu.memory_space<hbm>> -> memref<1x2x4096xf32, #tpu.memory_space<hbm>>
    %dma_start3A_583 = tpu.memref_squeeze %dma_start3A_582 : memref<1x2x4096xf32, #tpu.memory_space<hbm>> -> memref<2x4096xf32, #tpu.memory_space<hbm>>
    %dma_start3A_584 = tpu.memref_slice %arg12[%dma_start3A_571] : memref<2x!tpu.dma_semaphore, #tpu.memory_space<semaphore_mem>> -> memref<1x!tpu.dma_semaphore, #tpu.memory_space<semaphore_mem>>
    %dma_start3A_585 = tpu.memref_squeeze %dma_start3A_584 : memref<1x!tpu.dma_semaphore, #tpu.memory_space<semaphore_mem>> -> memref<!tpu.dma_semaphore, #tpu.memory_space<semaphore_mem>>
    %dma_start3A_586 = arith.constant 0 : i32
    %dma_start3A_587 = tpu.memref_slice %arg6[%add3A_537, %add3A_539, %dma_start3A_586] : memref<4x64x8192xf32, #tpu.memory_space<hbm>> -> memref<1x2x4096xf32, #tpu.memory_space<hbm>>
    %dma_start3A_588 = tpu.memref_squeeze %dma_start3A_587 : memref<1x2x4096xf32, #tpu.memory_space<hbm>> -> memref<2x4096xf32, #tpu.memory_space<hbm>>
    %dma_start3A_589 = arith.constant 0 : i32
    %dma_start3A_590 = arith.constant 0 : i32
    %dma_start3A_591 = arith.constant 0 : i32
    %dma_start3A_592 = tpu.memref_slice %arg9[%dma_start3A_569, %dma_start3A_589, %dma_start3A_590, %dma_start3A_591] : memref<2x2x2x4096xf32, #tpu.memory_space<vmem>> -> memref<1x2x2x4096xf32, #tpu.memory_space<vmem>>
    %dma_start3A_593 = tpu.memref_squeeze %dma_start3A_592 : memref<1x2x2x4096xf32, #tpu.memory_space<vmem>> -> memref<2x2x4096xf32, #tpu.memory_space<vmem>>
    %dma_start3A_594 = arith.constant 0 : i32
    %dma_start3A_595 = arith.constant 0 : i32
    %dma_start3A_596 = tpu.memref_slice %dma_start3A_593[%dma_start3A_570, %dma_start3A_594, %dma_start3A_595] : memref<2x2x4096xf32, #tpu.memory_space<vmem>> -> memref<1x2x4096xf32, #tpu.memory_space<vmem>>
    %dma_start3A_597 = tpu.memref_squeeze %dma_start3A_596 : memref<1x2x4096xf32, #tpu.memory_space<vmem>> -> memref<2x4096xf32, #tpu.memory_space<vmem>>
    tpu.enqueue_dma source(%dma_start3A_597 : memref<2x4096xf32, #tpu.memory_space<vmem>>) target(%dma_start3A_588 : memref<2x4096xf32, #tpu.memory_space<hbm>>) target_semaphore(%dma_start3A_585 : memref<!tpu.dma_semaphore, #tpu.memory_space<semaphore_mem>>)
    %add3A_598 = arith.constant 32 : i32
    %add3A_599 = arith.addi %add3A_598, %mul3A_32 : i32
    %dma_start3A_600 = arith.constant 0 : i32
    %dma_start3A_601 = arith.constant 0 : i32
    %dma_start3A_602 = arith.constant 0 : i32
    %dma_start3A_603 = arith.constant 0 : i32
    %dma_start3A_604 = arith.constant 0 : i32
    %dma_start3A_605 = arith.constant 0 : i32
    %dma_start3A_606 = tpu.memref_slice %arg9[%dma_start3A_600, %dma_start3A_603, %dma_start3A_604, %dma_start3A_605] : memref<2x2x2x4096xf32, #tpu.memory_space<vmem>> -> memref<1x2x2x4096xf32, #tpu.memory_space<vmem>>
    %dma_start3A_607 = tpu.memref_squeeze %dma_start3A_606 : memref<1x2x2x4096xf32, #tpu.memory_space<vmem>> -> memref<2x2x4096xf32, #tpu.memory_space<vmem>>
    %dma_start3A_608 = arith.constant 0 : i32
    %dma_start3A_609 = arith.constant 0 : i32
    %dma_start3A_610 = tpu.memref_slice %dma_start3A_607[%dma_start3A_601, %dma_start3A_608, %dma_start3A_609] : memref<2x2x4096xf32, #tpu.memory_space<vmem>> -> memref<1x2x4096xf32, #tpu.memory_space<vmem>>
    %dma_start3A_611 = tpu.memref_squeeze %dma_start3A_610 : memref<1x2x4096xf32, #tpu.memory_space<vmem>> -> memref<2x4096xf32, #tpu.memory_space<vmem>>
    %dma_start3A_612 = arith.constant 0 : i32
    %dma_start3A_613 = tpu.memref_slice %arg5[%add3A_537, %add3A_599, %dma_start3A_612] : memref<4x64x8192xf32, #tpu.memory_space<hbm>> -> memref<1x2x4096xf32, #tpu.memory_space<hbm>>
    %dma_start3A_614 = tpu.memref_squeeze %dma_start3A_613 : memref<1x2x4096xf32, #tpu.memory_space<hbm>> -> memref<2x4096xf32, #tpu.memory_space<hbm>>
    %dma_start3A_615 = tpu.memref_slice %arg12[%dma_start3A_602] : memref<2x!tpu.dma_semaphore, #tpu.memory_space<semaphore_mem>> -> memref<1x!tpu.dma_semaphore, #tpu.memory_space<semaphore_mem>>
    %dma_start3A_616 = tpu.memref_squeeze %dma_start3A_615 : memref<1x!tpu.dma_semaphore, #tpu.memory_space<semaphore_mem>> -> memref<!tpu.dma_semaphore, #tpu.memory_space<semaphore_mem>>
    %dma_start3A_617 = arith.constant 0 : i32
    %dma_start3A_618 = tpu.memref_slice %arg5[%add3A_537, %add3A_599, %dma_start3A_617] : memref<4x64x8192xf32, #tpu.memory_space<hbm>> -> memref<1x2x4096xf32, #tpu.memory_space<hbm>>
    %dma_start3A_619 = tpu.memref_squeeze %dma_start3A_618 : memref<1x2x4096xf32, #tpu.memory_space<hbm>> -> memref<2x4096xf32, #tpu.memory_space<hbm>>
    %dma_start3A_620 = arith.constant 0 : i32
    %dma_start3A_621 = arith.constant 0 : i32
    %dma_start3A_622 = arith.constant 0 : i32
    %dma_start3A_623 = tpu.memref_slice %arg9[%dma_start3A_600, %dma_start3A_620, %dma_start3A_621, %dma_start3A_622] : memref<2x2x2x4096xf32, #tpu.memory_space<vmem>> -> memref<1x2x2x4096xf32, #tpu.memory_space<vmem>>
    %dma_start3A_624 = tpu.memref_squeeze %dma_start3A_623 : memref<1x2x2x4096xf32, #tpu.memory_space<vmem>> -> memref<2x2x4096xf32, #tpu.memory_space<vmem>>
    %dma_start3A_625 = arith.constant 0 : i32
    %dma_start3A_626 = arith.constant 0 : i32
    %dma_start3A_627 = tpu.memref_slice %dma_start3A_624[%dma_start3A_601, %dma_start3A_625, %dma_start3A_626] : memref<2x2x4096xf32, #tpu.memory_space<vmem>> -> memref<1x2x4096xf32, #tpu.memory_space<vmem>>
    %dma_start3A_628 = tpu.memref_squeeze %dma_start3A_627 : memref<1x2x4096xf32, #tpu.memory_space<vmem>> -> memref<2x4096xf32, #tpu.memory_space<vmem>>
    tpu.enqueue_dma source(%dma_start3A_628 : memref<2x4096xf32, #tpu.memory_space<vmem>>) target(%dma_start3A_619 : memref<2x4096xf32, #tpu.memory_space<hbm>>) target_semaphore(%dma_start3A_616 : memref<!tpu.dma_semaphore, #tpu.memory_space<semaphore_mem>>)
    %dma_start3A_629 = arith.constant 0 : i32
    %dma_start3A_630 = arith.constant 1 : i32
    %dma_start3A_631 = arith.constant 0 : i32
    %dma_start3A_632 = arith.constant 0 : i32
    %dma_start3A_633 = arith.constant 0 : i32
    %dma_start3A_634 = arith.constant 0 : i32
    %dma_start3A_635 = tpu.memref_slice %arg9[%dma_start3A_629, %dma_start3A_632, %dma_start3A_633, %dma_start3A_634] : memref<2x2x2x4096xf32, #tpu.memory_space<vmem>> -> memref<1x2x2x4096xf32, #tpu.memory_space<vmem>>
    %dma_start3A_636 = tpu.memref_squeeze %dma_start3A_635 : memref<1x2x2x4096xf32, #tpu.memory_space<vmem>> -> memref<2x2x4096xf32, #tpu.memory_space<vmem>>
    %dma_start3A_637 = arith.constant 0 : i32
    %dma_start3A_638 = arith.constant 0 : i32
    %dma_start3A_639 = tpu.memref_slice %dma_start3A_636[%dma_start3A_630, %dma_start3A_637, %dma_start3A_638] : memref<2x2x4096xf32, #tpu.memory_space<vmem>> -> memref<1x2x4096xf32, #tpu.memory_space<vmem>>
    %dma_start3A_640 = tpu.memref_squeeze %dma_start3A_639 : memref<1x2x4096xf32, #tpu.memory_space<vmem>> -> memref<2x4096xf32, #tpu.memory_space<vmem>>
    %dma_start3A_641 = arith.constant 0 : i32
    %dma_start3A_642 = tpu.memref_slice %arg6[%add3A_537, %add3A_599, %dma_start3A_641] : memref<4x64x8192xf32, #tpu.memory_space<hbm>> -> memref<1x2x4096xf32, #tpu.memory_space<hbm>>
    %dma_start3A_643 = tpu.memref_squeeze %dma_start3A_642 : memref<1x2x4096xf32, #tpu.memory_space<hbm>> -> memref<2x4096xf32, #tpu.memory_space<hbm>>
    %dma_start3A_644 = tpu.memref_slice %arg12[%dma_start3A_631] : memref<2x!tpu.dma_semaphore, #tpu.memory_space<semaphore_mem>> -> memref<1x!tpu.dma_semaphore, #tpu.memory_space<semaphore_mem>>
    %dma_start3A_645 = tpu.memref_squeeze %dma_start3A_644 : memref<1x!tpu.dma_semaphore, #tpu.memory_space<semaphore_mem>> -> memref<!tpu.dma_semaphore, #tpu.memory_space<semaphore_mem>>
    %dma_start3A_646 = arith.constant 0 : i32
    %dma_start3A_647 = tpu.memref_slice %arg6[%add3A_537, %add3A_599, %dma_start3A_646] : memref<4x64x8192xf32, #tpu.memory_space<hbm>> -> memref<1x2x4096xf32, #tpu.memory_space<hbm>>
    %dma_start3A_648 = tpu.memref_squeeze %dma_start3A_647 : memref<1x2x4096xf32, #tpu.memory_space<hbm>> -> memref<2x4096xf32, #tpu.memory_space<hbm>>
    %dma_start3A_649 = arith.constant 0 : i32
    %dma_start3A_650 = arith.constant 0 : i32
    %dma_start3A_651 = arith.constant 0 : i32
    %dma_start3A_652 = tpu.memref_slice %arg9[%dma_start3A_629, %dma_start3A_649, %dma_start3A_650, %dma_start3A_651] : memref<2x2x2x4096xf32, #tpu.memory_space<vmem>> -> memref<1x2x2x4096xf32, #tpu.memory_space<vmem>>
    %dma_start3A_653 = tpu.memref_squeeze %dma_start3A_652 : memref<1x2x2x4096xf32, #tpu.memory_space<vmem>> -> memref<2x2x4096xf32, #tpu.memory_space<vmem>>
    %dma_start3A_654 = arith.constant 0 : i32
    %dma_start3A_655 = arith.constant 0 : i32
    %dma_start3A_656 = tpu.memref_slice %dma_start3A_653[%dma_start3A_630, %dma_start3A_654, %dma_start3A_655] : memref<2x2x4096xf32, #tpu.memory_space<vmem>> -> memref<1x2x4096xf32, #tpu.memory_space<vmem>>
    %dma_start3A_657 = tpu.memref_squeeze %dma_start3A_656 : memref<1x2x4096xf32, #tpu.memory_space<vmem>> -> memref<2x4096xf32, #tpu.memory_space<vmem>>
    tpu.enqueue_dma source(%dma_start3A_657 : memref<2x4096xf32, #tpu.memory_space<vmem>>) target(%dma_start3A_648 : memref<2x4096xf32, #tpu.memory_space<hbm>>) target_semaphore(%dma_start3A_645 : memref<!tpu.dma_semaphore, #tpu.memory_space<semaphore_mem>>)
    %dma_wait3A_658 = arith.constant 1 : i32
    %dma_wait3A_659 = arith.constant 0 : i32
    %dma_wait3A_660 = arith.constant 1 : i32
    %dma_wait3A_661 = arith.constant 0 : i32
    %dma_wait3A_662 = arith.constant 0 : i32
    %dma_wait3A_663 = arith.constant 0 : i32
    %dma_wait3A_664 = tpu.memref_slice %arg9[%dma_wait3A_658, %dma_wait3A_661, %dma_wait3A_662, %dma_wait3A_663] : memref<2x2x2x4096xf32, #tpu.memory_space<vmem>> -> memref<1x2x2x4096xf32, #tpu.memory_space<vmem>>
    %dma_wait3A_665 = tpu.memref_squeeze %dma_wait3A_664 : memref<1x2x2x4096xf32, #tpu.memory_space<vmem>> -> memref<2x2x4096xf32, #tpu.memory_space<vmem>>
    %dma_wait3A_666 = arith.constant 0 : i32
    %dma_wait3A_667 = arith.constant 0 : i32
    %dma_wait3A_668 = tpu.memref_slice %dma_wait3A_665[%dma_wait3A_659, %dma_wait3A_666, %dma_wait3A_667] : memref<2x2x4096xf32, #tpu.memory_space<vmem>> -> memref<1x2x4096xf32, #tpu.memory_space<vmem>>
    %dma_wait3A_669 = tpu.memref_squeeze %dma_wait3A_668 : memref<1x2x4096xf32, #tpu.memory_space<vmem>> -> memref<2x4096xf32, #tpu.memory_space<vmem>>
    %dma_wait3A_670 = arith.constant 4096 : i32
    %dma_wait3A_671 = tpu.memref_slice %arg5[%add3A_285, %add3A_287, %dma_wait3A_670] : memref<4x64x8192xf32, #tpu.memory_space<hbm>> -> memref<1x2x4096xf32, #tpu.memory_space<hbm>>
    %dma_wait3A_672 = tpu.memref_squeeze %dma_wait3A_671 : memref<1x2x4096xf32, #tpu.memory_space<hbm>> -> memref<2x4096xf32, #tpu.memory_space<hbm>>
    %dma_wait3A_673 = tpu.memref_slice %arg12[%dma_wait3A_660] : memref<2x!tpu.dma_semaphore, #tpu.memory_space<semaphore_mem>> -> memref<1x!tpu.dma_semaphore, #tpu.memory_space<semaphore_mem>>
    %dma_wait3A_674 = tpu.memref_squeeze %dma_wait3A_673 : memref<1x!tpu.dma_semaphore, #tpu.memory_space<semaphore_mem>> -> memref<!tpu.dma_semaphore, #tpu.memory_space<semaphore_mem>>
    %dma_wait3A_675 = arith.constant 4096 : i32
    %dma_wait3A_676 = tpu.memref_slice %arg5[%add3A_285, %add3A_287, %dma_wait3A_675] : memref<4x64x8192xf32, #tpu.memory_space<hbm>> -> memref<1x2x4096xf32, #tpu.memory_space<hbm>>
    %dma_wait3A_677 = tpu.memref_squeeze %dma_wait3A_676 : memref<1x2x4096xf32, #tpu.memory_space<hbm>> -> memref<2x4096xf32, #tpu.memory_space<hbm>>
    %dma_wait3A_678 = arith.constant 0 : i32
    %dma_wait3A_679 = arith.constant 0 : i32
    %dma_wait3A_680 = arith.constant 0 : i32
    %dma_wait3A_681 = tpu.memref_slice %arg9[%dma_wait3A_658, %dma_wait3A_678, %dma_wait3A_679, %dma_wait3A_680] : memref<2x2x2x4096xf32, #tpu.memory_space<vmem>> -> memref<1x2x2x4096xf32, #tpu.memory_space<vmem>>
    %dma_wait3A_682 = tpu.memref_squeeze %dma_wait3A_681 : memref<1x2x2x4096xf32, #tpu.memory_space<vmem>> -> memref<2x2x4096xf32, #tpu.memory_space<vmem>>
    %dma_wait3A_683 = arith.constant 0 : i32
    %dma_wait3A_684 = arith.constant 0 : i32
    %dma_wait3A_685 = tpu.memref_slice %dma_wait3A_682[%dma_wait3A_659, %dma_wait3A_683, %dma_wait3A_684] : memref<2x2x4096xf32, #tpu.memory_space<vmem>> -> memref<1x2x4096xf32, #tpu.memory_space<vmem>>
    %dma_wait3A_686 = tpu.memref_squeeze %dma_wait3A_685 : memref<1x2x4096xf32, #tpu.memory_space<vmem>> -> memref<2x4096xf32, #tpu.memory_space<vmem>>
    tpu.wait_dma2 semaphore(%dma_wait3A_674 : memref<!tpu.dma_semaphore, #tpu.memory_space<semaphore_mem>>) src(%dma_wait3A_686 : memref<2x4096xf32, #tpu.memory_space<vmem>>) dst(%dma_wait3A_677 : memref<2x4096xf32, #tpu.memory_space<hbm>>)
    %dma_wait3A_687 = arith.constant 1 : i32
    %dma_wait3A_688 = arith.constant 1 : i32
    %dma_wait3A_689 = arith.constant 1 : i32
    %dma_wait3A_690 = arith.constant 0 : i32
    %dma_wait3A_691 = arith.constant 0 : i32
    %dma_wait3A_692 = arith.constant 0 : i32
    %dma_wait3A_693 = tpu.memref_slice %arg9[%dma_wait3A_687, %dma_wait3A_690, %dma_wait3A_691, %dma_wait3A_692] : memref<2x2x2x4096xf32, #tpu.memory_space<vmem>> -> memref<1x2x2x4096xf32, #tpu.memory_space<vmem>>
    %dma_wait3A_694 = tpu.memref_squeeze %dma_wait3A_693 : memref<1x2x2x4096xf32, #tpu.memory_space<vmem>> -> memref<2x2x4096xf32, #tpu.memory_space<vmem>>
    %dma_wait3A_695 = arith.constant 0 : i32
    %dma_wait3A_696 = arith.constant 0 : i32
    %dma_wait3A_697 = tpu.memref_slice %dma_wait3A_694[%dma_wait3A_688, %dma_wait3A_695, %dma_wait3A_696] : memref<2x2x4096xf32, #tpu.memory_space<vmem>> -> memref<1x2x4096xf32, #tpu.memory_space<vmem>>
    %dma_wait3A_698 = tpu.memref_squeeze %dma_wait3A_697 : memref<1x2x4096xf32, #tpu.memory_space<vmem>> -> memref<2x4096xf32, #tpu.memory_space<vmem>>
    %dma_wait3A_699 = arith.constant 4096 : i32
    %dma_wait3A_700 = tpu.memref_slice %arg6[%add3A_285, %add3A_287, %dma_wait3A_699] : memref<4x64x8192xf32, #tpu.memory_space<hbm>> -> memref<1x2x4096xf32, #tpu.memory_space<hbm>>
    %dma_wait3A_701 = tpu.memref_squeeze %dma_wait3A_700 : memref<1x2x4096xf32, #tpu.memory_space<hbm>> -> memref<2x4096xf32, #tpu.memory_space<hbm>>
    %dma_wait3A_702 = tpu.memref_slice %arg12[%dma_wait3A_689] : memref<2x!tpu.dma_semaphore, #tpu.memory_space<semaphore_mem>> -> memref<1x!tpu.dma_semaphore, #tpu.memory_space<semaphore_mem>>
    %dma_wait3A_703 = tpu.memref_squeeze %dma_wait3A_702 : memref<1x!tpu.dma_semaphore, #tpu.memory_space<semaphore_mem>> -> memref<!tpu.dma_semaphore, #tpu.memory_space<semaphore_mem>>
    %dma_wait3A_704 = arith.constant 4096 : i32
    %dma_wait3A_705 = tpu.memref_slice %arg6[%add3A_285, %add3A_287, %dma_wait3A_704] : memref<4x64x8192xf32, #tpu.memory_space<hbm>> -> memref<1x2x4096xf32, #tpu.memory_space<hbm>>
    %dma_wait3A_706 = tpu.memref_squeeze %dma_wait3A_705 : memref<1x2x4096xf32, #tpu.memory_space<hbm>> -> memref<2x4096xf32, #tpu.memory_space<hbm>>
    %dma_wait3A_707 = arith.constant 0 : i32
    %dma_wait3A_708 = arith.constant 0 : i32
    %dma_wait3A_709 = arith.constant 0 : i32
    %dma_wait3A_710 = tpu.memref_slice %arg9[%dma_wait3A_687, %dma_wait3A_707, %dma_wait3A_708, %dma_wait3A_709] : memref<2x2x2x4096xf32, #tpu.memory_space<vmem>> -> memref<1x2x2x4096xf32, #tpu.memory_space<vmem>>
    %dma_wait3A_711 = tpu.memref_squeeze %dma_wait3A_710 : memref<1x2x2x4096xf32, #tpu.memory_space<vmem>> -> memref<2x2x4096xf32, #tpu.memory_space<vmem>>
    %dma_wait3A_712 = arith.constant 0 : i32
    %dma_wait3A_713 = arith.constant 0 : i32
    %dma_wait3A_714 = tpu.memref_slice %dma_wait3A_711[%dma_wait3A_688, %dma_wait3A_712, %dma_wait3A_713] : memref<2x2x4096xf32, #tpu.memory_space<vmem>> -> memref<1x2x4096xf32, #tpu.memory_space<vmem>>
    %dma_wait3A_715 = tpu.memref_squeeze %dma_wait3A_714 : memref<1x2x4096xf32, #tpu.memory_space<vmem>> -> memref<2x4096xf32, #tpu.memory_space<vmem>>
    tpu.wait_dma2 semaphore(%dma_wait3A_703 : memref<!tpu.dma_semaphore, #tpu.memory_space<semaphore_mem>>) src(%dma_wait3A_715 : memref<2x4096xf32, #tpu.memory_space<vmem>>) dst(%dma_wait3A_706 : memref<2x4096xf32, #tpu.memory_space<hbm>>)
    %dma_wait3A_716 = arith.constant 1 : i32
    %dma_wait3A_717 = arith.constant 0 : i32
    %dma_wait3A_718 = arith.constant 1 : i32
    %dma_wait3A_719 = arith.constant 0 : i32
    %dma_wait3A_720 = arith.constant 0 : i32
    %dma_wait3A_721 = arith.constant 0 : i32
    %dma_wait3A_722 = tpu.memref_slice %arg9[%dma_wait3A_716, %dma_wait3A_719, %dma_wait3A_720, %dma_wait3A_721] : memref<2x2x2x4096xf32, #tpu.memory_space<vmem>> -> memref<1x2x2x4096xf32, #tpu.memory_space<vmem>>
    %dma_wait3A_723 = tpu.memref_squeeze %dma_wait3A_722 : memref<1x2x2x4096xf32, #tpu.memory_space<vmem>> -> memref<2x2x4096xf32, #tpu.memory_space<vmem>>
    %dma_wait3A_724 = arith.constant 0 : i32
    %dma_wait3A_725 = arith.constant 0 : i32
    %dma_wait3A_726 = tpu.memref_slice %dma_wait3A_723[%dma_wait3A_717, %dma_wait3A_724, %dma_wait3A_725] : memref<2x2x4096xf32, #tpu.memory_space<vmem>> -> memref<1x2x4096xf32, #tpu.memory_space<vmem>>
    %dma_wait3A_727 = tpu.memref_squeeze %dma_wait3A_726 : memref<1x2x4096xf32, #tpu.memory_space<vmem>> -> memref<2x4096xf32, #tpu.memory_space<vmem>>
    %dma_wait3A_728 = arith.constant 4096 : i32
    %dma_wait3A_729 = tpu.memref_slice %arg5[%add3A_285, %add3A_347, %dma_wait3A_728] : memref<4x64x8192xf32, #tpu.memory_space<hbm>> -> memref<1x2x4096xf32, #tpu.memory_space<hbm>>
    %dma_wait3A_730 = tpu.memref_squeeze %dma_wait3A_729 : memref<1x2x4096xf32, #tpu.memory_space<hbm>> -> memref<2x4096xf32, #tpu.memory_space<hbm>>
    %dma_wait3A_731 = tpu.memref_slice %arg12[%dma_wait3A_718] : memref<2x!tpu.dma_semaphore, #tpu.memory_space<semaphore_mem>> -> memref<1x!tpu.dma_semaphore, #tpu.memory_space<semaphore_mem>>
    %dma_wait3A_732 = tpu.memref_squeeze %dma_wait3A_731 : memref<1x!tpu.dma_semaphore, #tpu.memory_space<semaphore_mem>> -> memref<!tpu.dma_semaphore, #tpu.memory_space<semaphore_mem>>
    %dma_wait3A_733 = arith.constant 4096 : i32
    %dma_wait3A_734 = tpu.memref_slice %arg5[%add3A_285, %add3A_347, %dma_wait3A_733] : memref<4x64x8192xf32, #tpu.memory_space<hbm>> -> memref<1x2x4096xf32, #tpu.memory_space<hbm>>
    %dma_wait3A_735 = tpu.memref_squeeze %dma_wait3A_734 : memref<1x2x4096xf32, #tpu.memory_space<hbm>> -> memref<2x4096xf32, #tpu.memory_space<hbm>>
    %dma_wait3A_736 = arith.constant 0 : i32
    %dma_wait3A_737 = arith.constant 0 : i32
    %dma_wait3A_738 = arith.constant 0 : i32
    %dma_wait3A_739 = tpu.memref_slice %arg9[%dma_wait3A_716, %dma_wait3A_736, %dma_wait3A_737, %dma_wait3A_738] : memref<2x2x2x4096xf32, #tpu.memory_space<vmem>> -> memref<1x2x2x4096xf32, #tpu.memory_space<vmem>>
    %dma_wait3A_740 = tpu.memref_squeeze %dma_wait3A_739 : memref<1x2x2x4096xf32, #tpu.memory_space<vmem>> -> memref<2x2x4096xf32, #tpu.memory_space<vmem>>
    %dma_wait3A_741 = arith.constant 0 : i32
    %dma_wait3A_742 = arith.constant 0 : i32
    %dma_wait3A_743 = tpu.memref_slice %dma_wait3A_740[%dma_wait3A_717, %dma_wait3A_741, %dma_wait3A_742] : memref<2x2x4096xf32, #tpu.memory_space<vmem>> -> memref<1x2x4096xf32, #tpu.memory_space<vmem>>
    %dma_wait3A_744 = tpu.memref_squeeze %dma_wait3A_743 : memref<1x2x4096xf32, #tpu.memory_space<vmem>> -> memref<2x4096xf32, #tpu.memory_space<vmem>>
    tpu.wait_dma2 semaphore(%dma_wait3A_732 : memref<!tpu.dma_semaphore, #tpu.memory_space<semaphore_mem>>) src(%dma_wait3A_744 : memref<2x4096xf32, #tpu.memory_space<vmem>>) dst(%dma_wait3A_735 : memref<2x4096xf32, #tpu.memory_space<hbm>>)
    %dma_wait3A_745 = arith.constant 1 : i32
    %dma_wait3A_746 = arith.constant 1 : i32
    %dma_wait3A_747 = arith.constant 1 : i32
    %dma_wait3A_748 = arith.constant 0 : i32
    %dma_wait3A_749 = arith.constant 0 : i32
    %dma_wait3A_750 = arith.constant 0 : i32
    %dma_wait3A_751 = tpu.memref_slice %arg9[%dma_wait3A_745, %dma_wait3A_748, %dma_wait3A_749, %dma_wait3A_750] : memref<2x2x2x4096xf32, #tpu.memory_space<vmem>> -> memref<1x2x2x4096xf32, #tpu.memory_space<vmem>>
    %dma_wait3A_752 = tpu.memref_squeeze %dma_wait3A_751 : memref<1x2x2x4096xf32, #tpu.memory_space<vmem>> -> memref<2x2x4096xf32, #tpu.memory_space<vmem>>
    %dma_wait3A_753 = arith.constant 0 : i32
    %dma_wait3A_754 = arith.constant 0 : i32
    %dma_wait3A_755 = tpu.memref_slice %dma_wait3A_752[%dma_wait3A_746, %dma_wait3A_753, %dma_wait3A_754] : memref<2x2x4096xf32, #tpu.memory_space<vmem>> -> memref<1x2x4096xf32, #tpu.memory_space<vmem>>
    %dma_wait3A_756 = tpu.memref_squeeze %dma_wait3A_755 : memref<1x2x4096xf32, #tpu.memory_space<vmem>> -> memref<2x4096xf32, #tpu.memory_space<vmem>>
    %dma_wait3A_757 = arith.constant 4096 : i32
    %dma_wait3A_758 = tpu.memref_slice %arg6[%add3A_285, %add3A_347, %dma_wait3A_757] : memref<4x64x8192xf32, #tpu.memory_space<hbm>> -> memref<1x2x4096xf32, #tpu.memory_space<hbm>>
    %dma_wait3A_759 = tpu.memref_squeeze %dma_wait3A_758 : memref<1x2x4096xf32, #tpu.memory_space<hbm>> -> memref<2x4096xf32, #tpu.memory_space<hbm>>
    %dma_wait3A_760 = tpu.memref_slice %arg12[%dma_wait3A_747] : memref<2x!tpu.dma_semaphore, #tpu.memory_space<semaphore_mem>> -> memref<1x!tpu.dma_semaphore, #tpu.memory_space<semaphore_mem>>
    %dma_wait3A_761 = tpu.memref_squeeze %dma_wait3A_760 : memref<1x!tpu.dma_semaphore, #tpu.memory_space<semaphore_mem>> -> memref<!tpu.dma_semaphore, #tpu.memory_space<semaphore_mem>>
    %dma_wait3A_762 = arith.constant 4096 : i32
    %dma_wait3A_763 = tpu.memref_slice %arg6[%add3A_285, %add3A_347, %dma_wait3A_762] : memref<4x64x8192xf32, #tpu.memory_space<hbm>> -> memref<1x2x4096xf32, #tpu.memory_space<hbm>>
    %dma_wait3A_764 = tpu.memref_squeeze %dma_wait3A_763 : memref<1x2x4096xf32, #tpu.memory_space<hbm>> -> memref<2x4096xf32, #tpu.memory_space<hbm>>
    %dma_wait3A_765 = arith.constant 0 : i32
    %dma_wait3A_766 = arith.constant 0 : i32
    %dma_wait3A_767 = arith.constant 0 : i32
    %dma_wait3A_768 = tpu.memref_slice %arg9[%dma_wait3A_745, %dma_wait3A_765, %dma_wait3A_766, %dma_wait3A_767] : memref<2x2x2x4096xf32, #tpu.memory_space<vmem>> -> memref<1x2x2x4096xf32, #tpu.memory_space<vmem>>
    %dma_wait3A_769 = tpu.memref_squeeze %dma_wait3A_768 : memref<1x2x2x4096xf32, #tpu.memory_space<vmem>> -> memref<2x2x4096xf32, #tpu.memory_space<vmem>>
    %dma_wait3A_770 = arith.constant 0 : i32
    %dma_wait3A_771 = arith.constant 0 : i32
    %dma_wait3A_772 = tpu.memref_slice %dma_wait3A_769[%dma_wait3A_746, %dma_wait3A_770, %dma_wait3A_771] : memref<2x2x4096xf32, #tpu.memory_space<vmem>> -> memref<1x2x4096xf32, #tpu.memory_space<vmem>>
    %dma_wait3A_773 = tpu.memref_squeeze %dma_wait3A_772 : memref<1x2x4096xf32, #tpu.memory_space<vmem>> -> memref<2x4096xf32, #tpu.memory_space<vmem>>
    tpu.wait_dma2 semaphore(%dma_wait3A_761 : memref<!tpu.dma_semaphore, #tpu.memory_space<semaphore_mem>>) src(%dma_wait3A_773 : memref<2x4096xf32, #tpu.memory_space<vmem>>) dst(%dma_wait3A_764 : memref<2x4096xf32, #tpu.memory_space<hbm>>)
    %parallel_loop3A_774 = arith.constant 0 : i32
    %parallel_loop3A_775 = arith.constant 256 : i32
    %parallel_loop3A_776 = arith.constant 1 : i32
    %parallel_loop3A_777 = arith.constant 1 : i32
    scf.for %parallel_loop3A_1132 = %parallel_loop3A_774 to %parallel_loop3A_775 step %parallel_loop3A_776  : i32 {
      %parallel_loop3A_1133 = arith.constant 16 : i32
      %parallel_loop3A_1134 = arith.muli %parallel_loop3A_1132, %parallel_loop3A_1133 : i32
      %parallel_loop3A_1135 = arith.constant 12288 : i32
      %parallel_loop3A_1136 = arith.addi %parallel_loop3A_1135, %parallel_loop3A_1134 : i32
      %parallel_loop3A_1137 = arith.index_cast %parallel_loop3A_1136 : i32 to index
      %parallel_loop3A_1138 = tpu.vector_load %arg8[%parallel_loop3A_1137] {strides = array<i32>} : memref<16384xi32, #tpu.memory_space<vmem>>, vector<16xi32>,
      %parallel_loop3A_1139 = arith.constant 0 : i32
      %parallel_loop3A_1140 = vector.broadcast %parallel_loop3A_1139 : i32 to vector<16xi32>
      %parallel_loop3A_1141 = arith.addi %parallel_loop3A_1138, %parallel_loop3A_1140 : vector<16xi32>
      %parallel_loop3A_1142 = tpu.vector_load_idx %arg7[%parallel_loop3A_1141] : memref<32768xf32, #tpu.memory_space<vmem>>[vector<16xi32>], vector<16xf32>,
      %parallel_loop3A_1143 = arith.constant 16 : i32
      %parallel_loop3A_1144 = arith.muli %parallel_loop3A_1132, %parallel_loop3A_1143 : i32
      %parallel_loop3A_1145 = arith.constant 0 : i32
      %parallel_loop3A_1146 = arith.constant 0 : i32
      %parallel_loop3A_1147 = arith.constant 0 : i32
      %parallel_loop3A_1148 = arith.constant 0 : i32
      %parallel_loop3A_1149 = arith.constant 0 : i32
      %parallel_loop3A_1150 = tpu.memref_slice %arg9[%parallel_loop3A_777, %parallel_loop3A_1147, %parallel_loop3A_1148, %parallel_loop3A_1149] : memref<2x2x2x4096xf32, #tpu.memory_space<vmem>> -> memref<1x2x2x4096xf32, #tpu.memory_space<vmem>>
      %parallel_loop3A_1151 = tpu.memref_squeeze %parallel_loop3A_1150 : memref<1x2x2x4096xf32, #tpu.memory_space<vmem>> -> memref<2x2x4096xf32, #tpu.memory_space<vmem>>
      %parallel_loop3A_1152 = arith.index_cast %parallel_loop3A_1145 : i32 to index
      %parallel_loop3A_1153 = arith.index_cast %parallel_loop3A_1146 : i32 to index
      %parallel_loop3A_1154 = arith.index_cast %parallel_loop3A_1144 : i32 to index
      %parallel_loop3A_1155 = tpu.vector_load %parallel_loop3A_1151[%parallel_loop3A_1152, %parallel_loop3A_1153, %parallel_loop3A_1154] {strides = array<i32>} : memref<2x2x4096xf32, #tpu.memory_space<vmem>>, vector<16xf32>,
      tpu.vector_store %parallel_loop3A_1151[%parallel_loop3A_1152, %parallel_loop3A_1153, %parallel_loop3A_1154], %parallel_loop3A_1142 {strides = array<i32>} : memref<2x2x4096xf32, #tpu.memory_space<vmem>>, vector<16xf32>,
      %parallel_loop3A_1156 = arith.constant 8192 : i32
      %parallel_loop3A_1157 = vector.broadcast %parallel_loop3A_1156 : i32 to vector<16xi32>
      %parallel_loop3A_1158 = arith.addi %parallel_loop3A_1138, %parallel_loop3A_1157 : vector<16xi32>
      %parallel_loop3A_1159 = tpu.vector_load_idx %arg7[%parallel_loop3A_1158] : memref<32768xf32, #tpu.memory_space<vmem>>[vector<16xi32>], vector<16xf32>,
      %parallel_loop3A_1160 = arith.constant 16 : i32
      %parallel_loop3A_1161 = arith.muli %parallel_loop3A_1132, %parallel_loop3A_1160 : i32
      %parallel_loop3A_1162 = arith.constant 0 : i32
      %parallel_loop3A_1163 = arith.constant 1 : i32
      %parallel_loop3A_1164 = arith.constant 0 : i32
      %parallel_loop3A_1165 = arith.constant 0 : i32
      %parallel_loop3A_1166 = arith.constant 0 : i32
      %parallel_loop3A_1167 = tpu.memref_slice %arg9[%parallel_loop3A_777, %parallel_loop3A_1164, %parallel_loop3A_1165, %parallel_loop3A_1166] : memref<2x2x2x4096xf32, #tpu.memory_space<vmem>> -> memref<1x2x2x4096xf32, #tpu.memory_space<vmem>>
      %parallel_loop3A_1168 = tpu.memref_squeeze %parallel_loop3A_1167 : memref<1x2x2x4096xf32, #tpu.memory_space<vmem>> -> memref<2x2x4096xf32, #tpu.memory_space<vmem>>
      %parallel_loop3A_1169 = arith.index_cast %parallel_loop3A_1162 : i32 to index
      %parallel_loop3A_1170 = arith.index_cast %parallel_loop3A_1163 : i32 to index
      %parallel_loop3A_1171 = arith.index_cast %parallel_loop3A_1161 : i32 to index
      %parallel_loop3A_1172 = tpu.vector_load %parallel_loop3A_1168[%parallel_loop3A_1169, %parallel_loop3A_1170, %parallel_loop3A_1171] {strides = array<i32>} : memref<2x2x4096xf32, #tpu.memory_space<vmem>>, vector<16xf32>,
      tpu.vector_store %parallel_loop3A_1168[%parallel_loop3A_1169, %parallel_loop3A_1170, %parallel_loop3A_1171], %parallel_loop3A_1159 {strides = array<i32>} : memref<2x2x4096xf32, #tpu.memory_space<vmem>>, vector<16xf32>,
      %parallel_loop3A_1173 = arith.constant 16384 : i32
      %parallel_loop3A_1174 = vector.broadcast %parallel_loop3A_1173 : i32 to vector<16xi32>
      %parallel_loop3A_1175 = arith.addi %parallel_loop3A_1138, %parallel_loop3A_1174 : vector<16xi32>
      %parallel_loop3A_1176 = tpu.vector_load_idx %arg7[%parallel_loop3A_1175] : memref<32768xf32, #tpu.memory_space<vmem>>[vector<16xi32>], vector<16xf32>,
      %parallel_loop3A_1177 = arith.constant 16 : i32
      %parallel_loop3A_1178 = arith.muli %parallel_loop3A_1132, %parallel_loop3A_1177 : i32
      %parallel_loop3A_1179 = arith.constant 1 : i32
      %parallel_loop3A_1180 = arith.constant 0 : i32
      %parallel_loop3A_1181 = arith.constant 0 : i32
      %parallel_loop3A_1182 = arith.constant 0 : i32
      %parallel_loop3A_1183 = arith.constant 0 : i32
      %parallel_loop3A_1184 = tpu.memref_slice %arg9[%parallel_loop3A_777, %parallel_loop3A_1181, %parallel_loop3A_1182, %parallel_loop3A_1183] : memref<2x2x2x4096xf32, #tpu.memory_space<vmem>> -> memref<1x2x2x4096xf32, #tpu.memory_space<vmem>>
      %parallel_loop3A_1185 = tpu.memref_squeeze %parallel_loop3A_1184 : memref<1x2x2x4096xf32, #tpu.memory_space<vmem>> -> memref<2x2x4096xf32, #tpu.memory_space<vmem>>
      %parallel_loop3A_1186 = arith.index_cast %parallel_loop3A_1179 : i32 to index
      %parallel_loop3A_1187 = arith.index_cast %parallel_loop3A_1180 : i32 to index
      %parallel_loop3A_1188 = arith.index_cast %parallel_loop3A_1178 : i32 to index
      %parallel_loop3A_1189 = tpu.vector_load %parallel_loop3A_1185[%parallel_loop3A_1186, %parallel_loop3A_1187, %parallel_loop3A_1188] {strides = array<i32>} : memref<2x2x4096xf32, #tpu.memory_space<vmem>>, vector<16xf32>,
      tpu.vector_store %parallel_loop3A_1185[%parallel_loop3A_1186, %parallel_loop3A_1187, %parallel_loop3A_1188], %parallel_loop3A_1176 {strides = array<i32>} : memref<2x2x4096xf32, #tpu.memory_space<vmem>>, vector<16xf32>,
      %parallel_loop3A_1190 = arith.constant 24576 : i32
      %parallel_loop3A_1191 = vector.broadcast %parallel_loop3A_1190 : i32 to vector<16xi32>
      %parallel_loop3A_1192 = arith.addi %parallel_loop3A_1138, %parallel_loop3A_1191 : vector<16xi32>
      %parallel_loop3A_1193 = tpu.vector_load_idx %arg7[%parallel_loop3A_1192] : memref<32768xf32, #tpu.memory_space<vmem>>[vector<16xi32>], vector<16xf32>,
      %parallel_loop3A_1194 = arith.constant 16 : i32
      %parallel_loop3A_1195 = arith.muli %parallel_loop3A_1132, %parallel_loop3A_1194 : i32
      %parallel_loop3A_1196 = arith.constant 1 : i32
      %parallel_loop3A_1197 = arith.constant 1 : i32
      %parallel_loop3A_1198 = arith.constant 0 : i32
      %parallel_loop3A_1199 = arith.constant 0 : i32
      %parallel_loop3A_1200 = arith.constant 0 : i32
      %parallel_loop3A_1201 = tpu.memref_slice %arg9[%parallel_loop3A_777, %parallel_loop3A_1198, %parallel_loop3A_1199, %parallel_loop3A_1200] : memref<2x2x2x4096xf32, #tpu.memory_space<vmem>> -> memref<1x2x2x4096xf32, #tpu.memory_space<vmem>>
      %parallel_loop3A_1202 = tpu.memref_squeeze %parallel_loop3A_1201 : memref<1x2x2x4096xf32, #tpu.memory_space<vmem>> -> memref<2x2x4096xf32, #tpu.memory_space<vmem>>
      %parallel_loop3A_1203 = arith.index_cast %parallel_loop3A_1196 : i32 to index
      %parallel_loop3A_1204 = arith.index_cast %parallel_loop3A_1197 : i32 to index
      %parallel_loop3A_1205 = arith.index_cast %parallel_loop3A_1195 : i32 to index
      %parallel_loop3A_1206 = tpu.vector_load %parallel_loop3A_1202[%parallel_loop3A_1203, %parallel_loop3A_1204, %parallel_loop3A_1205] {strides = array<i32>} : memref<2x2x4096xf32, #tpu.memory_space<vmem>>, vector<16xf32>,
      tpu.vector_store %parallel_loop3A_1202[%parallel_loop3A_1203, %parallel_loop3A_1204, %parallel_loop3A_1205], %parallel_loop3A_1193 {strides = array<i32>} : memref<2x2x4096xf32, #tpu.memory_space<vmem>>, vector<16xf32>,
    } {sc.loop_unroll_factor = 4 : i64, sc.parallel_access}
    %add3A_778 = arith.constant 1 : i32
    %add3A_779 = arith.addi %mul3A_34, %add3A_778 : i32
    %add3A_780 = arith.constant 0 : i32
    %add3A_781 = arith.addi %add3A_780, %mul3A_32 : i32
    %dma_start3A_782 = arith.constant 1 : i32
    %dma_start3A_783 = arith.constant 0 : i32
    %dma_start3A_784 = arith.constant 1 : i32
    %dma_start3A_785 = arith.constant 0 : i32
    %dma_start3A_786 = arith.constant 0 : i32
    %dma_start3A_787 = arith.constant 0 : i32
    %dma_start3A_788 = tpu.memref_slice %arg9[%dma_start3A_782, %dma_start3A_785, %dma_start3A_786, %dma_start3A_787] : memref<2x2x2x4096xf32, #tpu.memory_space<vmem>> -> memref<1x2x2x4096xf32, #tpu.memory_space<vmem>>
    %dma_start3A_789 = tpu.memref_squeeze %dma_start3A_788 : memref<1x2x2x4096xf32, #tpu.memory_space<vmem>> -> memref<2x2x4096xf32, #tpu.memory_space<vmem>>
    %dma_start3A_790 = arith.constant 0 : i32
    %dma_start3A_791 = arith.constant 0 : i32
    %dma_start3A_792 = tpu.memref_slice %dma_start3A_789[%dma_start3A_783, %dma_start3A_790, %dma_start3A_791] : memref<2x2x4096xf32, #tpu.memory_space<vmem>> -> memref<1x2x4096xf32, #tpu.memory_space<vmem>>
    %dma_start3A_793 = tpu.memref_squeeze %dma_start3A_792 : memref<1x2x4096xf32, #tpu.memory_space<vmem>> -> memref<2x4096xf32, #tpu.memory_space<vmem>>
    %dma_start3A_794 = arith.constant 4096 : i32
    %dma_start3A_795 = tpu.memref_slice %arg5[%add3A_779, %add3A_781, %dma_start3A_794] : memref<4x64x8192xf32, #tpu.memory_space<hbm>> -> memref<1x2x4096xf32, #tpu.memory_space<hbm>>
    %dma_start3A_796 = tpu.memref_squeeze %dma_start3A_795 : memref<1x2x4096xf32, #tpu.memory_space<hbm>> -> memref<2x4096xf32, #tpu.memory_space<hbm>>
    %dma_start3A_797 = tpu.memref_slice %arg12[%dma_start3A_784] : memref<2x!tpu.dma_semaphore, #tpu.memory_space<semaphore_mem>> -> memref<1x!tpu.dma_semaphore, #tpu.memory_space<semaphore_mem>>
    %dma_start3A_798 = tpu.memref_squeeze %dma_start3A_797 : memref<1x!tpu.dma_semaphore, #tpu.memory_space<semaphore_mem>> -> memref<!tpu.dma_semaphore, #tpu.memory_space<semaphore_mem>>
    %dma_start3A_799 = arith.constant 4096 : i32
    %dma_start3A_800 = tpu.memref_slice %arg5[%add3A_779, %add3A_781, %dma_start3A_799] : memref<4x64x8192xf32, #tpu.memory_space<hbm>> -> memref<1x2x4096xf32, #tpu.memory_space<hbm>>
    %dma_start3A_801 = tpu.memref_squeeze %dma_start3A_800 : memref<1x2x4096xf32, #tpu.memory_space<hbm>> -> memref<2x4096xf32, #tpu.memory_space<hbm>>
    %dma_start3A_802 = arith.constant 0 : i32
    %dma_start3A_803 = arith.constant 0 : i32
    %dma_start3A_804 = arith.constant 0 : i32
    %dma_start3A_805 = tpu.memref_slice %arg9[%dma_start3A_782, %dma_start3A_802, %dma_start3A_803, %dma_start3A_804] : memref<2x2x2x4096xf32, #tpu.memory_space<vmem>> -> memref<1x2x2x4096xf32, #tpu.memory_space<vmem>>
    %dma_start3A_806 = tpu.memref_squeeze %dma_start3A_805 : memref<1x2x2x4096xf32, #tpu.memory_space<vmem>> -> memref<2x2x4096xf32, #tpu.memory_space<vmem>>
    %dma_start3A_807 = arith.constant 0 : i32
    %dma_start3A_808 = arith.constant 0 : i32
    %dma_start3A_809 = tpu.memref_slice %dma_start3A_806[%dma_start3A_783, %dma_start3A_807, %dma_start3A_808] : memref<2x2x4096xf32, #tpu.memory_space<vmem>> -> memref<1x2x4096xf32, #tpu.memory_space<vmem>>
    %dma_start3A_810 = tpu.memref_squeeze %dma_start3A_809 : memref<1x2x4096xf32, #tpu.memory_space<vmem>> -> memref<2x4096xf32, #tpu.memory_space<vmem>>
    tpu.enqueue_dma source(%dma_start3A_810 : memref<2x4096xf32, #tpu.memory_space<vmem>>) target(%dma_start3A_801 : memref<2x4096xf32, #tpu.memory_space<hbm>>) target_semaphore(%dma_start3A_798 : memref<!tpu.dma_semaphore, #tpu.memory_space<semaphore_mem>>)
    %dma_start3A_811 = arith.constant 1 : i32
    %dma_start3A_812 = arith.constant 1 : i32
    %dma_start3A_813 = arith.constant 1 : i32
    %dma_start3A_814 = arith.constant 0 : i32
    %dma_start3A_815 = arith.constant 0 : i32
    %dma_start3A_816 = arith.constant 0 : i32
    %dma_start3A_817 = tpu.memref_slice %arg9[%dma_start3A_811, %dma_start3A_814, %dma_start3A_815, %dma_start3A_816] : memref<2x2x2x4096xf32, #tpu.memory_space<vmem>> -> memref<1x2x2x4096xf32, #tpu.memory_space<vmem>>
    %dma_start3A_818 = tpu.memref_squeeze %dma_start3A_817 : memref<1x2x2x4096xf32, #tpu.memory_space<vmem>> -> memref<2x2x4096xf32, #tpu.memory_space<vmem>>
    %dma_start3A_819 = arith.constant 0 : i32
    %dma_start3A_820 = arith.constant 0 : i32
    %dma_start3A_821 = tpu.memref_slice %dma_start3A_818[%dma_start3A_812, %dma_start3A_819, %dma_start3A_820] : memref<2x2x4096xf32, #tpu.memory_space<vmem>> -> memref<1x2x4096xf32, #tpu.memory_space<vmem>>
    %dma_start3A_822 = tpu.memref_squeeze %dma_start3A_821 : memref<1x2x4096xf32, #tpu.memory_space<vmem>> -> memref<2x4096xf32, #tpu.memory_space<vmem>>
    %dma_start3A_823 = arith.constant 4096 : i32
    %dma_start3A_824 = tpu.memref_slice %arg6[%add3A_779, %add3A_781, %dma_start3A_823] : memref<4x64x8192xf32, #tpu.memory_space<hbm>> -> memref<1x2x4096xf32, #tpu.memory_space<hbm>>
    %dma_start3A_825 = tpu.memref_squeeze %dma_start3A_824 : memref<1x2x4096xf32, #tpu.memory_space<hbm>> -> memref<2x4096xf32, #tpu.memory_space<hbm>>
    %dma_start3A_826 = tpu.memref_slice %arg12[%dma_start3A_813] : memref<2x!tpu.dma_semaphore, #tpu.memory_space<semaphore_mem>> -> memref<1x!tpu.dma_semaphore, #tpu.memory_space<semaphore_mem>>
    %dma_start3A_827 = tpu.memref_squeeze %dma_start3A_826 : memref<1x!tpu.dma_semaphore, #tpu.memory_space<semaphore_mem>> -> memref<!tpu.dma_semaphore, #tpu.memory_space<semaphore_mem>>
    %dma_start3A_828 = arith.constant 4096 : i32
    %dma_start3A_829 = tpu.memref_slice %arg6[%add3A_779, %add3A_781, %dma_start3A_828] : memref<4x64x8192xf32, #tpu.memory_space<hbm>> -> memref<1x2x4096xf32, #tpu.memory_space<hbm>>
    %dma_start3A_830 = tpu.memref_squeeze %dma_start3A_829 : memref<1x2x4096xf32, #tpu.memory_space<hbm>> -> memref<2x4096xf32, #tpu.memory_space<hbm>>
    %dma_start3A_831 = arith.constant 0 : i32
    %dma_start3A_832 = arith.constant 0 : i32
    %dma_start3A_833 = arith.constant 0 : i32
    %dma_start3A_834 = tpu.memref_slice %arg9[%dma_start3A_811, %dma_start3A_831, %dma_start3A_832, %dma_start3A_833] : memref<2x2x2x4096xf32, #tpu.memory_space<vmem>> -> memref<1x2x2x4096xf32, #tpu.memory_space<vmem>>
    %dma_start3A_835 = tpu.memref_squeeze %dma_start3A_834 : memref<1x2x2x4096xf32, #tpu.memory_space<vmem>> -> memref<2x2x4096xf32, #tpu.memory_space<vmem>>
    %dma_start3A_836 = arith.constant 0 : i32
    %dma_start3A_837 = arith.constant 0 : i32
    %dma_start3A_838 = tpu.memref_slice %dma_start3A_835[%dma_start3A_812, %dma_start3A_836, %dma_start3A_837] : memref<2x2x4096xf32, #tpu.memory_space<vmem>> -> memref<1x2x4096xf32, #tpu.memory_space<vmem>>
    %dma_start3A_839 = tpu.memref_squeeze %dma_start3A_838 : memref<1x2x4096xf32, #tpu.memory_space<vmem>> -> memref<2x4096xf32, #tpu.memory_space<vmem>>
    tpu.enqueue_dma source(%dma_start3A_839 : memref<2x4096xf32, #tpu.memory_space<vmem>>) target(%dma_start3A_830 : memref<2x4096xf32, #tpu.memory_space<hbm>>) target_semaphore(%dma_start3A_827 : memref<!tpu.dma_semaphore, #tpu.memory_space<semaphore_mem>>)
    %add3A_840 = arith.constant 32 : i32
    %add3A_841 = arith.addi %add3A_840, %mul3A_32 : i32
    %dma_start3A_842 = arith.constant 1 : i32
    %dma_start3A_843 = arith.constant 0 : i32
    %dma_start3A_844 = arith.constant 1 : i32
    %dma_start3A_845 = arith.constant 0 : i32
    %dma_start3A_846 = arith.constant 0 : i32
    %dma_start3A_847 = arith.constant 0 : i32
    %dma_start3A_848 = tpu.memref_slice %arg9[%dma_start3A_842, %dma_start3A_845, %dma_start3A_846, %dma_start3A_847] : memref<2x2x2x4096xf32, #tpu.memory_space<vmem>> -> memref<1x2x2x4096xf32, #tpu.memory_space<vmem>>
    %dma_start3A_849 = tpu.memref_squeeze %dma_start3A_848 : memref<1x2x2x4096xf32, #tpu.memory_space<vmem>> -> memref<2x2x4096xf32, #tpu.memory_space<vmem>>
    %dma_start3A_850 = arith.constant 0 : i32
    %dma_start3A_851 = arith.constant 0 : i32
    %dma_start3A_852 = tpu.memref_slice %dma_start3A_849[%dma_start3A_843, %dma_start3A_850, %dma_start3A_851] : memref<2x2x4096xf32, #tpu.memory_space<vmem>> -> memref<1x2x4096xf32, #tpu.memory_space<vmem>>
    %dma_start3A_853 = tpu.memref_squeeze %dma_start3A_852 : memref<1x2x4096xf32, #tpu.memory_space<vmem>> -> memref<2x4096xf32, #tpu.memory_space<vmem>>
    %dma_start3A_854 = arith.constant 4096 : i32
    %dma_start3A_855 = tpu.memref_slice %arg5[%add3A_779, %add3A_841, %dma_start3A_854] : memref<4x64x8192xf32, #tpu.memory_space<hbm>> -> memref<1x2x4096xf32, #tpu.memory_space<hbm>>
    %dma_start3A_856 = tpu.memref_squeeze %dma_start3A_855 : memref<1x2x4096xf32, #tpu.memory_space<hbm>> -> memref<2x4096xf32, #tpu.memory_space<hbm>>
    %dma_start3A_857 = tpu.memref_slice %arg12[%dma_start3A_844] : memref<2x!tpu.dma_semaphore, #tpu.memory_space<semaphore_mem>> -> memref<1x!tpu.dma_semaphore, #tpu.memory_space<semaphore_mem>>
    %dma_start3A_858 = tpu.memref_squeeze %dma_start3A_857 : memref<1x!tpu.dma_semaphore, #tpu.memory_space<semaphore_mem>> -> memref<!tpu.dma_semaphore, #tpu.memory_space<semaphore_mem>>
    %dma_start3A_859 = arith.constant 4096 : i32
    %dma_start3A_860 = tpu.memref_slice %arg5[%add3A_779, %add3A_841, %dma_start3A_859] : memref<4x64x8192xf32, #tpu.memory_space<hbm>> -> memref<1x2x4096xf32, #tpu.memory_space<hbm>>
    %dma_start3A_861 = tpu.memref_squeeze %dma_start3A_860 : memref<1x2x4096xf32, #tpu.memory_space<hbm>> -> memref<2x4096xf32, #tpu.memory_space<hbm>>
    %dma_start3A_862 = arith.constant 0 : i32
    %dma_start3A_863 = arith.constant 0 : i32
    %dma_start3A_864 = arith.constant 0 : i32
    %dma_start3A_865 = tpu.memref_slice %arg9[%dma_start3A_842, %dma_start3A_862, %dma_start3A_863, %dma_start3A_864] : memref<2x2x2x4096xf32, #tpu.memory_space<vmem>> -> memref<1x2x2x4096xf32, #tpu.memory_space<vmem>>
    %dma_start3A_866 = tpu.memref_squeeze %dma_start3A_865 : memref<1x2x2x4096xf32, #tpu.memory_space<vmem>> -> memref<2x2x4096xf32, #tpu.memory_space<vmem>>
    %dma_start3A_867 = arith.constant 0 : i32
    %dma_start3A_868 = arith.constant 0 : i32
    %dma_start3A_869 = tpu.memref_slice %dma_start3A_866[%dma_start3A_843, %dma_start3A_867, %dma_start3A_868] : memref<2x2x4096xf32, #tpu.memory_space<vmem>> -> memref<1x2x4096xf32, #tpu.memory_space<vmem>>
    %dma_start3A_870 = tpu.memref_squeeze %dma_start3A_869 : memref<1x2x4096xf32, #tpu.memory_space<vmem>> -> memref<2x4096xf32, #tpu.memory_space<vmem>>
    tpu.enqueue_dma source(%dma_start3A_870 : memref<2x4096xf32, #tpu.memory_space<vmem>>) target(%dma_start3A_861 : memref<2x4096xf32, #tpu.memory_space<hbm>>) target_semaphore(%dma_start3A_858 : memref<!tpu.dma_semaphore, #tpu.memory_space<semaphore_mem>>)
    %dma_start3A_871 = arith.constant 1 : i32
    %dma_start3A_872 = arith.constant 1 : i32
    %dma_start3A_873 = arith.constant 1 : i32
    %dma_start3A_874 = arith.constant 0 : i32
    %dma_start3A_875 = arith.constant 0 : i32
    %dma_start3A_876 = arith.constant 0 : i32
    %dma_start3A_877 = tpu.memref_slice %arg9[%dma_start3A_871, %dma_start3A_874, %dma_start3A_875, %dma_start3A_876] : memref<2x2x2x4096xf32, #tpu.memory_space<vmem>> -> memref<1x2x2x4096xf32, #tpu.memory_space<vmem>>
    %dma_start3A_878 = tpu.memref_squeeze %dma_start3A_877 : memref<1x2x2x4096xf32, #tpu.memory_space<vmem>> -> memref<2x2x4096xf32, #tpu.memory_space<vmem>>
    %dma_start3A_879 = arith.constant 0 : i32
    %dma_start3A_880 = arith.constant 0 : i32
    %dma_start3A_881 = tpu.memref_slice %dma_start3A_878[%dma_start3A_872, %dma_start3A_879, %dma_start3A_880] : memref<2x2x4096xf32, #tpu.memory_space<vmem>> -> memref<1x2x4096xf32, #tpu.memory_space<vmem>>
    %dma_start3A_882 = tpu.memref_squeeze %dma_start3A_881 : memref<1x2x4096xf32, #tpu.memory_space<vmem>> -> memref<2x4096xf32, #tpu.memory_space<vmem>>
    %dma_start3A_883 = arith.constant 4096 : i32
    %dma_start3A_884 = tpu.memref_slice %arg6[%add3A_779, %add3A_841, %dma_start3A_883] : memref<4x64x8192xf32, #tpu.memory_space<hbm>> -> memref<1x2x4096xf32, #tpu.memory_space<hbm>>
    %dma_start3A_885 = tpu.memref_squeeze %dma_start3A_884 : memref<1x2x4096xf32, #tpu.memory_space<hbm>> -> memref<2x4096xf32, #tpu.memory_space<hbm>>
    %dma_start3A_886 = tpu.memref_slice %arg12[%dma_start3A_873] : memref<2x!tpu.dma_semaphore, #tpu.memory_space<semaphore_mem>> -> memref<1x!tpu.dma_semaphore, #tpu.memory_space<semaphore_mem>>
    %dma_start3A_887 = tpu.memref_squeeze %dma_start3A_886 : memref<1x!tpu.dma_semaphore, #tpu.memory_space<semaphore_mem>> -> memref<!tpu.dma_semaphore, #tpu.memory_space<semaphore_mem>>
    %dma_start3A_888 = arith.constant 4096 : i32
    %dma_start3A_889 = tpu.memref_slice %arg6[%add3A_779, %add3A_841, %dma_start3A_888] : memref<4x64x8192xf32, #tpu.memory_space<hbm>> -> memref<1x2x4096xf32, #tpu.memory_space<hbm>>
    %dma_start3A_890 = tpu.memref_squeeze %dma_start3A_889 : memref<1x2x4096xf32, #tpu.memory_space<hbm>> -> memref<2x4096xf32, #tpu.memory_space<hbm>>
    %dma_start3A_891 = arith.constant 0 : i32
    %dma_start3A_892 = arith.constant 0 : i32
    %dma_start3A_893 = arith.constant 0 : i32
    %dma_start3A_894 = tpu.memref_slice %arg9[%dma_start3A_871, %dma_start3A_891, %dma_start3A_892, %dma_start3A_893] : memref<2x2x2x4096xf32, #tpu.memory_space<vmem>> -> memref<1x2x2x4096xf32, #tpu.memory_space<vmem>>
    %dma_start3A_895 = tpu.memref_squeeze %dma_start3A_894 : memref<1x2x2x4096xf32, #tpu.memory_space<vmem>> -> memref<2x2x4096xf32, #tpu.memory_space<vmem>>
    %dma_start3A_896 = arith.constant 0 : i32
    %dma_start3A_897 = arith.constant 0 : i32
    %dma_start3A_898 = tpu.memref_slice %dma_start3A_895[%dma_start3A_872, %dma_start3A_896, %dma_start3A_897] : memref<2x2x4096xf32, #tpu.memory_space<vmem>> -> memref<1x2x4096xf32, #tpu.memory_space<vmem>>
    %dma_start3A_899 = tpu.memref_squeeze %dma_start3A_898 : memref<1x2x4096xf32, #tpu.memory_space<vmem>> -> memref<2x4096xf32, #tpu.memory_space<vmem>>
    tpu.enqueue_dma source(%dma_start3A_899 : memref<2x4096xf32, #tpu.memory_space<vmem>>) target(%dma_start3A_890 : memref<2x4096xf32, #tpu.memory_space<hbm>>) target_semaphore(%dma_start3A_887 : memref<!tpu.dma_semaphore, #tpu.memory_space<semaphore_mem>>)
    %dma_wait3A_900 = arith.constant 0 : i32
    %dma_wait3A_901 = arith.constant 0 : i32
    %dma_wait3A_902 = arith.constant 0 : i32
    %dma_wait3A_903 = arith.constant 0 : i32
    %dma_wait3A_904 = arith.constant 0 : i32
    %dma_wait3A_905 = arith.constant 0 : i32
    %dma_wait3A_906 = tpu.memref_slice %arg9[%dma_wait3A_900, %dma_wait3A_903, %dma_wait3A_904, %dma_wait3A_905] : memref<2x2x2x4096xf32, #tpu.memory_space<vmem>> -> memref<1x2x2x4096xf32, #tpu.memory_space<vmem>>
    %dma_wait3A_907 = tpu.memref_squeeze %dma_wait3A_906 : memref<1x2x2x4096xf32, #tpu.memory_space<vmem>> -> memref<2x2x4096xf32, #tpu.memory_space<vmem>>
    %dma_wait3A_908 = arith.constant 0 : i32
    %dma_wait3A_909 = arith.constant 0 : i32
    %dma_wait3A_910 = tpu.memref_slice %dma_wait3A_907[%dma_wait3A_901, %dma_wait3A_908, %dma_wait3A_909] : memref<2x2x4096xf32, #tpu.memory_space<vmem>> -> memref<1x2x4096xf32, #tpu.memory_space<vmem>>
    %dma_wait3A_911 = tpu.memref_squeeze %dma_wait3A_910 : memref<1x2x4096xf32, #tpu.memory_space<vmem>> -> memref<2x4096xf32, #tpu.memory_space<vmem>>
    %dma_wait3A_912 = arith.constant 0 : i32
    %dma_wait3A_913 = tpu.memref_slice %arg5[%add3A_537, %add3A_539, %dma_wait3A_912] : memref<4x64x8192xf32, #tpu.memory_space<hbm>> -> memref<1x2x4096xf32, #tpu.memory_space<hbm>>
    %dma_wait3A_914 = tpu.memref_squeeze %dma_wait3A_913 : memref<1x2x4096xf32, #tpu.memory_space<hbm>> -> memref<2x4096xf32, #tpu.memory_space<hbm>>
    %dma_wait3A_915 = tpu.memref_slice %arg12[%dma_wait3A_902] : memref<2x!tpu.dma_semaphore, #tpu.memory_space<semaphore_mem>> -> memref<1x!tpu.dma_semaphore, #tpu.memory_space<semaphore_mem>>
    %dma_wait3A_916 = tpu.memref_squeeze %dma_wait3A_915 : memref<1x!tpu.dma_semaphore, #tpu.memory_space<semaphore_mem>> -> memref<!tpu.dma_semaphore, #tpu.memory_space<semaphore_mem>>
    %dma_wait3A_917 = arith.constant 0 : i32
    %dma_wait3A_918 = tpu.memref_slice %arg5[%add3A_537, %add3A_539, %dma_wait3A_917] : memref<4x64x8192xf32, #tpu.memory_space<hbm>> -> memref<1x2x4096xf32, #tpu.memory_space<hbm>>
    %dma_wait3A_919 = tpu.memref_squeeze %dma_wait3A_918 : memref<1x2x4096xf32, #tpu.memory_space<hbm>> -> memref<2x4096xf32, #tpu.memory_space<hbm>>
    %dma_wait3A_920 = arith.constant 0 : i32
    %dma_wait3A_921 = arith.constant 0 : i32
    %dma_wait3A_922 = arith.constant 0 : i32
    %dma_wait3A_923 = tpu.memref_slice %arg9[%dma_wait3A_900, %dma_wait3A_920, %dma_wait3A_921, %dma_wait3A_922] : memref<2x2x2x4096xf32, #tpu.memory_space<vmem>> -> memref<1x2x2x4096xf32, #tpu.memory_space<vmem>>
    %dma_wait3A_924 = tpu.memref_squeeze %dma_wait3A_923 : memref<1x2x2x4096xf32, #tpu.memory_space<vmem>> -> memref<2x2x4096xf32, #tpu.memory_space<vmem>>
    %dma_wait3A_925 = arith.constant 0 : i32
    %dma_wait3A_926 = arith.constant 0 : i32
    %dma_wait3A_927 = tpu.memref_slice %dma_wait3A_924[%dma_wait3A_901, %dma_wait3A_925, %dma_wait3A_926] : memref<2x2x4096xf32, #tpu.memory_space<vmem>> -> memref<1x2x4096xf32, #tpu.memory_space<vmem>>
    %dma_wait3A_928 = tpu.memref_squeeze %dma_wait3A_927 : memref<1x2x4096xf32, #tpu.memory_space<vmem>> -> memref<2x4096xf32, #tpu.memory_space<vmem>>
    tpu.wait_dma2 semaphore(%dma_wait3A_916 : memref<!tpu.dma_semaphore, #tpu.memory_space<semaphore_mem>>) src(%dma_wait3A_928 : memref<2x4096xf32, #tpu.memory_space<vmem>>) dst(%dma_wait3A_919 : memref<2x4096xf32, #tpu.memory_space<hbm>>)
    %dma_wait3A_929 = arith.constant 0 : i32
    %dma_wait3A_930 = arith.constant 1 : i32
    %dma_wait3A_931 = arith.constant 0 : i32
    %dma_wait3A_932 = arith.constant 0 : i32
    %dma_wait3A_933 = arith.constant 0 : i32
    %dma_wait3A_934 = arith.constant 0 : i32
    %dma_wait3A_935 = tpu.memref_slice %arg9[%dma_wait3A_929, %dma_wait3A_932, %dma_wait3A_933, %dma_wait3A_934] : memref<2x2x2x4096xf32, #tpu.memory_space<vmem>> -> memref<1x2x2x4096xf32, #tpu.memory_space<vmem>>
    %dma_wait3A_936 = tpu.memref_squeeze %dma_wait3A_935 : memref<1x2x2x4096xf32, #tpu.memory_space<vmem>> -> memref<2x2x4096xf32, #tpu.memory_space<vmem>>
    %dma_wait3A_937 = arith.constant 0 : i32
    %dma_wait3A_938 = arith.constant 0 : i32
    %dma_wait3A_939 = tpu.memref_slice %dma_wait3A_936[%dma_wait3A_930, %dma_wait3A_937, %dma_wait3A_938] : memref<2x2x4096xf32, #tpu.memory_space<vmem>> -> memref<1x2x4096xf32, #tpu.memory_space<vmem>>
    %dma_wait3A_940 = tpu.memref_squeeze %dma_wait3A_939 : memref<1x2x4096xf32, #tpu.memory_space<vmem>> -> memref<2x4096xf32, #tpu.memory_space<vmem>>
    %dma_wait3A_941 = arith.constant 0 : i32
    %dma_wait3A_942 = tpu.memref_slice %arg6[%add3A_537, %add3A_539, %dma_wait3A_941] : memref<4x64x8192xf32, #tpu.memory_space<hbm>> -> memref<1x2x4096xf32, #tpu.memory_space<hbm>>
    %dma_wait3A_943 = tpu.memref_squeeze %dma_wait3A_942 : memref<1x2x4096xf32, #tpu.memory_space<hbm>> -> memref<2x4096xf32, #tpu.memory_space<hbm>>
    %dma_wait3A_944 = tpu.memref_slice %arg12[%dma_wait3A_931] : memref<2x!tpu.dma_semaphore, #tpu.memory_space<semaphore_mem>> -> memref<1x!tpu.dma_semaphore, #tpu.memory_space<semaphore_mem>>
    %dma_wait3A_945 = tpu.memref_squeeze %dma_wait3A_944 : memref<1x!tpu.dma_semaphore, #tpu.memory_space<semaphore_mem>> -> memref<!tpu.dma_semaphore, #tpu.memory_space<semaphore_mem>>
    %dma_wait3A_946 = arith.constant 0 : i32
    %dma_wait3A_947 = tpu.memref_slice %arg6[%add3A_537, %add3A_539, %dma_wait3A_946] : memref<4x64x8192xf32, #tpu.memory_space<hbm>> -> memref<1x2x4096xf32, #tpu.memory_space<hbm>>
    %dma_wait3A_948 = tpu.memref_squeeze %dma_wait3A_947 : memref<1x2x4096xf32, #tpu.memory_space<hbm>> -> memref<2x4096xf32, #tpu.memory_space<hbm>>
    %dma_wait3A_949 = arith.constant 0 : i32
    %dma_wait3A_950 = arith.constant 0 : i32
    %dma_wait3A_951 = arith.constant 0 : i32
    %dma_wait3A_952 = tpu.memref_slice %arg9[%dma_wait3A_929, %dma_wait3A_949, %dma_wait3A_950, %dma_wait3A_951] : memref<2x2x2x4096xf32, #tpu.memory_space<vmem>> -> memref<1x2x2x4096xf32, #tpu.memory_space<vmem>>
    %dma_wait3A_953 = tpu.memref_squeeze %dma_wait3A_952 : memref<1x2x2x4096xf32, #tpu.memory_space<vmem>> -> memref<2x2x4096xf32, #tpu.memory_space<vmem>>
    %dma_wait3A_954 = arith.constant 0 : i32
    %dma_wait3A_955 = arith.constant 0 : i32
    %dma_wait3A_956 = tpu.memref_slice %dma_wait3A_953[%dma_wait3A_930, %dma_wait3A_954, %dma_wait3A_955] : memref<2x2x4096xf32, #tpu.memory_space<vmem>> -> memref<1x2x4096xf32, #tpu.memory_space<vmem>>
    %dma_wait3A_957 = tpu.memref_squeeze %dma_wait3A_956 : memref<1x2x4096xf32, #tpu.memory_space<vmem>> -> memref<2x4096xf32, #tpu.memory_space<vmem>>
    tpu.wait_dma2 semaphore(%dma_wait3A_945 : memref<!tpu.dma_semaphore, #tpu.memory_space<semaphore_mem>>) src(%dma_wait3A_957 : memref<2x4096xf32, #tpu.memory_space<vmem>>) dst(%dma_wait3A_948 : memref<2x4096xf32, #tpu.memory_space<hbm>>)
    %dma_wait3A_958 = arith.constant 0 : i32
    %dma_wait3A_959 = arith.constant 0 : i32
    %dma_wait3A_960 = arith.constant 0 : i32
    %dma_wait3A_961 = arith.constant 0 : i32
    %dma_wait3A_962 = arith.constant 0 : i32
    %dma_wait3A_963 = arith.constant 0 : i32
    %dma_wait3A_964 = tpu.memref_slice %arg9[%dma_wait3A_958, %dma_wait3A_961, %dma_wait3A_962, %dma_wait3A_963] : memref<2x2x2x4096xf32, #tpu.memory_space<vmem>> -> memref<1x2x2x4096xf32, #tpu.memory_space<vmem>>
    %dma_wait3A_965 = tpu.memref_squeeze %dma_wait3A_964 : memref<1x2x2x4096xf32, #tpu.memory_space<vmem>> -> memref<2x2x4096xf32, #tpu.memory_space<vmem>>
    %dma_wait3A_966 = arith.constant 0 : i32
    %dma_wait3A_967 = arith.constant 0 : i32
    %dma_wait3A_968 = tpu.memref_slice %dma_wait3A_965[%dma_wait3A_959, %dma_wait3A_966, %dma_wait3A_967] : memref<2x2x4096xf32, #tpu.memory_space<vmem>> -> memref<1x2x4096xf32, #tpu.memory_space<vmem>>
    %dma_wait3A_969 = tpu.memref_squeeze %dma_wait3A_968 : memref<1x2x4096xf32, #tpu.memory_space<vmem>> -> memref<2x4096xf32, #tpu.memory_space<vmem>>
    %dma_wait3A_970 = arith.constant 0 : i32
    %dma_wait3A_971 = tpu.memref_slice %arg5[%add3A_537, %add3A_599, %dma_wait3A_970] : memref<4x64x8192xf32, #tpu.memory_space<hbm>> -> memref<1x2x4096xf32, #tpu.memory_space<hbm>>
    %dma_wait3A_972 = tpu.memref_squeeze %dma_wait3A_971 : memref<1x2x4096xf32, #tpu.memory_space<hbm>> -> memref<2x4096xf32, #tpu.memory_space<hbm>>
    %dma_wait3A_973 = tpu.memref_slice %arg12[%dma_wait3A_960] : memref<2x!tpu.dma_semaphore, #tpu.memory_space<semaphore_mem>> -> memref<1x!tpu.dma_semaphore, #tpu.memory_space<semaphore_mem>>
    %dma_wait3A_974 = tpu.memref_squeeze %dma_wait3A_973 : memref<1x!tpu.dma_semaphore, #tpu.memory_space<semaphore_mem>> -> memref<!tpu.dma_semaphore, #tpu.memory_space<semaphore_mem>>
    %dma_wait3A_975 = arith.constant 0 : i32
    %dma_wait3A_976 = tpu.memref_slice %arg5[%add3A_537, %add3A_599, %dma_wait3A_975] : memref<4x64x8192xf32, #tpu.memory_space<hbm>> -> memref<1x2x4096xf32, #tpu.memory_space<hbm>>
    %dma_wait3A_977 = tpu.memref_squeeze %dma_wait3A_976 : memref<1x2x4096xf32, #tpu.memory_space<hbm>> -> memref<2x4096xf32, #tpu.memory_space<hbm>>
    %dma_wait3A_978 = arith.constant 0 : i32
    %dma_wait3A_979 = arith.constant 0 : i32
    %dma_wait3A_980 = arith.constant 0 : i32
    %dma_wait3A_981 = tpu.memref_slice %arg9[%dma_wait3A_958, %dma_wait3A_978, %dma_wait3A_979, %dma_wait3A_980] : memref<2x2x2x4096xf32, #tpu.memory_space<vmem>> -> memref<1x2x2x4096xf32, #tpu.memory_space<vmem>>
    %dma_wait3A_982 = tpu.memref_squeeze %dma_wait3A_981 : memref<1x2x2x4096xf32, #tpu.memory_space<vmem>> -> memref<2x2x4096xf32, #tpu.memory_space<vmem>>
    %dma_wait3A_983 = arith.constant 0 : i32
    %dma_wait3A_984 = arith.constant 0 : i32
    %dma_wait3A_985 = tpu.memref_slice %dma_wait3A_982[%dma_wait3A_959, %dma_wait3A_983, %dma_wait3A_984] : memref<2x2x4096xf32, #tpu.memory_space<vmem>> -> memref<1x2x4096xf32, #tpu.memory_space<vmem>>
    %dma_wait3A_986 = tpu.memref_squeeze %dma_wait3A_985 : memref<1x2x4096xf32, #tpu.memory_space<vmem>> -> memref<2x4096xf32, #tpu.memory_space<vmem>>
    tpu.wait_dma2 semaphore(%dma_wait3A_974 : memref<!tpu.dma_semaphore, #tpu.memory_space<semaphore_mem>>) src(%dma_wait3A_986 : memref<2x4096xf32, #tpu.memory_space<vmem>>) dst(%dma_wait3A_977 : memref<2x4096xf32, #tpu.memory_space<hbm>>)
    %dma_wait3A_987 = arith.constant 0 : i32
    %dma_wait3A_988 = arith.constant 1 : i32
    %dma_wait3A_989 = arith.constant 0 : i32
    %dma_wait3A_990 = arith.constant 0 : i32
    %dma_wait3A_991 = arith.constant 0 : i32
    %dma_wait3A_992 = arith.constant 0 : i32
    %dma_wait3A_993 = tpu.memref_slice %arg9[%dma_wait3A_987, %dma_wait3A_990, %dma_wait3A_991, %dma_wait3A_992] : memref<2x2x2x4096xf32, #tpu.memory_space<vmem>> -> memref<1x2x2x4096xf32, #tpu.memory_space<vmem>>
    %dma_wait3A_994 = tpu.memref_squeeze %dma_wait3A_993 : memref<1x2x2x4096xf32, #tpu.memory_space<vmem>> -> memref<2x2x4096xf32, #tpu.memory_space<vmem>>
    %dma_wait3A_995 = arith.constant 0 : i32
    %dma_wait3A_996 = arith.constant 0 : i32
    %dma_wait3A_997 = tpu.memref_slice %dma_wait3A_994[%dma_wait3A_988, %dma_wait3A_995, %dma_wait3A_996] : memref<2x2x4096xf32, #tpu.memory_space<vmem>> -> memref<1x2x4096xf32, #tpu.memory_space<vmem>>
    %dma_wait3A_998 = tpu.memref_squeeze %dma_wait3A_997 : memref<1x2x4096xf32, #tpu.memory_space<vmem>> -> memref<2x4096xf32, #tpu.memory_space<vmem>>
    %dma_wait3A_999 = arith.constant 0 : i32
    %dma_wait3A_1000 = tpu.memref_slice %arg6[%add3A_537, %add3A_599, %dma_wait3A_999] : memref<4x64x8192xf32, #tpu.memory_space<hbm>> -> memref<1x2x4096xf32, #tpu.memory_space<hbm>>
    %dma_wait3A_1001 = tpu.memref_squeeze %dma_wait3A_1000 : memref<1x2x4096xf32, #tpu.memory_space<hbm>> -> memref<2x4096xf32, #tpu.memory_space<hbm>>
    %dma_wait3A_1002 = tpu.memref_slice %arg12[%dma_wait3A_989] : memref<2x!tpu.dma_semaphore, #tpu.memory_space<semaphore_mem>> -> memref<1x!tpu.dma_semaphore, #tpu.memory_space<semaphore_mem>>
    %dma_wait3A_1003 = tpu.memref_squeeze %dma_wait3A_1002 : memref<1x!tpu.dma_semaphore, #tpu.memory_space<semaphore_mem>> -> memref<!tpu.dma_semaphore, #tpu.memory_space<semaphore_mem>>
    %dma_wait3A_1004 = arith.constant 0 : i32
    %dma_wait3A_1005 = tpu.memref_slice %arg6[%add3A_537, %add3A_599, %dma_wait3A_1004] : memref<4x64x8192xf32, #tpu.memory_space<hbm>> -> memref<1x2x4096xf32, #tpu.memory_space<hbm>>
    %dma_wait3A_1006 = tpu.memref_squeeze %dma_wait3A_1005 : memref<1x2x4096xf32, #tpu.memory_space<hbm>> -> memref<2x4096xf32, #tpu.memory_space<hbm>>
    %dma_wait3A_1007 = arith.constant 0 : i32
    %dma_wait3A_1008 = arith.constant 0 : i32
    %dma_wait3A_1009 = arith.constant 0 : i32
    %dma_wait3A_1010 = tpu.memref_slice %arg9[%dma_wait3A_987, %dma_wait3A_1007, %dma_wait3A_1008, %dma_wait3A_1009] : memref<2x2x2x4096xf32, #tpu.memory_space<vmem>> -> memref<1x2x2x4096xf32, #tpu.memory_space<vmem>>
    %dma_wait3A_1011 = tpu.memref_squeeze %dma_wait3A_1010 : memref<1x2x2x4096xf32, #tpu.memory_space<vmem>> -> memref<2x2x4096xf32, #tpu.memory_space<vmem>>
    %dma_wait3A_1012 = arith.constant 0 : i32
    %dma_wait3A_1013 = arith.constant 0 : i32
    %dma_wait3A_1014 = tpu.memref_slice %dma_wait3A_1011[%dma_wait3A_988, %dma_wait3A_1012, %dma_wait3A_1013] : memref<2x2x4096xf32, #tpu.memory_space<vmem>> -> memref<1x2x4096xf32, #tpu.memory_space<vmem>>
    %dma_wait3A_1015 = tpu.memref_squeeze %dma_wait3A_1014 : memref<1x2x4096xf32, #tpu.memory_space<vmem>> -> memref<2x4096xf32, #tpu.memory_space<vmem>>
    tpu.wait_dma2 semaphore(%dma_wait3A_1003 : memref<!tpu.dma_semaphore, #tpu.memory_space<semaphore_mem>>) src(%dma_wait3A_1015 : memref<2x4096xf32, #tpu.memory_space<vmem>>) dst(%dma_wait3A_1006 : memref<2x4096xf32, #tpu.memory_space<hbm>>)
    %dma_wait3A_1016 = arith.constant 1 : i32
    %dma_wait3A_1017 = arith.constant 0 : i32
    %dma_wait3A_1018 = arith.constant 1 : i32
    %dma_wait3A_1019 = arith.constant 0 : i32
    %dma_wait3A_1020 = arith.constant 0 : i32
    %dma_wait3A_1021 = arith.constant 0 : i32
    %dma_wait3A_1022 = tpu.memref_slice %arg9[%dma_wait3A_1016, %dma_wait3A_1019, %dma_wait3A_1020, %dma_wait3A_1021] : memref<2x2x2x4096xf32, #tpu.memory_space<vmem>> -> memref<1x2x2x4096xf32, #tpu.memory_space<vmem>>
    %dma_wait3A_1023 = tpu.memref_squeeze %dma_wait3A_1022 : memref<1x2x2x4096xf32, #tpu.memory_space<vmem>> -> memref<2x2x4096xf32, #tpu.memory_space<vmem>>
    %dma_wait3A_1024 = arith.constant 0 : i32
    %dma_wait3A_1025 = arith.constant 0 : i32
    %dma_wait3A_1026 = tpu.memref_slice %dma_wait3A_1023[%dma_wait3A_1017, %dma_wait3A_1024, %dma_wait3A_1025] : memref<2x2x4096xf32, #tpu.memory_space<vmem>> -> memref<1x2x4096xf32, #tpu.memory_space<vmem>>
    %dma_wait3A_1027 = tpu.memref_squeeze %dma_wait3A_1026 : memref<1x2x4096xf32, #tpu.memory_space<vmem>> -> memref<2x4096xf32, #tpu.memory_space<vmem>>
    %dma_wait3A_1028 = arith.constant 4096 : i32
    %dma_wait3A_1029 = tpu.memref_slice %arg5[%add3A_779, %add3A_781, %dma_wait3A_1028] : memref<4x64x8192xf32, #tpu.memory_space<hbm>> -> memref<1x2x4096xf32, #tpu.memory_space<hbm>>
    %dma_wait3A_1030 = tpu.memref_squeeze %dma_wait3A_1029 : memref<1x2x4096xf32, #tpu.memory_space<hbm>> -> memref<2x4096xf32, #tpu.memory_space<hbm>>
    %dma_wait3A_1031 = tpu.memref_slice %arg12[%dma_wait3A_1018] : memref<2x!tpu.dma_semaphore, #tpu.memory_space<semaphore_mem>> -> memref<1x!tpu.dma_semaphore, #tpu.memory_space<semaphore_mem>>
    %dma_wait3A_1032 = tpu.memref_squeeze %dma_wait3A_1031 : memref<1x!tpu.dma_semaphore, #tpu.memory_space<semaphore_mem>> -> memref<!tpu.dma_semaphore, #tpu.memory_space<semaphore_mem>>
    %dma_wait3A_1033 = arith.constant 4096 : i32
    %dma_wait3A_1034 = tpu.memref_slice %arg5[%add3A_779, %add3A_781, %dma_wait3A_1033] : memref<4x64x8192xf32, #tpu.memory_space<hbm>> -> memref<1x2x4096xf32, #tpu.memory_space<hbm>>
    %dma_wait3A_1035 = tpu.memref_squeeze %dma_wait3A_1034 : memref<1x2x4096xf32, #tpu.memory_space<hbm>> -> memref<2x4096xf32, #tpu.memory_space<hbm>>
    %dma_wait3A_1036 = arith.constant 0 : i32
    %dma_wait3A_1037 = arith.constant 0 : i32
    %dma_wait3A_1038 = arith.constant 0 : i32
    %dma_wait3A_1039 = tpu.memref_slice %arg9[%dma_wait3A_1016, %dma_wait3A_1036, %dma_wait3A_1037, %dma_wait3A_1038] : memref<2x2x2x4096xf32, #tpu.memory_space<vmem>> -> memref<1x2x2x4096xf32, #tpu.memory_space<vmem>>
    %dma_wait3A_1040 = tpu.memref_squeeze %dma_wait3A_1039 : memref<1x2x2x4096xf32, #tpu.memory_space<vmem>> -> memref<2x2x4096xf32, #tpu.memory_space<vmem>>
    %dma_wait3A_1041 = arith.constant 0 : i32
    %dma_wait3A_1042 = arith.constant 0 : i32
    %dma_wait3A_1043 = tpu.memref_slice %dma_wait3A_1040[%dma_wait3A_1017, %dma_wait3A_1041, %dma_wait3A_1042] : memref<2x2x4096xf32, #tpu.memory_space<vmem>> -> memref<1x2x4096xf32, #tpu.memory_space<vmem>>
    %dma_wait3A_1044 = tpu.memref_squeeze %dma_wait3A_1043 : memref<1x2x4096xf32, #tpu.memory_space<vmem>> -> memref<2x4096xf32, #tpu.memory_space<vmem>>
    tpu.wait_dma2 semaphore(%dma_wait3A_1032 : memref<!tpu.dma_semaphore, #tpu.memory_space<semaphore_mem>>) src(%dma_wait3A_1044 : memref<2x4096xf32, #tpu.memory_space<vmem>>) dst(%dma_wait3A_1035 : memref<2x4096xf32, #tpu.memory_space<hbm>>)
    %dma_wait3A_1045 = arith.constant 1 : i32
    %dma_wait3A_1046 = arith.constant 1 : i32
    %dma_wait3A_1047 = arith.constant 1 : i32
    %dma_wait3A_1048 = arith.constant 0 : i32
    %dma_wait3A_1049 = arith.constant 0 : i32
    %dma_wait3A_1050 = arith.constant 0 : i32
    %dma_wait3A_1051 = tpu.memref_slice %arg9[%dma_wait3A_1045, %dma_wait3A_1048, %dma_wait3A_1049, %dma_wait3A_1050] : memref<2x2x2x4096xf32, #tpu.memory_space<vmem>> -> memref<1x2x2x4096xf32, #tpu.memory_space<vmem>>
    %dma_wait3A_1052 = tpu.memref_squeeze %dma_wait3A_1051 : memref<1x2x2x4096xf32, #tpu.memory_space<vmem>> -> memref<2x2x4096xf32, #tpu.memory_space<vmem>>
    %dma_wait3A_1053 = arith.constant 0 : i32
    %dma_wait3A_1054 = arith.constant 0 : i32
    %dma_wait3A_1055 = tpu.memref_slice %dma_wait3A_1052[%dma_wait3A_1046, %dma_wait3A_1053, %dma_wait3A_1054] : memref<2x2x4096xf32, #tpu.memory_space<vmem>> -> memref<1x2x4096xf32, #tpu.memory_space<vmem>>
    %dma_wait3A_1056 = tpu.memref_squeeze %dma_wait3A_1055 : memref<1x2x4096xf32, #tpu.memory_space<vmem>> -> memref<2x4096xf32, #tpu.memory_space<vmem>>
    %dma_wait3A_1057 = arith.constant 4096 : i32
    %dma_wait3A_1058 = tpu.memref_slice %arg6[%add3A_779, %add3A_781, %dma_wait3A_1057] : memref<4x64x8192xf32, #tpu.memory_space<hbm>> -> memref<1x2x4096xf32, #tpu.memory_space<hbm>>
    %dma_wait3A_1059 = tpu.memref_squeeze %dma_wait3A_1058 : memref<1x2x4096xf32, #tpu.memory_space<hbm>> -> memref<2x4096xf32, #tpu.memory_space<hbm>>
    %dma_wait3A_1060 = tpu.memref_slice %arg12[%dma_wait3A_1047] : memref<2x!tpu.dma_semaphore, #tpu.memory_space<semaphore_mem>> -> memref<1x!tpu.dma_semaphore, #tpu.memory_space<semaphore_mem>>
    %dma_wait3A_1061 = tpu.memref_squeeze %dma_wait3A_1060 : memref<1x!tpu.dma_semaphore, #tpu.memory_space<semaphore_mem>> -> memref<!tpu.dma_semaphore, #tpu.memory_space<semaphore_mem>>
    %dma_wait3A_1062 = arith.constant 4096 : i32
    %dma_wait3A_1063 = tpu.memref_slice %arg6[%add3A_779, %add3A_781, %dma_wait3A_1062] : memref<4x64x8192xf32, #tpu.memory_space<hbm>> -> memref<1x2x4096xf32, #tpu.memory_space<hbm>>
    %dma_wait3A_1064 = tpu.memref_squeeze %dma_wait3A_1063 : memref<1x2x4096xf32, #tpu.memory_space<hbm>> -> memref<2x4096xf32, #tpu.memory_space<hbm>>
    %dma_wait3A_1065 = arith.constant 0 : i32
    %dma_wait3A_1066 = arith.constant 0 : i32
    %dma_wait3A_1067 = arith.constant 0 : i32
    %dma_wait3A_1068 = tpu.memref_slice %arg9[%dma_wait3A_1045, %dma_wait3A_1065, %dma_wait3A_1066, %dma_wait3A_1067] : memref<2x2x2x4096xf32, #tpu.memory_space<vmem>> -> memref<1x2x2x4096xf32, #tpu.memory_space<vmem>>
    %dma_wait3A_1069 = tpu.memref_squeeze %dma_wait3A_1068 : memref<1x2x2x4096xf32, #tpu.memory_space<vmem>> -> memref<2x2x4096xf32, #tpu.memory_space<vmem>>
    %dma_wait3A_1070 = arith.constant 0 : i32
    %dma_wait3A_1071 = arith.constant 0 : i32
    %dma_wait3A_1072 = tpu.memref_slice %dma_wait3A_1069[%dma_wait3A_1046, %dma_wait3A_1070, %dma_wait3A_1071] : memref<2x2x4096xf32, #tpu.memory_space<vmem>> -> memref<1x2x4096xf32, #tpu.memory_space<vmem>>
    %dma_wait3A_1073 = tpu.memref_squeeze %dma_wait3A_1072 : memref<1x2x4096xf32, #tpu.memory_space<vmem>> -> memref<2x4096xf32, #tpu.memory_space<vmem>>
    tpu.wait_dma2 semaphore(%dma_wait3A_1061 : memref<!tpu.dma_semaphore, #tpu.memory_space<semaphore_mem>>) src(%dma_wait3A_1073 : memref<2x4096xf32, #tpu.memory_space<vmem>>) dst(%dma_wait3A_1064 : memref<2x4096xf32, #tpu.memory_space<hbm>>)
    %dma_wait3A_1074 = arith.constant 1 : i32
    %dma_wait3A_1075 = arith.constant 0 : i32
    %dma_wait3A_1076 = arith.constant 1 : i32
    %dma_wait3A_1077 = arith.constant 0 : i32
    %dma_wait3A_1078 = arith.constant 0 : i32
    %dma_wait3A_1079 = arith.constant 0 : i32
    %dma_wait3A_1080 = tpu.memref_slice %arg9[%dma_wait3A_1074, %dma_wait3A_1077, %dma_wait3A_1078, %dma_wait3A_1079] : memref<2x2x2x4096xf32, #tpu.memory_space<vmem>> -> memref<1x2x2x4096xf32, #tpu.memory_space<vmem>>
    %dma_wait3A_1081 = tpu.memref_squeeze %dma_wait3A_1080 : memref<1x2x2x4096xf32, #tpu.memory_space<vmem>> -> memref<2x2x4096xf32, #tpu.memory_space<vmem>>
    %dma_wait3A_1082 = arith.constant 0 : i32
    %dma_wait3A_1083 = arith.constant 0 : i32
    %dma_wait3A_1084 = tpu.memref_slice %dma_wait3A_1081[%dma_wait3A_1075, %dma_wait3A_1082, %dma_wait3A_1083] : memref<2x2x4096xf32, #tpu.memory_space<vmem>> -> memref<1x2x4096xf32, #tpu.memory_space<vmem>>
    %dma_wait3A_1085 = tpu.memref_squeeze %dma_wait3A_1084 : memref<1x2x4096xf32, #tpu.memory_space<vmem>> -> memref<2x4096xf32, #tpu.memory_space<vmem>>
    %dma_wait3A_1086 = arith.constant 4096 : i32
    %dma_wait3A_1087 = tpu.memref_slice %arg5[%add3A_779, %add3A_841, %dma_wait3A_1086] : memref<4x64x8192xf32, #tpu.memory_space<hbm>> -> memref<1x2x4096xf32, #tpu.memory_space<hbm>>
    %dma_wait3A_1088 = tpu.memref_squeeze %dma_wait3A_1087 : memref<1x2x4096xf32, #tpu.memory_space<hbm>> -> memref<2x4096xf32, #tpu.memory_space<hbm>>
    %dma_wait3A_1089 = tpu.memref_slice %arg12[%dma_wait3A_1076] : memref<2x!tpu.dma_semaphore, #tpu.memory_space<semaphore_mem>> -> memref<1x!tpu.dma_semaphore, #tpu.memory_space<semaphore_mem>>
    %dma_wait3A_1090 = tpu.memref_squeeze %dma_wait3A_1089 : memref<1x!tpu.dma_semaphore, #tpu.memory_space<semaphore_mem>> -> memref<!tpu.dma_semaphore, #tpu.memory_space<semaphore_mem>>
    %dma_wait3A_1091 = arith.constant 4096 : i32
    %dma_wait3A_1092 = tpu.memref_slice %arg5[%add3A_779, %add3A_841, %dma_wait3A_1091] : memref<4x64x8192xf32, #tpu.memory_space<hbm>> -> memref<1x2x4096xf32, #tpu.memory_space<hbm>>
    %dma_wait3A_1093 = tpu.memref_squeeze %dma_wait3A_1092 : memref<1x2x4096xf32, #tpu.memory_space<hbm>> -> memref<2x4096xf32, #tpu.memory_space<hbm>>
    %dma_wait3A_1094 = arith.constant 0 : i32
    %dma_wait3A_1095 = arith.constant 0 : i32
    %dma_wait3A_1096 = arith.constant 0 : i32
    %dma_wait3A_1097 = tpu.memref_slice %arg9[%dma_wait3A_1074, %dma_wait3A_1094, %dma_wait3A_1095, %dma_wait3A_1096] : memref<2x2x2x4096xf32, #tpu.memory_space<vmem>> -> memref<1x2x2x4096xf32, #tpu.memory_space<vmem>>
    %dma_wait3A_1098 = tpu.memref_squeeze %dma_wait3A_1097 : memref<1x2x2x4096xf32, #tpu.memory_space<vmem>> -> memref<2x2x4096xf32, #tpu.memory_space<vmem>>
    %dma_wait3A_1099 = arith.constant 0 : i32
    %dma_wait3A_1100 = arith.constant 0 : i32
    %dma_wait3A_1101 = tpu.memref_slice %dma_wait3A_1098[%dma_wait3A_1075, %dma_wait3A_1099, %dma_wait3A_1100] : memref<2x2x4096xf32, #tpu.memory_space<vmem>> -> memref<1x2x4096xf32, #tpu.memory_space<vmem>>
    %dma_wait3A_1102 = tpu.memref_squeeze %dma_wait3A_1101 : memref<1x2x4096xf32, #tpu.memory_space<vmem>> -> memref<2x4096xf32, #tpu.memory_space<vmem>>
    tpu.wait_dma2 semaphore(%dma_wait3A_1090 : memref<!tpu.dma_semaphore, #tpu.memory_space<semaphore_mem>>) src(%dma_wait3A_1102 : memref<2x4096xf32, #tpu.memory_space<vmem>>) dst(%dma_wait3A_1093 : memref<2x4096xf32, #tpu.memory_space<hbm>>)
    %dma_wait3A_1103 = arith.constant 1 : i32
    %dma_wait3A_1104 = arith.constant 1 : i32
    %dma_wait3A_1105 = arith.constant 1 : i32
    %dma_wait3A_1106 = arith.constant 0 : i32
    %dma_wait3A_1107 = arith.constant 0 : i32
    %dma_wait3A_1108 = arith.constant 0 : i32
    %dma_wait3A_1109 = tpu.memref_slice %arg9[%dma_wait3A_1103, %dma_wait3A_1106, %dma_wait3A_1107, %dma_wait3A_1108] : memref<2x2x2x4096xf32, #tpu.memory_space<vmem>> -> memref<1x2x2x4096xf32, #tpu.memory_space<vmem>>
    %dma_wait3A_1110 = tpu.memref_squeeze %dma_wait3A_1109 : memref<1x2x2x4096xf32, #tpu.memory_space<vmem>> -> memref<2x2x4096xf32, #tpu.memory_space<vmem>>
    %dma_wait3A_1111 = arith.constant 0 : i32
    %dma_wait3A_1112 = arith.constant 0 : i32
    %dma_wait3A_1113 = tpu.memref_slice %dma_wait3A_1110[%dma_wait3A_1104, %dma_wait3A_1111, %dma_wait3A_1112] : memref<2x2x4096xf32, #tpu.memory_space<vmem>> -> memref<1x2x4096xf32, #tpu.memory_space<vmem>>
    %dma_wait3A_1114 = tpu.memref_squeeze %dma_wait3A_1113 : memref<1x2x4096xf32, #tpu.memory_space<vmem>> -> memref<2x4096xf32, #tpu.memory_space<vmem>>
    %dma_wait3A_1115 = arith.constant 4096 : i32
    %dma_wait3A_1116 = tpu.memref_slice %arg6[%add3A_779, %add3A_841, %dma_wait3A_1115] : memref<4x64x8192xf32, #tpu.memory_space<hbm>> -> memref<1x2x4096xf32, #tpu.memory_space<hbm>>
    %dma_wait3A_1117 = tpu.memref_squeeze %dma_wait3A_1116 : memref<1x2x4096xf32, #tpu.memory_space<hbm>> -> memref<2x4096xf32, #tpu.memory_space<hbm>>
    %dma_wait3A_1118 = tpu.memref_slice %arg12[%dma_wait3A_1105] : memref<2x!tpu.dma_semaphore, #tpu.memory_space<semaphore_mem>> -> memref<1x!tpu.dma_semaphore, #tpu.memory_space<semaphore_mem>>
    %dma_wait3A_1119 = tpu.memref_squeeze %dma_wait3A_1118 : memref<1x!tpu.dma_semaphore, #tpu.memory_space<semaphore_mem>> -> memref<!tpu.dma_semaphore, #tpu.memory_space<semaphore_mem>>
    %dma_wait3A_1120 = arith.constant 4096 : i32
    %dma_wait3A_1121 = tpu.memref_slice %arg6[%add3A_779, %add3A_841, %dma_wait3A_1120] : memref<4x64x8192xf32, #tpu.memory_space<hbm>> -> memref<1x2x4096xf32, #tpu.memory_space<hbm>>
    %dma_wait3A_1122 = tpu.memref_squeeze %dma_wait3A_1121 : memref<1x2x4096xf32, #tpu.memory_space<hbm>> -> memref<2x4096xf32, #tpu.memory_space<hbm>>
    %dma_wait3A_1123 = arith.constant 0 : i32
    %dma_wait3A_1124 = arith.constant 0 : i32
    %dma_wait3A_1125 = arith.constant 0 : i32
    %dma_wait3A_1126 = tpu.memref_slice %arg9[%dma_wait3A_1103, %dma_wait3A_1123, %dma_wait3A_1124, %dma_wait3A_1125] : memref<2x2x2x4096xf32, #tpu.memory_space<vmem>> -> memref<1x2x2x4096xf32, #tpu.memory_space<vmem>>
    %dma_wait3A_1127 = tpu.memref_squeeze %dma_wait3A_1126 : memref<1x2x2x4096xf32, #tpu.memory_space<vmem>> -> memref<2x2x4096xf32, #tpu.memory_space<vmem>>
    %dma_wait3A_1128 = arith.constant 0 : i32
    %dma_wait3A_1129 = arith.constant 0 : i32
    %dma_wait3A_1130 = tpu.memref_slice %dma_wait3A_1127[%dma_wait3A_1104, %dma_wait3A_1128, %dma_wait3A_1129] : memref<2x2x4096xf32, #tpu.memory_space<vmem>> -> memref<1x2x4096xf32, #tpu.memory_space<vmem>>
    %dma_wait3A_1131 = tpu.memref_squeeze %dma_wait3A_1130 : memref<1x2x4096xf32, #tpu.memory_space<vmem>> -> memref<2x4096xf32, #tpu.memory_space<vmem>>
    tpu.wait_dma2 semaphore(%dma_wait3A_1119 : memref<!tpu.dma_semaphore, #tpu.memory_space<semaphore_mem>>) src(%dma_wait3A_1131 : memref<2x4096xf32, #tpu.memory_space<vmem>>) dst(%dma_wait3A_1122 : memref<2x4096xf32, #tpu.memory_space<hbm>>)
    return
  }
}

</mosaic_0001>

<sc_bundles>
// kernel: kernel.3.cloned.1.call-start
scs
__scs_entry_jumppad:
0x0: {  	(pc) =	sbr.rel $0x88, $3  }
0x1: {  	(tag) =	ssettag $0x0;
	lr =	simm.s32 $0x1  }
0x2: {  	[smem:$0x3F9E] =	sst lr;
	_ =	strace $0xD0000000  }
0x3: {  	_ = 	snop  }
0x4: {  	_ = 	snop  }
0x5: {  	_ = 	snop  }
0x6: {  	_ = 	snop  }
0x7: {  	_ = 	snop  }
__scs_overlays_trampoline_lowered:
0x8: {  	[smem:$0x3FAD] =	sst s0  }
0x9: {  	[smem:$0x3FAE] =	sst s1  }
0xa: {  	[smem:$0x3FAF] =	sst s2  }
0xb: {  	[smem:$0x3FB0] =	sst s3  }
0xc: {  	[smem:$0x3FB1] =	sst s4  }
0xd: {  	[smem:$0x3FB2] =	sst s5  }
0xe: {  	[smem:$0x3FB3] =	sst s6  }
0xf: {  	[smem:$0x3FB4] =	sst s7  }
0x10: {  	[smem:$0x3FB5] =	sst s8  }
0x11: {  	[smem:$0x3FB6] =	sst s9;
	s0 =	simm.s32 @!p0 $0x0  }
0x12: {  	s1 =	sld [smem:$0x3F9C];
	s0 =	simm.s32 @p0 $0x1  }
0x13: {  	[smem:$0x3FB7] =	sst s0;
	s0 =	simm.s32 @!p1 $0x0  }
0x14: {  	s2 =	sld [smem:$0x3F9B];
	s0 =	simm.s32 @p1 $0x1  }
0x15: {  	[smem:$0x3FB8] =	sst s0;
	s0 =	simm.s32 @!p2 $0x0  }
0x16: {  	s3 =	sld [smem:$0x3FDB];
	s0 =	simm.s32 @p2 $0x1  }
0x17: {  	s4 =	simm.s32 $0x1BF5;
	[smem:$0x3FBA] =	sst s0  }
0x18: {  	s0 =	sld [smem:$0x3F9D];
	_ =	swait.ge [sflag:s4], $0x0  }
0x19: {  	s7 =	sld [smem:$0x3F9E]  }
0x1a: {  	s8 =	sadd.s32 $0xFFFFE003, lr  }
0x1b: {  	s9 =	sadd.s32 $0xFFFFFEF7, lr;
	s5 =	simm.s32 $0xFFFFFFFF;
	p2 =	slt.u32 s8, $0xFFFFF086  }
0x1c: {  	p1 =	slt.u32 s9, $0xF7A;
	s5 =	simm.s32 @!p2 $0x0  }
0x1d: {  	s5 =	simm.s32 @p1 $0x1;
	p0 =	seq.s32 s7, s2  }
0x1e: {  	s7 =	smul.u32 @!p0 $0xF7A, s2;
	p2 =	seq.s32 @!p0 s5, $0x0  }
0x1f: {  	s9 =	smul.u32 $0xF7A, s1;
	s8 =	simm.s32 @!p0 $0x1BF5;
	p2 =	por !p2, p0  }
0x20: {  	[sflag:s8] =	ssyncset.s32 @!p0 $0xFFFFF086;
	s6 =	sadd.s32 @!p0 s3, s7;
	s7 =	simm.s32 @!p0 $0x108  }
0x21: {  	s3 =	sadd.s32 s3, s9;
	s6 =	sadd.s32 @!p0 $0x88, s6;
	s7 =	simm.s32 @p2 $0x1082  }
0x22: {  	[simem:s7], [sflag:s8] =	dma.local @!p0 [hbm:s6], $0xF7A  }
0x23: {  	s9 =	sor.u32 $0xD0000000, s2;
	s6 =	simm.s32 $0x108;
	_ =	swait.ge @!p0 [sflag:s8], $0x0  }
0x24: {  	s3 =	sadd.s32 $0x88, s3;
	s6 =	simm.s32 @!p1 $0x1082;
	[sflag:s4] =	ssyncset.s32 $0xFFFFF086  }
0x25: {  	[simem:s6], [sflag:s4] =	dma.local [hbm:s3], $0xF7A  }
0x26: {  	[smem:$0x3F9E] =	sst s1;
	(tag) =	ssettag s2;
	_ =	strace s9  }
0x27: {  	s1 =	sld [smem:$0x3FAE]  }
0x28: {  	s2 =	sld [smem:$0x3FAF]  }
0x29: {  	s4 =	sld [smem:$0x3FB1]  }
0x2a: {  	p0 =	seq.s32 s5, $0x0;
	s5 =	sld [smem:$0x3FB2]  }
0x2b: {  	s6 =	sld [smem:$0x3FB3]  }
0x2c: {  	s7 =	sld [smem:$0x3FB4]  }
0x2d: {  	s3 =	simm.s32 $0x108;
	s8 =	sld [smem:$0x3FB5]  }
0x2e: {  	s3 =	simm.s32 @!p0 $0x1082;
	s9 =	sld [smem:$0x3FB6]  }
0x2f: {  	lr =	sadd.s32 s0, s3;
	s0 =	sld [smem:$0x3FAD]  }
0x30: {  	s3 =	sld [smem:$0x3FB0]  }
0x31: {  	[smem:$0x3FB9] =	sst s10  }
0x32: {  	s10 =	sld [smem:$0x3FB7];
	_ =	sdelay $0x3  }
0x33: {  	p0 =	seq.s32 s10, $0x1;
	s10 =	sld [smem:$0x3FB9];
	_ =	sdelay $0x3  }
0x34: {  	[smem:$0x3FB9] =	sst s10  }
0x35: {  	s10 =	sld [smem:$0x3FB8];
	_ =	sdelay $0x3  }
0x36: {  	p1 =	seq.s32 s10, $0x1;
	s10 =	sld [smem:$0x3FB9];
	_ =	sdelay $0x3  }
0x37: {  	[smem:$0x3FB9] =	sst s10  }
0x38: {  	s10 =	sld [smem:$0x3FBA]  }
0x39: {  	_ = 	snop;
	(pc) =	sbr.ind lr, $3  }
0x3a: {  	_ = 	snop  }
0x3b: {  	_ = 	snop  }
0x3c: {  	p2 =	seq.s32 s10, $0x1;
	s10 =	sld [smem:$0x3FB9]  }
0x3d: {  	_ =	shalt  }
0x3e: {  	_ =	shalt  }
0x3f: {  	_ =	shalt  }
0x40: {  	_ =	shalt  }
0x41: {  	_ =	shalt  }
0x42: {  	_ =	shalt  }
0x43: {  	_ =	shalt  }
0x44: {  	_ =	shalt  }
0x45: {  	_ =	shalt  }
0x46: {  	_ =	shalt  }
0x47: {  	_ =	shalt  }
0x48: {  	_ =	shalt  }
0x49: {  	_ =	shalt  }
0x4a: {  	_ =	shalt  }
0x4b: {  	_ =	shalt  }
0x4c: {  	_ =	shalt  }
0x4d: {  	_ =	shalt  }
0x4e: {  	_ =	shalt  }
0x4f: {  	_ =	shalt  }
0x50: {  	_ =	shalt  }
0x51: {  	_ =	shalt  }
0x52: {  	_ =	shalt  }
0x53: {  	_ =	shalt  }
0x54: {  	_ =	shalt  }
0x55: {  	_ =	shalt  }
0x56: {  	_ =	shalt  }
0x57: {  	_ =	shalt  }
0x58: {  	_ =	shalt  }
0x59: {  	_ =	shalt  }
0x5a: {  	_ =	shalt  }
0x5b: {  	_ =	shalt  }
0x5c: {  	_ =	shalt  }
0x5d: {  	_ =	shalt  }
0x5e: {  	_ =	shalt  }
0x5f: {  	_ =	shalt  }
0x60: {  	_ =	shalt  }
0x61: {  	_ =	shalt  }
0x62: {  	_ =	shalt  }
0x63: {  	_ =	shalt  }
0x64: {  	_ =	shalt  }
0x65: {  	_ =	shalt  }
0x66: {  	_ =	shalt  }
0x67: {  	_ =	shalt  }
0x68: {  	_ =	shalt  }
0x69: {  	_ =	shalt  }
0x6a: {  	_ =	shalt  }
0x6b: {  	_ =	shalt  }
0x6c: {  	_ =	shalt  }
0x6d: {  	_ =	shalt  }
0x6e: {  	_ =	shalt  }
0x6f: {  	_ =	shalt  }
0x70: {  	_ =	shalt  }
0x71: {  	_ =	shalt  }
0x72: {  	_ =	shalt  }
0x73: {  	_ =	shalt  }
0x74: {  	_ =	shalt  }
0x75: {  	_ =	shalt  }
0x76: {  	_ =	shalt  }
0x77: {  	_ =	shalt  }
0x78: {  	_ =	shalt  }
0x79: {  	_ =	shalt  }
0x7a: {  	_ =	shalt  }
0x7b: {  	_ =	shalt  }
0x7c: {  	_ =	shalt  }
0x7d: {  	_ =	shalt  }
0x7e: {  	_ =	shalt  }
0x7f: {  	_ =	shalt  }
0x80: {  	_ =	shalt  }
0x81: {  	_ =	shalt  }
0x82: {  	_ =	shalt  }
0x83: {  	_ =	shalt  }
0x84: {  	_ =	shalt  }
0x85: {  	_ =	shalt  }
0x86: {  	_ =	shalt  }
0x87: {  	_ =	shalt  }
.Lfunc_end0:
.L_simem_size_0:
called_computation_lowered:
.L_overlay_start_0:
0x88: {  	s2 =	sld [smem:$0x3FD9]  }
0x89: {  	s3 =	sld [smem:$0x3FFE];
	_ =	sdelay $0x1  }
0x8a: {  	s1 =	srdreg.scid  }
0x8b: {  	s0 =	sand.u32 $0x1, s1  }
0x8c: {  	s15 =	sshll.u32 s0, $0xA;
	s2 =	sadd.s32 s3, s2  }
0x8d: {  	s2 =	sadd.s32 s2, s15  }
0x8e: {  	[smem:$0x3FC5] =	sst s2  }
0x8f: {  	_ = 	snop  }
0x90: {  	s2 =	sld [smem:$0x3FD0]  }
0x91: {  	s16 =	sld [smem:$0x3FC9]  }
0x92: {  	s4 =	sld [smem:$0x3FC8]  }
0x93: {  	s6 =	simm.s32 $0xA;
	s7 =	simm.s32 $0x10;
	s5 =	sld [smem:$0x3FC7]  }
0x94: {  	[smem:s7], [sflag:s6] =	dma.local [hbm:s2], $0x1  }
0x95: {  	_ =	swait.eq [sflag:s6], $0x1  }
0x96: {  	[sflag:s6] =	ssyncset.done $0x0  }
0x97: {  	s17 =	sld [smem:$0x10];
	[sflag:s6] =	ssyncadd.s32 $0xFFFFFFFF  }
0x98: {  	s18 =	sld [smem:$0x11];
	(tm) =	ssettm $0x1  }
0x99: {  	s19 =	sld [smem:$0x3FFB];
	_ =	sdelay $0x3  }
0x9a: {  	_ =	strace s19  }
0x9b: {  	s7 =	sld [smem:$0x3FFC];
	_ =	sdelay $0x3  }
0x9c: {  	_ =	strace s7  }
0x9d: {  	s7 =	sld [smem:$0x3FFD];
	_ =	sdelay $0x3  }
0x9e: {  	_ =	strace s7  }
0x9f: {  	_ =	strace $0x8FFFFFFF  }
0xa0: {  	s20 =	sld [smem:$0x3FDB];
	_ =	sdelay $0x1  }
0xa1: {  	s8 =	simm.s32 $_scs_section_size  }
0xa2: {  	s9 =	simm.s32 $_size__tile_overlayer_lowered;
	s10 =	simm.s32 $_tile_overlayer_lowered  }
0xa3: {  	s23 =	simm.s32 $0x1BFF;
	s22 =	sshll.u32 s10, $0x1;
	s7 =	sadd.s32 s8, s20  }
0xa4: {  	s11 =	simm.s32 $0x0;
	s21 =	sshll.u32 s9, $0x1;
	s9 =	sadd.s32 s22, s7  }
0xa5: {  	[timem:s11], [sflag:s23] =	dma.local [hbm:s9], s21  }
0xa6: {  	_ =	swait.ge [sflag:s23], s21  }
0xa7: {  	s8 =	ssub.s32 $0x0, s21;
	[sflag:s23] =	ssyncset.done $0x0  }
0xa8: {  	[sflag:s23] =	ssyncadd.s32 s8;
	_ =	sdelay $0x1  }
0xa9: {  	s24 =	simm.s32 $0x1B8B  }
0xaa: {  	_ =	swait.ge [sflag:s24], $0x1  }
0xab: {  	[sflag:s24] =	ssyncset.done $0x0  }
0xac: {  	s25 =	simm.s32 $0x1B8E;
	[sflag:s24] =	ssyncadd.s32 $0xFFFFFFFF  }
0xad: {  	s26 =	simm.s32 $execute0_lowered;
	[smem:$0x3FD2] =	sst s25  }
0xae: {  	s8 =	sshll.u32 s26, $0x1;
	_ =	strace $0x80000046;
	[dreg:$0x1] =	wrdreg $0xFFFFFFFF  }
0xaf: {  	s28 =	simm.s32 $_size_execute0_lowered;
	s7 =	sadd.s32 s7, s8;
	[dreg:$0x0] =	wrdreg $0x0  }
0xb0: {  	s8 =	sshll.u32 s28, $0x1;
	[dreg:$0x2] =	wrdreg s7  }
0xb1: {  	[dreg:$0x3] =	wrdreg s8  }
0xb2: {  	[dreg:$0x4] =	wrdreg $0xC0  }
0xb3: {  	_ =	task [dreg:s11], $0x5FFFF  }
0xb4: {  	[dreg:$0x1] =	wrdreg $0xFFFFFFFF  }
0xb5: {  	[dreg:$0x0] =	wrdreg $0x60  }
0xb6: {  	[dreg:$0x2] =	wrdreg s4  }
0xb7: {  	[dreg:$0x3] =	wrdreg s5  }
0xb8: {  	[dreg:$0x4] =	wrdreg s16  }
0xb9: {  	[dreg:$0x5] =	wrdreg s17  }
0xba: {  	[dreg:$0x6] =	wrdreg s18  }
0xbb: {  	[dreg:$0x7] =	wrdreg $0x9  }
0xbc: {  	_ =	task.clear_ibuf [dreg:s11], $0x8FFFF;
	_ =	strace $0x90000046  }
0xbd: {  	s29 =	simm.s32 $0x9;
	_ =	strace $0x80000048  }
0xbe: {  	_ =	swait.ge [sflag:s29], $0x1  }
0xbf: {  	[sflag:s29] =	ssyncadd.s32 $0xFFFFFFFF  }
0xc0: {  	_ =	strace $0x90000048  }
0xc1: {  	_ =	sfence  }
0xc2: {  	s30 =	sld [smem:$0x0];
	_ =	sdelay $0x2  }
0xc3: {  	s31 =	sshll.u32 s1, $0xD;
	s1 =	sshrl.u32 s1, $0x2  }
0xc4: {  	s3 =	sand.u32 $0x4000, s31;
	s1 =	sadd.s32 s1, s30  }
0xc5: {  	s0 =	sor.u32 s3, s0;
	s1 =	sshll.u32 s1, $0x11  }
0xc6: {  	s0 =	sor.u32 s1, s0  }
0xc7: {  	s0 =	sadd.s32 $0x8F2B, s0  }
0xc8: {  	[sflag:s0] =	ssyncadd.remote.s32 $0x1  }
0xc9: {  	_ =	sfence.sel $0xFFFF  }
0xca: {  	[dreg:$0x0] =	wrdreg $0xFFFFFFFF;
	(pc) =	sbr.abs _section_cstart, $3  }
0xcb: {  	[dreg:$0x1] =	wrdreg $0xFFFFFFFF  }
0xcc: {  	_ =	task.clear_ibuf [dreg:s11], $0x2FFFF;
	_ =	strace $0x9FFFFFFF  }
0xcd: {  	(tm) =	ssettm $0x7FFFFFFF  }
tec
execute0_lowered:
.L_overlay_start_1:
0x0: {  	(tag) =	ssettag $0x1  }
0x1: {  	s0 =	srdreg.scid  }
0x2: {  	s5 =	stileid.u32;
	s2 =	rddreg [dreg:$0x0];
	s0 =	sand.u32 $0x1, s0  }
0x3: {  	s3 =	rddreg [dreg:$0x1];
	s1 =	sor.u32 s0, s5  }
0x4: {  	s4 =	rddreg [dreg:$0x2];
	p1 =	seq.s32 s0, $0x1;
	p0 =	seq.s32 s1, $0x0  }
0x5: {  	s7 =	rddreg [dreg:$0x4];
	s28 =	simm.s32 $0x80;
	p0 =	por !p0, !p1  }
0x6: {  	s29 =	simm.s32 $0x400;
	s1 =	simm.s32 $0x1;
	p0 =	por !p0, !p0  }
0x7: {  	s9 =	ssub.s32 $0x2, s0;
	s23 =	sshll.u32 s0, $0x5;
	s1 =	simm.s32 @!p0 $0x0  }
0x8: {  	s24 =	sshll.u32 s0, $0x14;
	s0 =	sshllo.u32 s0, $0x1;
	s1 =	ssub.s32 s5, s1  }
0x9: {  	s30 =	sshll.u32 s0, $0x4;
	s6 =	sshll.u32 s1, $0x8;
	s1 =	sshll.u32 s1, $0xE  }
0xa: {  	s0 =	sshll.u32 s0, $0x13;
	s8 =	sand.u32 $0xFFFF0000, s1;
	s6 =	sand.u32 $0x300, s6  }
0xb: {  	s5 =	rddreg [dreg:$0x3];
	s1 =	simm.s32 $0x0;
	s10 =	sor.u32 s6, s8  }
0xc: {  	[smem:$0x7FF] =	sst s1;
	s25 =	sadd.s32 s24, s8;
	s10 =	sshrl.u32 s10, $0x3  }
0xd: {  	s26 =	sadd.s32 $0x40000, s8;
	s17 =	sadd.s32 s0, s8;
	s21 =	sadd.s32 s2, s10  }
0xe: {  	s22 =	sor.u32 $0x10, s10;
	s10 =	sadd.s32 s3, s10;
	[dreg:$0x6] =	wrdreg s21  }
0xf: {  	s0 =	sadd.s32 s0, s26;
	[dreg:$0x7] =	wrdreg s10;
	s2 =	sadd.s32 s2, s22  }
0x10: {  	s0 =	sor.u32 s6, s0;
	s3 =	sadd.s32 s3, s22;
	[dreg:$0x8] =	wrdreg s2  }
0x11: {  	s0 =	sshrl.u32 s0, $0x3;
	[dreg:$0x9] =	wrdreg s3;
	s2 =	sadd.s32 s4, s23  }
0x12: {  	s3 =	sor.u32 s6, s25;
	s4 =	sadd.s32 s4, s30;
	[dreg:$0xa] =	wrdreg s2  }
0x13: {  	s23 =	sadd.s32 s5, s0;
	s2 =	sadd.s32 s24, s26;
	[dreg:$0xb] =	wrdreg s4  }
0x14: {  	s3 =	sshrl.u32 s3, $0x3;
	[dreg:$0x16] =	wrdreg s23;
	s24 =	sadd.s32 s7, s0  }
0x15: {  	s31 =	simm.s32 $0x100;
	s12 =	sadd.s32 s5, s3;
	[dreg:$0x17] =	wrdreg s24  }
0x16: {  	s0 =	sor.u32 $0x1000, s0;
	s13 =	sadd.s32 s7, s3;
	[dreg:$0xc] =	wrdreg s12  }
0x17: {  	s11 =	sshrl.u32 s9, $0x1;
	s26 =	sadd.s32 s5, s0;
	[dreg:$0xd] =	wrdreg s13  }
0x18: {  	s3 =	sor.u32 $0x1000, s3;
	s0 =	sadd.s32 s7, s0;
	[dreg:$0x1a] =	wrdreg s26  }
0x19: {  	s2 =	sor.u32 s6, s2;
	s16 =	sadd.s32 s5, s3;
	[dreg:$0x1b] =	wrdreg s0  }
0x1a: {  	s2 =	sshrl.u32 s2, $0x3;
	s3 =	sadd.s32 s7, s3;
	[dreg:$0x10] =	wrdreg s16  }
0x1b: {  	s9 =	ssub.s32 s9, s11;
	s14 =	sadd.s32 s5, s2;
	[dreg:$0x11] =	wrdreg s3  }
0x1c: {  	s15 =	sadd.s32 s7, s2;
	s2 =	sor.u32 $0x1000, s2;
	[dreg:$0xe] =	wrdreg s14  }
0x1d: {  	s18 =	sor.u32 s6, s17;
	[dreg:$0xf] =	wrdreg s15;
	s19 =	sadd.s32 s5, s2  }
0x1e: {  	s3 =	sshrl.u32 s18, $0x3;
	s2 =	sadd.s32 s7, s2;
	[dreg:$0x12] =	wrdreg s19  }
0x1f: {  	s30 =	smax.u32 s9, $0x1;
	s20 =	sadd.s32 s5, s3;
	[dreg:$0x13] =	wrdreg s2  }
0x20: {  	s21 =	sadd.s32 s7, s3;
	s22 =	sor.u32 $0x1000, s3;
	[dreg:$0x14] =	wrdreg s20  }
0x21: {  	s6 =	simm.s32 $0x4;
	[dreg:$0x15] =	wrdreg s21;
	s25 =	sadd.s32 s5, s22  }
0x22: {  	s26 =	simm.s32 $0x1;
	s2 =	sadd.s32 s7, s22;
	[dreg:$0x18] =	wrdreg s25  }
0x23: {  	s3 =	simm.s32 $0x12000;
	s5 =	simm.s32 $0x3;
	[dreg:$0x19] =	wrdreg s2  }
0x24: {  	s7 =	simm.s32 $0x0;
	_ =	strace $0x80000047;
	[dreg:$0x1c] =	wrdreg s30  }
.LBB2_1:
0x25: {  	s0 =	rddreg [dreg:$0x6]  }
0x26: {  	[tilespmem:s1], [sflag:$0x1] =	stream.strided.gather [hbm4b:s0+s28], $0x2000, s29, s28, $0x38;
	[tilespmem:$0x14000] =	vst v63  }
0x27: {  	s11 =	rddreg [dreg:$0x7];
	s2 =	simm.s32 $0x4000  }
0x28: {  	[tilespmem:s2], [sflag:$0x1] =	stream.strided.gather [hbm4b:s11+s28], $0x2000, s29, s28, $0x38;
	[tilespmem:$0x14000] =	vst v63  }
0x29: {  	s12 =	rddreg [dreg:$0x8];
	s13 =	simm.s32 $0x2000  }
0x2a: {  	[tilespmem:s13], [sflag:$0x1] =	stream.strided.gather [hbm4b:s12+s28], $0x2000, s29, s28, $0x38;
	[tilespmem:$0x14000] =	vst v63  }
0x2b: {  	s14 =	rddreg [dreg:$0x9];
	s15 =	simm.s32 $0x6000  }
0x2c: {  	[tilespmem:s15], [sflag:$0x1] =	stream.strided.gather [hbm4b:s14+s28], $0x2000, s29, s28, $0x38;
	[tilespmem:$0x14000] =	vst v63  }
0x2d: {  	s16 =	simm.s32 $0x8000;
	s17 =	rddreg [dreg:$0xa];
	s4 =	simm.s32 $0x200  }
0x2e: {  	[tilespmem:s16], [sflag:$0x1] =	stream.strided.gather [hbm4b:s17+s28], $0x2000, s4, s28, $0x38;
	[tilespmem:$0x14000] =	vst v63  }
0x2f: {  	s18 =	rddreg [dreg:$0xb];
	s8 =	simm.s32 $0xA000  }
0x30: {  	[tilespmem:s8], [sflag:$0x2] =	stream.strided.gather [hbm4b:s18+s28], $0x2000, s4, s28, $0x38;
	[tilespmem:$0x14000] =	vst v63  }
0x31: {  	_ =	swait.ge [sflag:s26], $0x2000  }
0x32: {  	[sflag:s26] =	ssyncset.done $0x0  }
0x33: {  	[sflag:s26] =	ssyncadd.s32 $0xFFFFE000  }
0x34: {  	_ =	swait.ge [sflag:s26], $0x2000  }
0x35: {  	[sflag:s26] =	ssyncset.done $0x0  }
0x36: {  	[sflag:s26] =	ssyncadd.s32 $0xFFFFE000  }
0x37: {  	_ =	swait.ge [sflag:s26], $0x2000  }
0x38: {  	[sflag:s26] =	ssyncset.done $0x0  }
0x39: {  	[sflag:s26] =	ssyncadd.s32 $0xFFFFE000  }
0x3a: {  	_ =	swait.ge [sflag:s26], $0x2000  }
0x3b: {  	[sflag:s26] =	ssyncset.done $0x0  }
0x3c: {  	[sflag:s26] =	ssyncadd.s32 $0xFFFFE000  }
0x3d: {  	s20 =	sand.u32 $0x40, s1;
	s19 =	sand.u32 $0xF80, s1;
	_ =	swait.ge [sflag:s26], $0x2000  }
0x3e: {  	s10 =	sor.u32 $0x8000, s19;
	s17 =	sor.u32 $0x30, s20;
	[sflag:s26] =	ssyncset.done $0x0  }
0x3f: {  	s9 =	sor.u32 s17, s10;
	s8 =	sor.u32 $0x10, s20;
	[sflag:s26] =	ssyncadd.s32 $0xFFFFE000  }
0x40: {  	s11 =	sor.u32 s8, s10;
	v2 =	vld [tilespmem:s9+$0x0]  }
0x41: {  	v3 =	vld [tilespmem:s11+$0x0]  }
0x42: {  	s9 =	sor.u32 $0x20, s20;
	v5 =	vld [tilespmem:s16+$0x0]  }
0x43: {  	s10 =	sor.u32 s9, s10  }
0x44: {  	v4 =	vld [tilespmem:s10+$0x0];
	_ =	sdelay $0x3  }
0x45: {  	v0 =	vld.idx.msk [tilespmem:v2+s1+$0x0], $0xffff  }
0x46: {  	v1 =	vadd.s32 $0x2000, v2;
	v6 =	vld.idx.msk [tilespmem:v3+s1+$0x0], $0xffff  }
0x47: {  	s19 =	sand.u32 $0x1F00, s1;
	v7 =	vadd.s32 $0x2000, v3;
	v9 =	vld.idx.msk [tilespmem:v5+s1+$0x0], $0xffff  }
0x48: {  	p0 =	por $0x0, $0x0;
	s23 =	simm.s32 $0x8040;
	s21 =	sor.u32 $0xC000, s19  }
0x49: {  	s12 =	sor.u32 s20, s21;
	s14 =	simm.s32 $0x40;
	s22 =	sor.u32 s17, s21;
	v8 =	vld.idx.msk [tilespmem:v4+s1+$0x0], $0xffff  }
0x4a: {  	s25 =	sand.u32 $0xF80, s14;
	s24 =	sor.u32 s8, s21;
	s10 =	sand.u32 $0x40, s14;
	v10 =	vadd.s32 $0x2000, v4;
	[tilespmem:s22+$0x0] =	vst v0;
	v0 =	vld [tilespmem:s23+$0x0]  }
0x4b: {  	s13 =	simm.s32 $0x1;
	s30 =	sor.u32 $0x8000, s25;
	s11 =	sor.u32 $0x30, s10;
	v11 =	vadd.s32 $0x2000, v5;
	[tilespmem:s24+$0x0] =	vst v6;
	v12 =	vld.idx.msk [tilespmem:v1+s1+$0x0], $0xffff  }
0x4c: {  	s13 =	simm.s32 @!p0 $0x0;
	s4 =	sor.u32 s11, s30;
	[tilespmem:s12+$0x0] =	vst v9;
	s12 =	sor.u32 $0x10, s10;
	v6 =	vld.idx.msk [tilespmem:v7+s1+$0x0], $0xffff  }
0x4d: {  	s13 =	sshll.u32 s13, $0x6;
	s0 =	sor.u32 s9, s21;
	v7 =	vadd.s32 $0x4000, v2;
	s16 =	sor.u32 s12, s30;
	v1 =	vld [tilespmem:s4+$0x0]  }
0x4e: {  	s2 =	sadd.s32 $0x0, s13;
	v9 =	vadd.s32 $0x4000, v3;
	[tilespmem:s0+$0x0] =	vst v8;
	v14 =	vld [tilespmem:s16+$0x0]  }
0x4f: {  	s15 =	sadd.s32 $0x30, s2;
	s13 =	sor.u32 $0x20, s10;
	v8 =	vld.idx.msk [tilespmem:v10+s1+$0x0], $0xffff  }
0x50: {  	s15 =	sor.u32 $0x80, s15;
	s18 =	sadd.s32 $0x10, s2;
	s0 =	sor.u32 s13, s30;
	v10 =	vld.idx.msk [tilespmem:v11+s1+$0x0], $0xffff;
	v11 =	vadd.s32 $0x4000, v4  }
0x51: {  	v13 =	vadd.s32 $0x4000, v5;
	s16 =	sor.u32 $0x80, s18;
	v15 =	vld [tilespmem:s0+$0x0];
	[tilespmem:s15+$0xC000] =	vst v12  }
0x52: {  	s21 =	sadd.s32 $0x20, s2;
	[tilespmem:s16+$0xC000] =	vst v6;
	v7 =	vld.idx.msk [tilespmem:v7+s1+$0x0], $0xffff  }
0x53: {  	s15 =	sor.u32 $0x80, s21;
	v6 =	vld.idx.msk [tilespmem:v9+s1+$0x0], $0xffff  }
0x54: {  	s22 =	sor.u32 $0x80, s2;
	v2 =	vadd.s32 $0x6000, v2;
	[tilespmem:s15+$0xC000] =	vst v8;
	v8 =	vld.idx.msk [tilespmem:v0+s1+$0x0], $0xffff  }
0x55: {  	[tilespmem:s22+$0xC000] =	vst v10;
	v9 =	vld.idx.msk [tilespmem:v11+s1+$0x0], $0xffff  }
0x56: {  	s23 =	sor.u32 $0xE000, s19;
	v3 =	vadd.s32 $0x6000, v3;
	v10 =	vld.idx.msk [tilespmem:v13+s1+$0x0], $0xffff  }
0x57: {  	s24 =	sor.u32 s17, s23;
	v11 =	vadd.s32 $0x6000, v4;
	v16 =	vld.idx.msk [tilespmem:v1+s1+$0x0], $0xffff  }
0x58: {  	v18 =	vadd.s32 $0x2000, v1;
	s15 =	simm.s32 $0x80;
	v12 =	vld.idx.msk [tilespmem:v14+s1+$0x0], $0xffff;
	[tilespmem:s24+$0x0] =	vst v7  }
0x59: {  	s25 =	sor.u32 s8, s23;
	s14 =	sand.u32 $0x1F00, s15;
	v7 =	vadd.s32 $0x6000, v5;
	v17 =	vld.idx.msk [tilespmem:v2+s1+$0x0], $0xffff  }
0x5a: {  	s21 =	sor.u32 s9, s23;
	v13 =	vld.idx.msk [tilespmem:v15+s1+$0x0], $0xffff;
	[tilespmem:s25+$0x0] =	vst v6;
	s24 =	sor.u32 $0xC000, s14  }
0x5b: {  	p0 =	por !p0, !p0;
	s19 =	sor.u32 $0xE080, s19;
	v4 =	vld.idx.msk [tilespmem:v3+s1+$0x0], $0xffff;
	s30 =	sor.u32 s11, s24;
	[tilespmem:s21+$0x0] =	vst v9  }
0x5c: {  	s17 =	sor.u32 s17, s19;
	s0 =	simm.s32 $0x8080;
	s22 =	sor.u32 s20, s23;
	v9 =	vadd.s32 $0x2000, v14;
	[tilespmem:s30+$0x0] =	vst v16;
	v5 =	vld.idx.msk [tilespmem:v11+s1+$0x0], $0xffff  }
0x5d: {  	s16 =	simm.s32 $0x4;
	s20 =	sor.u32 s20, s19;
	v6 =	vadd.s32 $0x4000, v14;
	v2 =	vadd.s32 $0x6000, v14;
	s23 =	sor.u32 s12, s24;
	[tilespmem:s22+$0x0] =	vst v10;
	v10 =	vadd.s32 $0x2000, v15;
	v14 =	vld.idx.msk [tilespmem:v18+s1+$0x0], $0xffff  }
0x5e: {  	v3 =	vadd.s32 $0x6000, v15;
	s21 =	sor.u32 s10, s24;
	s22 =	sor.u32 s13, s24;
	v11 =	vld.idx.msk [tilespmem:v7+s1+$0x0], $0xffff;
	v7 =	vadd.s32 $0x4000, v15;
	v15 =	vadd.s32 $0x2000, v0;
	[tilespmem:s17+$0x0] =	vst v17;
	s17 =	simm.s32 $0x80  }
.LBB2_2:
0x5f: {  	s4 =	simm.s32 $0x1  }
0x60: {  	s24 =	sand.u32 $0x40, s17;
	v16 =	vld [tilespmem:s0+$0x0];
	s25 =	sand.u32 $0xF80, s17;
	[tilespmem:s23+$0x0] =	vst v12;
	s4 =	simm.s32 @!p0 $0x0  }
0x61: {  	s16 =	sadd.s32 $0x4, s16;
	v12 =	vadd.s32 $0x4000, v1;
	s23 =	sor.u32 $0x8000, s25;
	s4 =	sshll.u32 s4, $0x6;
	v9 =	vld.idx.msk [tilespmem:v9+s1+$0x0], $0xffff;
	[tilespmem:s22+$0x0] =	vst v13  }
0x62: {  	p1 =	slt.u32 s16, $0xFC;
	s22 =	sor.u32 $0x30, s24;
	s4 =	sadd.s32 s4, s15;
	[tilespmem:s21+$0x0] =	vst v8;
	v8 =	vld.idx.msk [tilespmem:v10+s1+$0x0], $0xffff  }
0x63: {  	s21 =	sor.u32 $0x10, s24;
	s25 =	sor.u32 s22, s23;
	v10 =	vld.idx.msk [tilespmem:v15+s1+$0x0], $0xffff;
	s18 =	sadd.s32 $0x30, s4  }
0x64: {  	s2 =	sor.u32 $0x20, s24;
	s30 =	sor.u32 s21, s23;
	v13 =	vld [tilespmem:s25+$0x0];
	s18 =	sor.u32 $0x80, s18;
	[tilespmem:s20+$0x0] =	vst v11  }
0x65: {  	v15 =	vadd.s32 $0x4000, v0;
	s20 =	sor.u32 s2, s23;
	s23 =	sadd.s32 $0x10, s4;
	s25 =	sadd.s32 $0x20, s4;
	v11 =	vld [tilespmem:s30+$0x0];
	[tilespmem:s18+$0xC000] =	vst v14  }
0x66: {  	s4 =	sor.u32 $0x80, s4;
	s18 =	sor.u32 $0x80, s23;
	s23 =	sor.u32 $0x80, s25;
	v12 =	vld.idx.msk [tilespmem:v12+s1+$0x0], $0xffff  }
0x67: {  	v14 =	vld [tilespmem:s20+$0x0];
	[tilespmem:s18+$0xC000] =	vst v9;
	s18 =	sor.u32 s8, s19;
	s19 =	sor.u32 s9, s19;
	s20 =	smov.u32 s10  }
0x68: {  	v18 =	vadd.s32 $0x6000, v1;
	s10 =	smov.u32 s24;
	s24 =	smov.u32 s11;
	s11 =	smov.u32 s22;
	v17 =	vld.idx.msk [tilespmem:v6+s1+$0x0], $0xffff;
	[tilespmem:s23+$0xC000] =	vst v8  }
0x69: {  	s8 =	smov.u32 s12;
	s12 =	smov.u32 s21;
	s9 =	smov.u32 s13;
	[tilespmem:s4+$0xC000] =	vst v10;
	v19 =	vld.idx.msk [tilespmem:v7+s1+$0x0], $0xffff;
	v1 =	vmov v13  }
0x6a: {  	s13 =	smov.u32 s2;
	s2 =	smov.u32 s14;
	s4 =	sor.u32 $0xE000, s14;
	v9 =	vadd.s32 $0x2000, v11;
	v6 =	vadd.s32 $0x4000, v11;
	v20 =	vadd.s32 $0x6000, v11;
	v15 =	vld.idx.msk [tilespmem:v15+s1+$0x0], $0xffff;
	[tilespmem:s18+$0x0] =	vst v4  }
0x6b: {  	s18 =	sor.u32 s20, s4;
	s14 =	sor.u32 s8, s4;
	s21 =	sor.u32 s24, s4;
	v8 =	vld.idx.msk [tilespmem:v16+s1+$0x0], $0xffff;
	[tilespmem:s19+$0x0] =	vst v5  }
0x6c: {  	s4 =	sor.u32 s9, s4;
	v10 =	vadd.s32 $0x2000, v14;
	v7 =	vadd.s32 $0x4000, v14;
	v21 =	vadd.s32 $0x6000, v14;
	v22 =	vld.idx.msk [tilespmem:v13+s1+$0x0], $0xffff;
	[tilespmem:s21+$0x0] =	vst v12  }
0x6d: {  	v23 =	vadd.s32 $0x6000, v0;
	v0 =	vmov v16;
	v18 =	vld.idx.msk [tilespmem:v18+s1+$0x0], $0xffff  }
0x6e: {  	s15 =	sadd.s32 $0x80, s15;
	v16 =	vadd.s32 $0x2000, v1;
	v12 =	vld.idx.msk [tilespmem:v11+s1+$0x0], $0xffff;
	[tilespmem:s14+$0x0] =	vst v17  }
.Ltmp0:
0x6f: {  	s14 =	sand.u32 $0x1F00, s15;
	v13 =	vld.idx.msk [tilespmem:v14+s1+$0x0], $0xffff;
	[tilespmem:s4+$0x0] =	vst v19;
	(pc) =	sbr.rel @p1 .LBB2_2-.Ltmp0, $4  }
0x70: {  	s0 =	sadd.s32 $0x40, s0;
	s4 =	sor.u32 $0xC000, s14;
	[tilespmem:s18+$0x0] =	vst v15;
	v4 =	vld.idx.msk [tilespmem:v2+s1+$0x0], $0xffff;
	v2 =	vmov v20  }
0x71: {  	s19 =	sor.u32 $0xE080, s2;
	s21 =	sor.u32 s10, s4;
	s18 =	sor.u32 s11, s4;
	v5 =	vld.idx.msk [tilespmem:v3+s1+$0x0], $0xffff;
	v3 =	vmov v21  }
0x72: {  	s2 =	sor.u32 s24, s19;
	v15 =	vadd.s32 $0x2000, v0;
	s23 =	sor.u32 s12, s4;
	s22 =	sor.u32 s13, s4;
	[tilespmem:s18+$0x0] =	vst v22;
	v11 =	vld.idx.msk [tilespmem:v23+s1+$0x0], $0xffff  }
0x73: {  	s17 =	sadd.s32 $0x40, s17;
	p0 =	por !p0, !p0;
	s20 =	sor.u32 s20, s19;
	v14 =	vld.idx.msk [tilespmem:v16+s1+$0x0], $0xffff;
	[tilespmem:s2+$0x0] =	vst v18  }
0x74: {  	_ =	sdelay $0x1  }
0x75: {  	s0 =	simm.s32 $0x1  }
0x76: {  	[tilespmem:s21+$0x0] =	vst v8;
	s0 =	simm.s32 @!p0 $0x0  }
0x77: {  	[tilespmem:s23+$0x0] =	vst v12;
	v8 =	vadd.s32 $0x4000, v1;
	v12 =	vld.idx.msk [tilespmem:v15+s1+$0x0], $0xffff;
	s0 =	sshll.u32 s0, $0x6  }
0x78: {  	[tilespmem:s22+$0x0] =	vst v13;
	v13 =	vadd.s32 $0x4000, v0;
	v9 =	vld.idx.msk [tilespmem:v9+s1+$0x0], $0xffff;
	s0 =	sadd.s32 s0, s15  }
0x79: {  	v10 =	vld.idx.msk [tilespmem:v10+s1+$0x0], $0xffff;
	s2 =	sadd.s32 $0x30, s0  }
0x7a: {  	s2 =	sor.u32 $0x80, s2  }
0x7b: {  	s4 =	sadd.s32 $0x10, s0;
	s22 =	sor.u32 $0x80, s0;
	[tilespmem:s2+$0xC000] =	vst v14  }
0x7c: {  	s0 =	sadd.s32 $0x20, s0;
	s4 =	sor.u32 $0x80, s4;
	[tilespmem:s22+$0xC000] =	vst v12;
	v8 =	vld.idx.msk [tilespmem:v8+s1+$0x0], $0xffff  }
0x7d: {  	v1 =	vadd.s32 $0x6000, v1;
	s0 =	sor.u32 $0x80, s0;
	[tilespmem:s4+$0xC000] =	vst v9;
	v9 =	vld.idx.msk [tilespmem:v13+s1+$0x0], $0xffff  }
0x7e: {  	v0 =	vadd.s32 $0x6000, v0;
	[tilespmem:s0+$0xC000] =	vst v10;
	v6 =	vld.idx.msk [tilespmem:v6+s1+$0x0], $0xffff  }
0x7f: {  	s23 =	sor.u32 $0xE000, s14;
	v7 =	vld.idx.msk [tilespmem:v7+s1+$0x0], $0xffff  }
0x80: {  	s24 =	sor.u32 s11, s23;
	[tilespmem:s20+$0x0] =	vst v11  }
0x81: {  	s25 =	sor.u32 s10, s23;
	[tilespmem:s24+$0x0] =	vst v8  }
0x82: {  	s30 =	sor.u32 s12, s23;
	[tilespmem:s25+$0x0] =	vst v9;
	v1 =	vld.idx.msk [tilespmem:v1+s1+$0x0], $0xffff  }
0x83: {  	s0 =	sor.u32 s13, s23;
	[tilespmem:s30+$0x0] =	vst v6;
	v0 =	vld.idx.msk [tilespmem:v0+s1+$0x0], $0xffff  }
0x84: {  	s4 =	sor.u32 s8, s19;
	[tilespmem:s0+$0x0] =	vst v7;
	v2 =	vld.idx.msk [tilespmem:v2+s1+$0x0], $0xffff  }
0x85: {  	s8 =	sor.u32 s9, s19;
	s9 =	sor.u32 $0xE080, s14;
	[tilespmem:s4+$0x0] =	vst v4;
	v3 =	vld.idx.msk [tilespmem:v3+s1+$0x0], $0xffff  }
0x86: {  	[tilespmem:s8+$0x0] =	vst v5;
	s14 =	sor.u32 s11, s9  }
0x87: {  	s15 =	sor.u32 s10, s9;
	[tilespmem:s14+$0x0] =	vst v1  }
0x88: {  	s16 =	sor.u32 s12, s9;
	[tilespmem:s15+$0x0] =	vst v0  }
0x89: {  	s2 =	sor.u32 s13, s9;
	[tilespmem:s16+$0x0] =	vst v2  }
0x8a: {  	[tilespmem:s2+$0x0] =	vst v3  }
0x8b: {  	s22 =	simm.s32 $0xC000;
	s0 =	rddreg [dreg:$0xc]  }
0x8c: {  	[hbm4b:s0+s31] =	stream.strided.scatter [tilespmem:s22], [sflag:$0x3], $0x2000, s29, s31, $0x38;
	[tilespmem:$0x14000] =	vst v63  }
0x8d: {  	s23 =	simm.s32 $0xE000;
	s17 =	rddreg [dreg:$0xd]  }
0x8e: {  	[hbm4b:s17+s31] =	stream.strided.scatter [tilespmem:s23], [sflag:$0x3], $0x2000, s29, s31, $0x38;
	[tilespmem:$0x14000] =	vst v63  }
0x8f: {  	s20 =	simm.s32 $0x0;
	s18 =	rddreg [dreg:$0xe]  }
0x90: {  	[hbm4b:s18+s31] =	stream.strided.scatter [tilespmem:s22], [sflag:$0x3], $0x2000, s29, s31, $0x38;
	[tilespmem:$0x14000] =	vst v63  }
0x91: {  	s21 =	sand.u32 $0xFC0, s20;
	s19 =	rddreg [dreg:$0xf]  }
0x92: {  	[hbm4b:s19+s31] =	stream.strided.scatter [tilespmem:s23], [sflag:$0x3], $0x2000, s29, s31, $0x38;
	[tilespmem:$0x14000] =	vst v63  }
0x93: {  	s24 =	simm.s32 $0x9030;
	v4 =	vld [tilespmem:s21+$0x9000]  }
0x94: {  	v5 =	vld [tilespmem:s24+$0xFFFFFFE0]  }
0x95: {  	v9 =	vld [tilespmem:s24+$0x0];
	_ =	sdelay $0x1  }
0x96: {  	v7 =	vld [tilespmem:s24+$0xFFFFFFF0];
	_ =	sdelay $0x3  }
0x97: {  	v1 =	vld.idx.msk [tilespmem:v4+s1+$0x0], $0xffff  }
0x98: {  	v2 =	vadd.s32 $0x2000, v4;
	v3 =	vld.idx.msk [tilespmem:v5+s1+$0x0], $0xffff  }
0x99: {  	s30 =	simm.s32 $0x9070;
	s19 =	sand.u32 $0x1F00, s20;
	v8 =	vadd.s32 $0x2000, v5;
	v10 =	vld.idx.msk [tilespmem:v9+s1+$0x0], $0xffff  }
0x9a: {  	s11 =	sand.u32 $0x40, s20;
	s25 =	sor.u32 $0x10000, s19;
	v0 =	vld [tilespmem:s30+$0xFFFFFFE0];
	v12 =	vadd.s32 $0x2000, v9  }
0x9b: {  	s10 =	sor.u32 $0x10, s11;
	s9 =	sor.u32 s11, s25;
	v6 =	vld.idx.msk [tilespmem:v7+s1+$0x0], $0xffff  }
0x9c: {  	s8 =	sor.u32 $0x30, s11;
	s12 =	sor.u32 s10, s25;
	v11 =	vadd.s32 $0x2000, v7;
	[tilespmem:s9+$0x0] =	vst v1;
	v1 =	vld [tilespmem:s30+$0xFFFFFFF0]  }
0x9d: {  	s0 =	sor.u32 s8, s25;
	[tilespmem:s12+$0x0] =	vst v3;
	v13 =	vld.idx.msk [tilespmem:v2+s1+$0x0], $0xffff  }
0x9e: {  	p0 =	por $0x0, $0x0;
	s4 =	simm.s32 $0x1;
	s9 =	sor.u32 $0x20, s11;
	[tilespmem:s0+$0x0] =	vst v10;
	v8 =	vld.idx.msk [tilespmem:v8+s1+$0x0], $0xffff  }
0x9f: {  	s4 =	simm.s32 @!p0 $0x0;
	v14 =	vadd.s32 $0x4000, v4;
	s13 =	sor.u32 s9, s25;
	v12 =	vld.idx.msk [tilespmem:v12+s1+$0x0], $0xffff  }
0xa0: {  	s4 =	sshll.u32 s4, $0x6;
	s12 =	simm.s32 $0x40;
	v10 =	vadd.s32 $0x4000, v5;
	v2 =	vld [tilespmem:s30+$0x0];
	[tilespmem:s13+$0x0] =	vst v6  }
0xa1: {  	s4 =	sadd.s32 $0x0, s4;
	s14 =	sand.u32 $0xFC0, s12;
	v11 =	vld.idx.msk [tilespmem:v11+s1+$0x0], $0xffff  }
0xa2: {  	s15 =	sor.u32 $0x80, s4;
	s16 =	sadd.s32 $0x10, s4;
	v15 =	vadd.s32 $0x4000, v7;
	v3 =	vld [tilespmem:s14+$0x9000]  }
0xa3: {  	s17 =	sor.u32 $0x80, s16;
	v6 =	vld.idx.msk [tilespmem:v0+s1+$0x0], $0xffff;
	[tilespmem:s15+$0x10000] =	vst v13;
	v13 =	vadd.s32 $0x4000, v9  }
0xa4: {  	s18 =	sadd.s32 $0x20, s4;
	[tilespmem:s17+$0x10000] =	vst v8;
	v14 =	vld.idx.msk [tilespmem:v14+s1+$0x0], $0xffff  }
0xa5: {  	s4 =	sadd.s32 $0x30, s4;
	s2 =	sor.u32 $0x80, s18;
	v16 =	vld.idx.msk [tilespmem:v10+s1+$0x0], $0xffff  }
0xa6: {  	s20 =	sor.u32 $0x80, s4;
	v4 =	vadd.s32 $0x6000, v4;
	[tilespmem:s2+$0x10000] =	vst v11;
	v8 =	vld.idx.msk [tilespmem:v1+s1+$0x0], $0xffff  }
0xa7: {  	v5 =	vadd.s32 $0x6000, v5;
	[tilespmem:s20+$0x10000] =	vst v12;
	v15 =	vld.idx.msk [tilespmem:v15+s1+$0x0], $0xffff  }
0xa8: {  	s21 =	sor.u32 $0x12000, s19;
	v12 =	vld.idx.msk [tilespmem:v13+s1+$0x0], $0xffff;
	v13 =	vadd.s32 $0x6000, v7  }
0xa9: {  	s24 =	sor.u32 s11, s21;
	v17 =	vadd.s32 $0x6000, v9;
	v10 =	vld.idx.msk [tilespmem:v2+s1+$0x0], $0xffff  }
0xaa: {  	s25 =	sor.u32 s10, s21;
	v11 =	vld.idx.msk [tilespmem:v3+s1+$0x0], $0xffff;
	[tilespmem:s24+$0x0] =	vst v14  }
0xab: {  	s16 =	simm.s32 $0x4;
	s30 =	sor.u32 s9, s21;
	s13 =	simm.s32 $0x80;
	[tilespmem:s25+$0x0] =	vst v16;
	v9 =	vld.idx.msk [tilespmem:v4+s1+$0x0], $0xffff  }
0xac: {  	s19 =	sor.u32 $0x12080, s19;
	s0 =	sor.u32 s8, s21;
	s15 =	sand.u32 $0x1F00, s13;
	v14 =	vadd.s32 $0x2000, v3;
	v7 =	vld.idx.msk [tilespmem:v5+s1+$0x0], $0xffff;
	[tilespmem:s30+$0x0] =	vst v15  }
0xad: {  	s14 =	sand.u32 $0x40, s12;
	s17 =	simm.s32 $0x90B0;
	s20 =	sor.u32 $0x10000, s15;
	v4 =	vld.idx.msk [tilespmem:v13+s1+$0x0], $0xffff;
	[tilespmem:s0+$0x0] =	vst v12  }
0xae: {  	s21 =	sor.u32 s14, s20;
	s24 =	simm.s32 $0x10000;
	v12 =	vadd.s32 $0x2000, v0;
	s0 =	sor.u32 $0x10, s14;
	v13 =	vadd.s32 $0x2000, v1;
	v5 =	vld.idx.msk [tilespmem:v17+s1+$0x0], $0xffff  }
.LBB2_4:
0xaf: {  	s2 =	sor.u32 $0x20, s14  }
0xb0: {  	v15 =	vld [tilespmem:s17+$0xFFFFFFE0];
	[tilespmem:s21+$0x0] =	vst v11;
	s4 =	sor.u32 $0x30, s14;
	v11 =	vadd.s32 $0x2000, v2;
	s11 =	sor.u32 s11, s19;
	s18 =	sor.u32 s0, s20  }
0xb1: {  	s10 =	sor.u32 s10, s19;
	v14 =	vld.idx.msk [tilespmem:v14+s1+$0x0], $0xffff;
	s21 =	sor.u32 s2, s20;
	s20 =	sor.u32 s4, s20;
	[tilespmem:s11+$0x0] =	vst v9  }
0xb2: {  	p0 =	por !p0, !p0;
	s11 =	sor.u32 s9, s19;
	v9 =	vld [tilespmem:s17+$0xFFFFFFF0];
	[tilespmem:s18+$0x0] =	vst v6;
	s18 =	simm.s32 $0x1  }
0xb3: {  	s19 =	sor.u32 s8, s19;
	s9 =	smov.u32 s2;
	v6 =	vadd.s32 $0x4000, v3;
	s18 =	simm.s32 @!p0 $0x0;
	v12 =	vld.idx.msk [tilespmem:v12+s1+$0x0], $0xffff;
	[tilespmem:s21+$0x0] =	vst v8  }
0xb4: {  	s12 =	sadd.s32 $0x40, s12;
	s8 =	smov.u32 s4;
	s2 =	sshll.u32 s18, $0x6;
	v8 =	vld.idx.msk [tilespmem:v13+s1+$0x0], $0xffff;
	[tilespmem:s20+$0x0] =	vst v10  }
0xb5: {  	s16 =	sadd.s32 $0x4, s16;
	s4 =	sand.u32 $0xFC0, s12;
	v10 =	vadd.s32 $0x4000, v0;
	s2 =	sadd.s32 s2, s13;
	v11 =	vld.idx.msk [tilespmem:v11+s1+$0x0], $0xffff;
	[tilespmem:s10+$0x0] =	vst v7  }
0xb6: {  	p1 =	slt.u32 s16, $0xFC;
	v13 =	vadd.s32 $0x4000, v1;
	v7 =	vld [tilespmem:s4+$0x9000];
	s4 =	sor.u32 $0x80, s2;
	s10 =	sadd.s32 $0x10, s2;
	[tilespmem:s11+$0x0] =	vst v4  }
0xb7: {  	v4 =	vld [tilespmem:s17+$0x0];
	[tilespmem:s4+$0x10000] =	vst v14;
	s4 =	sor.u32 $0x80, s10;
	s10 =	sadd.s32 $0x20, s2;
	s2 =	sadd.s32 $0x30, s2;
	v14 =	vadd.s32 $0x4000, v2  }
0xb8: {  	v16 =	vld.idx.msk [tilespmem:v6+s1+$0x0], $0xffff;
	s18 =	sor.u32 $0x80, s10;
	s2 =	sor.u32 $0x80, s2;
	[tilespmem:s19+$0x0] =	vst v5;
	s19 =	smov.u32 s15  }
0xb9: {  	s11 =	smov.u32 s14;
	s10 =	smov.u32 s0;
	v6 =	vld.idx.msk [tilespmem:v15+s1+$0x0], $0xffff;
	[tilespmem:s4+$0x10000] =	vst v12  }
0xba: {  	v5 =	vadd.s32 $0x6000, v3;
	v12 =	vld.idx.msk [tilespmem:v10+s1+$0x0], $0xffff;
	[tilespmem:s18+$0x10000] =	vst v8  }
0xbb: {  	v13 =	vld.idx.msk [tilespmem:v13+s1+$0x0], $0xffff;
	[tilespmem:s2+$0x10000] =	vst v11;
	v3 =	vmov v7  }
0xbc: {  	v17 =	vadd.s32 $0x6000, v0;
	v0 =	vmov v15;
	s0 =	sor.u32 $0x12000, s19;
	v18 =	vld.idx.msk [tilespmem:v14+s1+$0x0], $0xffff  }
0xbd: {  	v15 =	vadd.s32 $0x6000, v1;
	v1 =	vmov v9;
	s4 =	sor.u32 s10, s0;
	s14 =	sor.u32 s9, s0;
	s2 =	sor.u32 s11, s0;
	v8 =	vld.idx.msk [tilespmem:v9+s1+$0x0], $0xffff  }
0xbe: {  	s0 =	sor.u32 s8, s0;
	v11 =	vld.idx.msk [tilespmem:v7+s1+$0x0], $0xffff;
	[tilespmem:s2+$0x0] =	vst v16;
	v16 =	vadd.s32 $0x6000, v2;
	v2 =	vmov v4  }
.Ltmp1:
0xbf: {  	v9 =	vld.idx.msk [tilespmem:v5+s1+$0x0], $0xffff;
	(pc) =	sbr.rel @p1 .LBB2_4-.Ltmp1, $4  }
0xc0: {  	s13 =	sadd.s32 $0x80, s13;
	v14 =	vadd.s32 $0x2000, v3;
	v10 =	vld.idx.msk [tilespmem:v4+s1+$0x0], $0xffff;
	[tilespmem:s4+$0x0] =	vst v12  }
0xc1: {  	s15 =	sand.u32 $0x1F00, s13;
	v7 =	vld.idx.msk [tilespmem:v17+s1+$0x0], $0xffff;
	[tilespmem:s14+$0x0] =	vst v13  }
0xc2: {  	s17 =	sadd.s32 $0x40, s17;
	s20 =	sor.u32 $0x10000, s15;
	v12 =	vadd.s32 $0x2000, v0;
	s14 =	sand.u32 $0x40, s12;
	v4 =	vld.idx.msk [tilespmem:v15+s1+$0x0], $0xffff;
	[tilespmem:s0+$0x0] =	vst v18  }
0xc3: {  	s19 =	sor.u32 $0x12080, s19;
	v13 =	vadd.s32 $0x2000, v1;
	s21 =	sor.u32 s14, s20;
	s0 =	sor.u32 $0x10, s14;
	v5 =	vld.idx.msk [tilespmem:v16+s1+$0x0], $0xffff  }
0xc4: {  	_ =	sdelay $0x1  }
0xc5: {  	v15 =	vadd.s32 $0x2000, v2  }
0xc6: {  	[tilespmem:s21+$0x0] =	vst v11;
	s16 =	sor.u32 $0x20, s14;
	s12 =	sor.u32 $0x30, s14;
	s2 =	sor.u32 s0, s20  }
0xc7: {  	p0 =	por !p0, !p0;
	v11 =	vld.idx.msk [tilespmem:v14+s1+$0x0], $0xffff;
	s4 =	sor.u32 s16, s20;
	[tilespmem:s2+$0x0] =	vst v6;
	s2 =	simm.s32 $0x1  }
0xc8: {  	s17 =	sor.u32 s12, s20;
	v6 =	vadd.s32 $0x4000, v3;
	s2 =	simm.s32 @!p0 $0x0;
	v12 =	vld.idx.msk [tilespmem:v12+s1+$0x0], $0xffff;
	[tilespmem:s4+$0x0] =	vst v8  }
0xc9: {  	[tilespmem:s17+$0x0] =	vst v10;
	v10 =	vadd.s32 $0x4000, v0;
	s2 =	sshll.u32 s2, $0x6;
	v8 =	vld.idx.msk [tilespmem:v13+s1+$0x0], $0xffff  }
0xca: {  	v14 =	vadd.s32 $0x4000, v1;
	s2 =	sadd.s32 s2, s13;
	v13 =	vld.idx.msk [tilespmem:v15+s1+$0x0], $0xffff  }
0xcb: {  	s20 =	sor.u32 $0x80, s2;
	s13 =	sadd.s32 $0x10, s2;
	v15 =	vadd.s32 $0x4000, v2  }
0xcc: {  	s25 =	sadd.s32 $0x20, s2;
	[tilespmem:s20+$0x10000] =	vst v11;
	s21 =	sor.u32 $0x80, s13  }
0xcd: {  	s2 =	sadd.s32 $0x30, s2;
	s13 =	sor.u32 $0x80, s25;
	v6 =	vld.idx.msk [tilespmem:v6+s1+$0x0], $0xffff;
	[tilespmem:s21+$0x10000] =	vst v12  }
0xce: {  	v3 =	vadd.s32 $0x6000, v3;
	s2 =	sor.u32 $0x80, s2;
	v10 =	vld.idx.msk [tilespmem:v10+s1+$0x0], $0xffff;
	[tilespmem:s13+$0x10000] =	vst v8  }
0xcf: {  	s30 =	sor.u32 s11, s19;
	v0 =	vadd.s32 $0x6000, v0;
	v8 =	vld.idx.msk [tilespmem:v14+s1+$0x0], $0xffff;
	[tilespmem:s2+$0x10000] =	vst v13  }
0xd0: {  	s10 =	sor.u32 s10, s19;
	s11 =	sor.u32 $0x12000, s15;
	[tilespmem:s30+$0x0] =	vst v9;
	v1 =	vadd.s32 $0x6000, v1;
	v9 =	vld.idx.msk [tilespmem:v15+s1+$0x0], $0xffff  }
0xd1: {  	[tilespmem:s10+$0x0] =	vst v7;
	v2 =	vadd.s32 $0x6000, v2;
	s13 =	sor.u32 s14, s11  }
0xd2: {  	s17 =	sor.u32 s0, s11;
	[tilespmem:s13+$0x0] =	vst v6  }
0xd3: {  	s18 =	sor.u32 s16, s11;
	v3 =	vld.idx.msk [tilespmem:v3+s1+$0x0], $0xffff;
	[tilespmem:s17+$0x0] =	vst v10  }
0xd4: {  	s4 =	sor.u32 s12, s11;
	v0 =	vld.idx.msk [tilespmem:v0+s1+$0x0], $0xffff;
	[tilespmem:s18+$0x0] =	vst v8  }
0xd5: {  	s20 =	sor.u32 s9, s19;
	v1 =	vld.idx.msk [tilespmem:v1+s1+$0x0], $0xffff;
	[tilespmem:s4+$0x0] =	vst v9  }
0xd6: {  	s25 =	sor.u32 $0x12080, s15;
	s21 =	sor.u32 s8, s19;
	[tilespmem:s20+$0x0] =	vst v4;
	v2 =	vld.idx.msk [tilespmem:v2+s1+$0x0], $0xffff  }
0xd7: {  	s30 =	sor.u32 s14, s25;
	[tilespmem:s21+$0x0] =	vst v5  }
0xd8: {  	s8 =	sor.u32 s0, s25;
	[tilespmem:s30+$0x0] =	vst v3  }
0xd9: {  	s9 =	sor.u32 s16, s25;
	[tilespmem:s8+$0x0] =	vst v0  }
0xda: {  	s10 =	sor.u32 s12, s25;
	[tilespmem:s9+$0x0] =	vst v1  }
0xdb: {  	[tilespmem:s10+$0x0] =	vst v2  }
0xdc: {  	s0 =	rddreg [dreg:$0x10]  }
0xdd: {  	[hbm4b:s0+s31] =	stream.strided.scatter [tilespmem:s24], [sflag:$0x4], $0x2000, s29, s31, $0x38;
	[tilespmem:$0x14000] =	vst v63  }
0xde: {  	s11 =	rddreg [dreg:$0x11]  }
0xdf: {  	[hbm4b:s11+s31] =	stream.strided.scatter [tilespmem:s3], [sflag:$0x4], $0x2000, s29, s31, $0x38;
	[tilespmem:$0x14000] =	vst v63  }
0xe0: {  	s12 =	rddreg [dreg:$0x12]  }
0xe1: {  	[hbm4b:s12+s31] =	stream.strided.scatter [tilespmem:s24], [sflag:$0x4], $0x2000, s29, s31, $0x38;
	[tilespmem:$0x14000] =	vst v63  }
0xe2: {  	s14 =	simm.s32 $0x2;
	s13 =	rddreg [dreg:$0x13]  }
0xe3: {  	[hbm4b:s13+s31] =	stream.strided.scatter [tilespmem:s3], [sflag:$0x4], $0x2000, s29, s31, $0x38;
	[tilespmem:$0x14000] =	vst v63  }
0xe4: {  	_ =	swait.ge [sflag:s14], $0x2000  }
0xe5: {  	[sflag:s14] =	ssyncset.done $0x0  }
0xe6: {  	[sflag:s14] =	ssyncadd.s32 $0xFFFFE000  }
0xe7: {  	_ =	swait.ge [sflag:s5], $0x2000  }
0xe8: {  	[sflag:s5] =	ssyncset.done $0x0  }
0xe9: {  	[sflag:s5] =	ssyncadd.s32 $0xFFFFE000  }
0xea: {  	_ =	swait.ge [sflag:s5], $0x2000  }
0xeb: {  	[sflag:s5] =	ssyncset.done $0x0  }
0xec: {  	[sflag:s5] =	ssyncadd.s32 $0xFFFFE000  }
0xed: {  	_ =	swait.ge [sflag:s5], $0x2000  }
0xee: {  	[sflag:s5] =	ssyncset.done $0x0  }
0xef: {  	[sflag:s5] =	ssyncadd.s32 $0xFFFFE000  }
0xf0: {  	_ =	swait.ge [sflag:s5], $0x2000  }
0xf1: {  	s15 =	simm.s32 $0x0;
	[sflag:s5] =	ssyncset.done $0x0  }
0xf2: {  	s16 =	sand.u32 $0xFC0, s15;
	[sflag:s5] =	ssyncadd.s32 $0xFFFFE000  }
0xf3: {  	s17 =	simm.s32 $0xA030;
	v4 =	vld [tilespmem:s16+$0xA000]  }
0xf4: {  	v5 =	vld [tilespmem:s17+$0xFFFFFFE0];
	_ =	sdelay $0x1  }
0xf5: {  	v7 =	vld [tilespmem:s17+$0xFFFFFFF0]  }
0xf6: {  	v9 =	vld [tilespmem:s17+$0x0];
	_ =	sdelay $0x3  }
0xf7: {  	v1 =	vld.idx.msk [tilespmem:v4+s1+$0x0], $0xffff  }
0xf8: {  	s20 =	simm.s32 $0xA070;
	v3 =	vld.idx.msk [tilespmem:v5+s1+$0x0], $0xffff  }
0xf9: {  	s19 =	sand.u32 $0x1F00, s15;
	v0 =	vld [tilespmem:s20+$0xFFFFFFE0];
	v2 =	vadd.s32 $0x2000, v4  }
0xfa: {  	s18 =	sor.u32 $0xC000, s19;
	s11 =	sand.u32 $0x40, s15;
	v8 =	vadd.s32 $0x2000, v5;
	v6 =	vld.idx.msk [tilespmem:v7+s1+$0x0], $0xffff  }
0xfb: {  	s21 =	sor.u32 s11, s18;
	s10 =	sor.u32 $0x10, s11;
	s12 =	simm.s32 $0x40;
	v11 =	vadd.s32 $0x2000, v7;
	v10 =	vld.idx.msk [tilespmem:v9+s1+$0x0], $0xffff  }
0xfc: {  	s25 =	sor.u32 s10, s18;
	s13 =	sand.u32 $0xFC0, s12;
	v12 =	vadd.s32 $0x2000, v9;
	[tilespmem:s21+$0x0] =	vst v1;
	v1 =	vld [tilespmem:s20+$0xFFFFFFF0]  }
0xfd: {  	p0 =	por $0x0, $0x0;
	s9 =	sor.u32 $0x20, s11;
	[tilespmem:s25+$0x0] =	vst v3;
	v3 =	vld [tilespmem:s13+$0xA000]  }
0xfe: {  	s4 =	simm.s32 $0x1;
	s8 =	sor.u32 $0x30, s11;
	s30 =	sor.u32 s9, s18;
	v13 =	vld.idx.msk [tilespmem:v2+s1+$0x0], $0xffff  }
0xff: {  	s4 =	simm.s32 @!p0 $0x0;
	s0 =	sor.u32 s8, s18;
	v14 =	vadd.s32 $0x4000, v4;
	[tilespmem:s30+$0x0] =	vst v6;
	v8 =	vld.idx.msk [tilespmem:v8+s1+$0x0], $0xffff  }
0x100: {  	s4 =	sshll.u32 s4, $0x6;
	[tilespmem:s0+$0x0] =	vst v10;
	v10 =	vadd.s32 $0x4000, v5;
	v11 =	vld.idx.msk [tilespmem:v11+s1+$0x0], $0xffff  }
0x101: {  	s4 =	sadd.s32 $0x0, s4;
	v15 =	vadd.s32 $0x4000, v7;
	v12 =	vld.idx.msk [tilespmem:v12+s1+$0x0], $0xffff  }
0x102: {  	s15 =	sadd.s32 $0x10, s4;
	s14 =	sor.u32 $0x80, s4;
	v2 =	vld [tilespmem:s20+$0x0]  }
0x103: {  	s16 =	sor.u32 $0x80, s15;
	s17 =	sadd.s32 $0x20, s4;
	v6 =	vld.idx.msk [tilespmem:v0+s1+$0x0], $0xffff;
	[tilespmem:s14+$0xC000] =	vst v13;
	v13 =	vadd.s32 $0x4000, v9  }
0x104: {  	s2 =	sor.u32 $0x80, s17;
	[tilespmem:s16+$0xC000] =	vst v8;
	v14 =	vld.idx.msk [tilespmem:v14+s1+$0x0], $0xffff  }
0x105: {  	s4 =	sadd.s32 $0x30, s4;
	[tilespmem:s2+$0xC000] =	vst v11;
	v16 =	vld.idx.msk [tilespmem:v10+s1+$0x0], $0xffff  }
0x106: {  	s18 =	sor.u32 $0x80, s4;
	v4 =	vadd.s32 $0x6000, v4;
	v15 =	vld.idx.msk [tilespmem:v15+s1+$0x0], $0xffff  }
0x107: {  	v5 =	vadd.s32 $0x6000, v5;
	[tilespmem:s18+$0xC000] =	vst v12;
	v8 =	vld.idx.msk [tilespmem:v1+s1+$0x0], $0xffff  }
0x108: {  	s20 =	sor.u32 $0xE000, s19;
	v12 =	vld.idx.msk [tilespmem:v13+s1+$0x0], $0xffff;
	v13 =	vadd.s32 $0x6000, v7  }
0x109: {  	v17 =	vadd.s32 $0x6000, v9;
	s21 =	sor.u32 s11, s20;
	v11 =	vld.idx.msk [tilespmem:v3+s1+$0x0], $0xffff  }
0x10a: {  	s25 =	sor.u32 s10, s20;
	v10 =	vld.idx.msk [tilespmem:v2+s1+$0x0], $0xffff;
	[tilespmem:s21+$0x0] =	vst v14  }
0x10b: {  	s13 =	simm.s32 $0x80;
	s30 =	sor.u32 s9, s20;
	[tilespmem:s25+$0x0] =	vst v16;
	v9 =	vld.idx.msk [tilespmem:v4+s1+$0x0], $0xffff  }
0x10c: {  	s17 =	simm.s32 $0xA0B0;
	s15 =	sand.u32 $0x1F00, s13;
	s0 =	sor.u32 s8, s20;
	[tilespmem:s30+$0x0] =	vst v15;
	v14 =	vadd.s32 $0x2000, v3;
	v7 =	vld.idx.msk [tilespmem:v5+s1+$0x0], $0xffff  }
0x10d: {  	s19 =	sor.u32 $0xE080, s19;
	s20 =	sor.u32 $0xC000, s15;
	s14 =	sand.u32 $0x40, s12;
	v4 =	vld.idx.msk [tilespmem:v13+s1+$0x0], $0xffff;
	[tilespmem:s0+$0x0] =	vst v12  }
0x10e: {  	s16 =	simm.s32 $0x4;
	s21 =	sor.u32 s14, s20;
	v12 =	vadd.s32 $0x2000, v0;
	s0 =	sor.u32 $0x10, s14;
	v13 =	vadd.s32 $0x2000, v1;
	v5 =	vld.idx.msk [tilespmem:v17+s1+$0x0], $0xffff  }
.LBB2_6:
0x10f: {  	s2 =	sor.u32 $0x20, s14  }
0x110: {  	v15 =	vld [tilespmem:s17+$0xFFFFFFE0];
	[tilespmem:s21+$0x0] =	vst v11;
	s4 =	sor.u32 $0x30, s14;
	v11 =	vadd.s32 $0x2000, v2;
	s11 =	sor.u32 s11, s19;
	s18 =	sor.u32 s0, s20  }
0x111: {  	s10 =	sor.u32 s10, s19;
	v14 =	vld.idx.msk [tilespmem:v14+s1+$0x0], $0xffff;
	s21 =	sor.u32 s2, s20;
	s20 =	sor.u32 s4, s20;
	[tilespmem:s11+$0x0] =	vst v9  }
0x112: {  	p0 =	por !p0, !p0;
	s11 =	sor.u32 s9, s19;
	v9 =	vld [tilespmem:s17+$0xFFFFFFF0];
	[tilespmem:s18+$0x0] =	vst v6;
	s18 =	simm.s32 $0x1  }
0x113: {  	s19 =	sor.u32 s8, s19;
	s9 =	smov.u32 s2;
	v6 =	vadd.s32 $0x4000, v3;
	s18 =	simm.s32 @!p0 $0x0;
	v12 =	vld.idx.msk [tilespmem:v12+s1+$0x0], $0xffff;
	[tilespmem:s21+$0x0] =	vst v8  }
0x114: {  	s12 =	sadd.s32 $0x40, s12;
	s8 =	smov.u32 s4;
	s2 =	sshll.u32 s18, $0x6;
	v8 =	vld.idx.msk [tilespmem:v13+s1+$0x0], $0xffff;
	[tilespmem:s20+$0x0] =	vst v10  }
0x115: {  	s16 =	sadd.s32 $0x4, s16;
	s4 =	sand.u32 $0xFC0, s12;
	v10 =	vadd.s32 $0x4000, v0;
	s2 =	sadd.s32 s2, s13;
	v11 =	vld.idx.msk [tilespmem:v11+s1+$0x0], $0xffff;
	[tilespmem:s10+$0x0] =	vst v7  }
0x116: {  	p1 =	slt.u32 s16, $0xFC;
	v13 =	vadd.s32 $0x4000, v1;
	v7 =	vld [tilespmem:s4+$0xA000];
	s4 =	sor.u32 $0x80, s2;
	s10 =	sadd.s32 $0x10, s2;
	[tilespmem:s11+$0x0] =	vst v4  }
0x117: {  	v4 =	vld [tilespmem:s17+$0x0];
	[tilespmem:s4+$0xC000] =	vst v14;
	s4 =	sor.u32 $0x80, s10;
	s10 =	sadd.s32 $0x20, s2;
	s2 =	sadd.s32 $0x30, s2;
	v14 =	vadd.s32 $0x4000, v2  }
0x118: {  	v16 =	vld.idx.msk [tilespmem:v6+s1+$0x0], $0xffff;
	s18 =	sor.u32 $0x80, s10;
	s2 =	sor.u32 $0x80, s2;
	[tilespmem:s19+$0x0] =	vst v5;
	s19 =	smov.u32 s15  }
0x119: {  	s11 =	smov.u32 s14;
	s10 =	smov.u32 s0;
	v6 =	vld.idx.msk [tilespmem:v15+s1+$0x0], $0xffff;
	[tilespmem:s4+$0xC000] =	vst v12  }
0x11a: {  	v5 =	vadd.s32 $0x6000, v3;
	v12 =	vld.idx.msk [tilespmem:v10+s1+$0x0], $0xffff;
	[tilespmem:s18+$0xC000] =	vst v8  }
0x11b: {  	v13 =	vld.idx.msk [tilespmem:v13+s1+$0x0], $0xffff;
	[tilespmem:s2+$0xC000] =	vst v11;
	v3 =	vmov v7  }
0x11c: {  	v17 =	vadd.s32 $0x6000, v0;
	v0 =	vmov v15;
	s0 =	sor.u32 $0xE000, s19;
	v18 =	vld.idx.msk [tilespmem:v14+s1+$0x0], $0xffff  }
0x11d: {  	v15 =	vadd.s32 $0x6000, v1;
	v1 =	vmov v9;
	s4 =	sor.u32 s10, s0;
	s14 =	sor.u32 s9, s0;
	s2 =	sor.u32 s11, s0;
	v8 =	vld.idx.msk [tilespmem:v9+s1+$0x0], $0xffff  }
0x11e: {  	s0 =	sor.u32 s8, s0;
	v11 =	vld.idx.msk [tilespmem:v7+s1+$0x0], $0xffff;
	[tilespmem:s2+$0x0] =	vst v16;
	v16 =	vadd.s32 $0x6000, v2;
	v2 =	vmov v4  }
.Ltmp2:
0x11f: {  	v9 =	vld.idx.msk [tilespmem:v5+s1+$0x0], $0xffff;
	(pc) =	sbr.rel @p1 .LBB2_6-.Ltmp2, $4  }
0x120: {  	s13 =	sadd.s32 $0x80, s13;
	v14 =	vadd.s32 $0x2000, v3;
	v10 =	vld.idx.msk [tilespmem:v4+s1+$0x0], $0xffff;
	[tilespmem:s4+$0x0] =	vst v12  }
0x121: {  	s15 =	sand.u32 $0x1F00, s13;
	v7 =	vld.idx.msk [tilespmem:v17+s1+$0x0], $0xffff;
	[tilespmem:s14+$0x0] =	vst v13  }
0x122: {  	s17 =	sadd.s32 $0x40, s17;
	s20 =	sor.u32 $0xC000, s15;
	v12 =	vadd.s32 $0x2000, v0;
	s14 =	sand.u32 $0x40, s12;
	v4 =	vld.idx.msk [tilespmem:v15+s1+$0x0], $0xffff;
	[tilespmem:s0+$0x0] =	vst v18  }
0x123: {  	s19 =	sor.u32 $0xE080, s19;
	v13 =	vadd.s32 $0x2000, v1;
	s21 =	sor.u32 s14, s20;
	s0 =	sor.u32 $0x10, s14;
	v5 =	vld.idx.msk [tilespmem:v16+s1+$0x0], $0xffff  }
0x124: {  	_ =	sdelay $0x1  }
0x125: {  	v15 =	vadd.s32 $0x2000, v2  }
0x126: {  	[tilespmem:s21+$0x0] =	vst v11;
	s16 =	sor.u32 $0x20, s14;
	s12 =	sor.u32 $0x30, s14;
	s2 =	sor.u32 s0, s20  }
0x127: {  	p0 =	por !p0, !p0;
	v11 =	vld.idx.msk [tilespmem:v14+s1+$0x0], $0xffff;
	s4 =	sor.u32 s16, s20;
	[tilespmem:s2+$0x0] =	vst v6;
	s2 =	simm.s32 $0x1  }
0x128: {  	s17 =	sor.u32 s12, s20;
	v6 =	vadd.s32 $0x4000, v3;
	s2 =	simm.s32 @!p0 $0x0;
	v12 =	vld.idx.msk [tilespmem:v12+s1+$0x0], $0xffff;
	[tilespmem:s4+$0x0] =	vst v8  }
0x129: {  	[tilespmem:s17+$0x0] =	vst v10;
	v10 =	vadd.s32 $0x4000, v0;
	s2 =	sshll.u32 s2, $0x6;
	v8 =	vld.idx.msk [tilespmem:v13+s1+$0x0], $0xffff  }
0x12a: {  	v14 =	vadd.s32 $0x4000, v1;
	s2 =	sadd.s32 s2, s13;
	v13 =	vld.idx.msk [tilespmem:v15+s1+$0x0], $0xffff  }
0x12b: {  	s21 =	sor.u32 $0x80, s2;
	s13 =	sadd.s32 $0x10, s2;
	v15 =	vadd.s32 $0x4000, v2  }
0x12c: {  	s30 =	sadd.s32 $0x20, s2;
	[tilespmem:s21+$0xC000] =	vst v11;
	s25 =	sor.u32 $0x80, s13  }
0x12d: {  	s2 =	sadd.s32 $0x30, s2;
	s13 =	sor.u32 $0x80, s30;
	v6 =	vld.idx.msk [tilespmem:v6+s1+$0x0], $0xffff;
	[tilespmem:s25+$0xC000] =	vst v12  }
0x12e: {  	v3 =	vadd.s32 $0x6000, v3;
	s2 =	sor.u32 $0x80, s2;
	v10 =	vld.idx.msk [tilespmem:v10+s1+$0x0], $0xffff;
	[tilespmem:s13+$0xC000] =	vst v8  }
0x12f: {  	s17 =	sor.u32 s11, s19;
	v0 =	vadd.s32 $0x6000, v0;
	v8 =	vld.idx.msk [tilespmem:v14+s1+$0x0], $0xffff;
	[tilespmem:s2+$0xC000] =	vst v13  }
0x130: {  	s18 =	sor.u32 s10, s19;
	s20 =	sor.u32 $0xE000, s15;
	v1 =	vadd.s32 $0x6000, v1;
	[tilespmem:s17+$0x0] =	vst v9;
	v9 =	vld.idx.msk [tilespmem:v15+s1+$0x0], $0xffff  }
0x131: {  	[tilespmem:s18+$0x0] =	vst v7;
	v2 =	vadd.s32 $0x6000, v2;
	s21 =	sor.u32 s14, s20  }
0x132: {  	s25 =	sor.u32 s0, s20;
	[tilespmem:s21+$0x0] =	vst v6  }
0x133: {  	s30 =	sor.u32 s16, s20;
	v3 =	vld.idx.msk [tilespmem:v3+s1+$0x0], $0xffff;
	[tilespmem:s25+$0x0] =	vst v10  }
0x134: {  	s4 =	sor.u32 s12, s20;
	v0 =	vld.idx.msk [tilespmem:v0+s1+$0x0], $0xffff;
	[tilespmem:s30+$0x0] =	vst v8  }
0x135: {  	s10 =	sor.u32 s9, s19;
	v1 =	vld.idx.msk [tilespmem:v1+s1+$0x0], $0xffff;
	[tilespmem:s4+$0x0] =	vst v9  }
0x136: {  	s11 =	sor.u32 s8, s19;
	[tilespmem:s10+$0x0] =	vst v4;
	s13 =	sor.u32 $0xE080, s15;
	v2 =	vld.idx.msk [tilespmem:v2+s1+$0x0], $0xffff  }
0x137: {  	[tilespmem:s11+$0x0] =	vst v5;
	s14 =	sor.u32 s14, s13  }
0x138: {  	s15 =	sor.u32 s0, s13;
	[tilespmem:s14+$0x0] =	vst v3  }
0x139: {  	s16 =	sor.u32 s16, s13;
	[tilespmem:s15+$0x0] =	vst v0  }
0x13a: {  	s17 =	sor.u32 s12, s13;
	[tilespmem:s16+$0x0] =	vst v1  }
0x13b: {  	[tilespmem:s17+$0x0] =	vst v2  }
0x13c: {  	s0 =	rddreg [dreg:$0x14]  }
0x13d: {  	[hbm4b:s0+s31] =	stream.strided.scatter [tilespmem:s22], [sflag:$0x3], $0x2000, s29, s31, $0x38;
	[tilespmem:$0x14000] =	vst v63  }
0x13e: {  	s18 =	rddreg [dreg:$0x15]  }
0x13f: {  	[hbm4b:s18+s31] =	stream.strided.scatter [tilespmem:s23], [sflag:$0x3], $0x2000, s29, s31, $0x38;
	[tilespmem:$0x14000] =	vst v63  }
0x140: {  	s19 =	rddreg [dreg:$0x16]  }
0x141: {  	[hbm4b:s19+s31] =	stream.strided.scatter [tilespmem:s22], [sflag:$0x3], $0x2000, s29, s31, $0x38;
	[tilespmem:$0x14000] =	vst v63  }
0x142: {  	s20 =	rddreg [dreg:$0x17]  }
0x143: {  	[hbm4b:s20+s31] =	stream.strided.scatter [tilespmem:s23], [sflag:$0x3], $0x2000, s29, s31, $0x38;
	[tilespmem:$0x14000] =	vst v63  }
0x144: {  	_ =	swait.ge [sflag:s6], $0x2000  }
0x145: {  	[sflag:s6] =	ssyncset.done $0x0  }
0x146: {  	[sflag:s6] =	ssyncadd.s32 $0xFFFFE000  }
0x147: {  	_ =	swait.ge [sflag:s6], $0x2000  }
0x148: {  	[sflag:s6] =	ssyncset.done $0x0  }
0x149: {  	[sflag:s6] =	ssyncadd.s32 $0xFFFFE000  }
0x14a: {  	_ =	swait.ge [sflag:s6], $0x2000  }
0x14b: {  	[sflag:s6] =	ssyncset.done $0x0  }
0x14c: {  	[sflag:s6] =	ssyncadd.s32 $0xFFFFE000  }
0x14d: {  	_ =	swait.ge [sflag:s6], $0x2000  }
0x14e: {  	s21 =	simm.s32 $0x0;
	[sflag:s6] =	ssyncset.done $0x0  }
0x14f: {  	s22 =	sand.u32 $0xFC0, s21;
	[sflag:s6] =	ssyncadd.s32 $0xFFFFE000  }
0x150: {  	s23 =	simm.s32 $0xB030;
	v4 =	vld [tilespmem:s22+$0xB000]  }
0x151: {  	v5 =	vld [tilespmem:s23+$0xFFFFFFE0]  }
0x152: {  	v7 =	vld [tilespmem:s23+$0xFFFFFFF0]  }
0x153: {  	v9 =	vld [tilespmem:s23+$0x0];
	_ =	sdelay $0x4  }
0x154: {  	v1 =	vld.idx.msk [tilespmem:v4+s1+$0x0], $0xffff  }
0x155: {  	v2 =	vadd.s32 $0x2000, v4;
	v3 =	vld.idx.msk [tilespmem:v5+s1+$0x0], $0xffff  }
0x156: {  	s19 =	sand.u32 $0x1F00, s21;
	v8 =	vadd.s32 $0x2000, v5;
	v6 =	vld.idx.msk [tilespmem:v7+s1+$0x0], $0xffff  }
0x157: {  	s11 =	sand.u32 $0x40, s21;
	s30 =	simm.s32 $0xB070;
	s25 =	sor.u32 $0x10000, s19;
	v11 =	vadd.s32 $0x2000, v7;
	v10 =	vld.idx.msk [tilespmem:v9+s1+$0x0], $0xffff  }
0x158: {  	s10 =	sor.u32 $0x10, s11;
	s12 =	sor.u32 s11, s25;
	v0 =	vld [tilespmem:s30+$0xFFFFFFE0];
	v12 =	vadd.s32 $0x2000, v9  }
0x159: {  	s9 =	sor.u32 $0x20, s11;
	s13 =	sor.u32 s10, s25;
	[tilespmem:s12+$0x0] =	vst v1;
	v1 =	vld [tilespmem:s30+$0xFFFFFFF0]  }
0x15a: {  	s8 =	sor.u32 $0x30, s11;
	s14 =	sor.u32 s9, s25;
	[tilespmem:s13+$0x0] =	vst v3;
	v13 =	vld.idx.msk [tilespmem:v2+s1+$0x0], $0xffff  }
0x15b: {  	p0 =	por $0x0, $0x0;
	s4 =	simm.s32 $0x1;
	s0 =	sor.u32 s8, s25;
	[tilespmem:s14+$0x0] =	vst v6;
	v8 =	vld.idx.msk [tilespmem:v8+s1+$0x0], $0xffff  }
0x15c: {  	s4 =	simm.s32 @!p0 $0x0;
	v14 =	vadd.s32 $0x4000, v4;
	[tilespmem:s0+$0x0] =	vst v10;
	v11 =	vld.idx.msk [tilespmem:v11+s1+$0x0], $0xffff  }
0x15d: {  	s4 =	sshll.u32 s4, $0x6;
	s12 =	simm.s32 $0x40;
	v10 =	vadd.s32 $0x4000, v5;
	v12 =	vld.idx.msk [tilespmem:v12+s1+$0x0], $0xffff  }
0x15e: {  	s4 =	sadd.s32 $0x0, s4;
	v15 =	vadd.s32 $0x4000, v7;
	s15 =	sand.u32 $0xFC0, s12;
	v2 =	vld [tilespmem:s30+$0x0]  }
0x15f: {  	s16 =	sor.u32 $0x80, s4;
	s17 =	sadd.s32 $0x10, s4;
	v3 =	vld [tilespmem:s15+$0xB000]  }
0x160: {  	s18 =	sor.u32 $0x80, s17;
	s20 =	sadd.s32 $0x20, s4;
	v6 =	vld.idx.msk [tilespmem:v0+s1+$0x0], $0xffff;
	[tilespmem:s16+$0x10000] =	vst v13;
	v13 =	vadd.s32 $0x4000, v9  }
0x161: {  	s2 =	sor.u32 $0x80, s20;
	[tilespmem:s18+$0x10000] =	vst v8;
	v14 =	vld.idx.msk [tilespmem:v14+s1+$0x0], $0xffff  }
0x162: {  	s4 =	sadd.s32 $0x30, s4;
	[tilespmem:s2+$0x10000] =	vst v11;
	v16 =	vld.idx.msk [tilespmem:v10+s1+$0x0], $0xffff  }
0x163: {  	s21 =	sor.u32 $0x80, s4;
	v4 =	vadd.s32 $0x6000, v4;
	v15 =	vld.idx.msk [tilespmem:v15+s1+$0x0], $0xffff  }
0x164: {  	v5 =	vadd.s32 $0x6000, v5;
	[tilespmem:s21+$0x10000] =	vst v12;
	v8 =	vld.idx.msk [tilespmem:v1+s1+$0x0], $0xffff  }
0x165: {  	s22 =	sor.u32 $0x12000, s19;
	v12 =	vld.idx.msk [tilespmem:v13+s1+$0x0], $0xffff;
	v13 =	vadd.s32 $0x6000, v7  }
0x166: {  	s23 =	sor.u32 s11, s22;
	v17 =	vadd.s32 $0x6000, v9;
	v10 =	vld.idx.msk [tilespmem:v2+s1+$0x0], $0xffff  }
0x167: {  	s25 =	sor.u32 s10, s22;
	v11 =	vld.idx.msk [tilespmem:v3+s1+$0x0], $0xffff;
	[tilespmem:s23+$0x0] =	vst v14  }
0x168: {  	s13 =	simm.s32 $0x80;
	s30 =	sor.u32 s9, s22;
	[tilespmem:s25+$0x0] =	vst v16;
	v9 =	vld.idx.msk [tilespmem:v4+s1+$0x0], $0xffff  }
0x169: {  	s17 =	simm.s32 $0xB0B0;
	s0 =	sor.u32 s8, s22;
	s15 =	sand.u32 $0x1F00, s13;
	[tilespmem:s30+$0x0] =	vst v15;
	v14 =	vadd.s32 $0x2000, v3;
	v7 =	vld.idx.msk [tilespmem:v5+s1+$0x0], $0xffff  }
0x16a: {  	s19 =	sor.u32 $0x12080, s19;
	s14 =	sand.u32 $0x40, s12;
	s20 =	sor.u32 $0x10000, s15;
	v4 =	vld.idx.msk [tilespmem:v13+s1+$0x0], $0xffff;
	[tilespmem:s0+$0x0] =	vst v12  }
0x16b: {  	s16 =	simm.s32 $0x4;
	s21 =	sor.u32 s14, s20;
	v12 =	vadd.s32 $0x2000, v0;
	s0 =	sor.u32 $0x10, s14;
	v13 =	vadd.s32 $0x2000, v1;
	v5 =	vld.idx.msk [tilespmem:v17+s1+$0x0], $0xffff  }
.LBB2_8:
0x16c: {  	s2 =	sor.u32 $0x20, s14  }
0x16d: {  	v15 =	vld [tilespmem:s17+$0xFFFFFFE0];
	[tilespmem:s21+$0x0] =	vst v11;
	s4 =	sor.u32 $0x30, s14;
	v11 =	vadd.s32 $0x2000, v2;
	s11 =	sor.u32 s11, s19;
	s18 =	sor.u32 s0, s20  }
0x16e: {  	s10 =	sor.u32 s10, s19;
	v14 =	vld.idx.msk [tilespmem:v14+s1+$0x0], $0xffff;
	s21 =	sor.u32 s2, s20;
	s20 =	sor.u32 s4, s20;
	[tilespmem:s11+$0x0] =	vst v9  }
0x16f: {  	p0 =	por !p0, !p0;
	s11 =	sor.u32 s9, s19;
	v9 =	vld [tilespmem:s17+$0xFFFFFFF0];
	[tilespmem:s18+$0x0] =	vst v6;
	s18 =	simm.s32 $0x1  }
0x170: {  	s19 =	sor.u32 s8, s19;
	s9 =	smov.u32 s2;
	v6 =	vadd.s32 $0x4000, v3;
	s18 =	simm.s32 @!p0 $0x0;
	v12 =	vld.idx.msk [tilespmem:v12+s1+$0x0], $0xffff;
	[tilespmem:s21+$0x0] =	vst v8  }
0x171: {  	s12 =	sadd.s32 $0x40, s12;
	s8 =	smov.u32 s4;
	s2 =	sshll.u32 s18, $0x6;
	v8 =	vld.idx.msk [tilespmem:v13+s1+$0x0], $0xffff;
	[tilespmem:s20+$0x0] =	vst v10  }
0x172: {  	s16 =	sadd.s32 $0x4, s16;
	s4 =	sand.u32 $0xFC0, s12;
	v10 =	vadd.s32 $0x4000, v0;
	s2 =	sadd.s32 s2, s13;
	v11 =	vld.idx.msk [tilespmem:v11+s1+$0x0], $0xffff;
	[tilespmem:s10+$0x0] =	vst v7  }
0x173: {  	p1 =	slt.u32 s16, $0xFC;
	v13 =	vadd.s32 $0x4000, v1;
	v7 =	vld [tilespmem:s4+$0xB000];
	s4 =	sor.u32 $0x80, s2;
	s10 =	sadd.s32 $0x10, s2;
	[tilespmem:s11+$0x0] =	vst v4  }
0x174: {  	v4 =	vld [tilespmem:s17+$0x0];
	[tilespmem:s4+$0x10000] =	vst v14;
	s4 =	sor.u32 $0x80, s10;
	s10 =	sadd.s32 $0x20, s2;
	s2 =	sadd.s32 $0x30, s2;
	v14 =	vadd.s32 $0x4000, v2  }
0x175: {  	v16 =	vld.idx.msk [tilespmem:v6+s1+$0x0], $0xffff;
	s18 =	sor.u32 $0x80, s10;
	s2 =	sor.u32 $0x80, s2;
	[tilespmem:s19+$0x0] =	vst v5;
	s19 =	smov.u32 s15  }
0x176: {  	s11 =	smov.u32 s14;
	s10 =	smov.u32 s0;
	v6 =	vld.idx.msk [tilespmem:v15+s1+$0x0], $0xffff;
	[tilespmem:s4+$0x10000] =	vst v12  }
0x177: {  	v5 =	vadd.s32 $0x6000, v3;
	v12 =	vld.idx.msk [tilespmem:v10+s1+$0x0], $0xffff;
	[tilespmem:s18+$0x10000] =	vst v8  }
0x178: {  	v13 =	vld.idx.msk [tilespmem:v13+s1+$0x0], $0xffff;
	[tilespmem:s2+$0x10000] =	vst v11;
	v3 =	vmov v7  }
0x179: {  	v17 =	vadd.s32 $0x6000, v0;
	v0 =	vmov v15;
	s0 =	sor.u32 $0x12000, s19;
	v18 =	vld.idx.msk [tilespmem:v14+s1+$0x0], $0xffff  }
0x17a: {  	v15 =	vadd.s32 $0x6000, v1;
	v1 =	vmov v9;
	s4 =	sor.u32 s10, s0;
	s14 =	sor.u32 s9, s0;
	s2 =	sor.u32 s11, s0;
	v8 =	vld.idx.msk [tilespmem:v9+s1+$0x0], $0xffff  }
0x17b: {  	s0 =	sor.u32 s8, s0;
	v11 =	vld.idx.msk [tilespmem:v7+s1+$0x0], $0xffff;
	[tilespmem:s2+$0x0] =	vst v16;
	v16 =	vadd.s32 $0x6000, v2;
	v2 =	vmov v4  }
.Ltmp3:
0x17c: {  	v9 =	vld.idx.msk [tilespmem:v5+s1+$0x0], $0xffff;
	(pc) =	sbr.rel @p1 .LBB2_8-.Ltmp3, $4  }
0x17d: {  	s13 =	sadd.s32 $0x80, s13;
	v14 =	vadd.s32 $0x2000, v3;
	v10 =	vld.idx.msk [tilespmem:v4+s1+$0x0], $0xffff;
	[tilespmem:s4+$0x0] =	vst v12  }
0x17e: {  	s15 =	sand.u32 $0x1F00, s13;
	v7 =	vld.idx.msk [tilespmem:v17+s1+$0x0], $0xffff;
	[tilespmem:s14+$0x0] =	vst v13  }
0x17f: {  	s17 =	sadd.s32 $0x40, s17;
	s20 =	sor.u32 $0x10000, s15;
	v12 =	vadd.s32 $0x2000, v0;
	s14 =	sand.u32 $0x40, s12;
	v4 =	vld.idx.msk [tilespmem:v15+s1+$0x0], $0xffff;
	[tilespmem:s0+$0x0] =	vst v18  }
0x180: {  	s19 =	sor.u32 $0x12080, s19;
	v13 =	vadd.s32 $0x2000, v1;
	s21 =	sor.u32 s14, s20;
	s0 =	sor.u32 $0x10, s14;
	v5 =	vld.idx.msk [tilespmem:v16+s1+$0x0], $0xffff  }
0x181: {  	_ =	sdelay $0x1  }
0x182: {  	v15 =	vadd.s32 $0x2000, v2  }
0x183: {  	[tilespmem:s21+$0x0] =	vst v11;
	s12 =	sor.u32 $0x20, s14;
	s16 =	sor.u32 $0x30, s14;
	s2 =	sor.u32 s0, s20  }
0x184: {  	p0 =	por !p0, !p0;
	v11 =	vld.idx.msk [tilespmem:v14+s1+$0x0], $0xffff;
	s4 =	sor.u32 s12, s20;
	[tilespmem:s2+$0x0] =	vst v6;
	s2 =	simm.s32 $0x1  }
0x185: {  	v51 =	vadd.s32 $0x4000, v3;
	s25 =	sor.u32 s16, s20;
	[tilespmem:s4+$0x0] =	vst v8;
	s2 =	simm.s32 @!p0 $0x0;
	v52 =	vld.idx.msk [tilespmem:v12+s1+$0x0], $0xffff  }
0x186: {  	v54 =	vadd.s32 $0x4000, v0;
	[tilespmem:s25+$0x0] =	vst v10;
	s2 =	sshll.u32 s2, $0x6;
	v53 =	vld.idx.msk [tilespmem:v13+s1+$0x0], $0xffff  }
0x187: {  	v56 =	vadd.s32 $0x4000, v1;
	s2 =	sadd.s32 s2, s13;
	v55 =	vld.idx.msk [tilespmem:v15+s1+$0x0], $0xffff  }
0x188: {  	v57 =	vadd.s32 $0x4000, v2;
	s30 =	sor.u32 $0x80, s2;
	s13 =	sadd.s32 $0x10, s2  }
0x189: {  	s18 =	sadd.s32 $0x20, s2;
	[tilespmem:s30+$0x10000] =	vst v11;
	s17 =	sor.u32 $0x80, s13  }
0x18a: {  	s2 =	sadd.s32 $0x30, s2;
	s20 =	sor.u32 $0x80, s18;
	[tilespmem:s17+$0x10000] =	vst v52;
	v6 =	vld.idx.msk [tilespmem:v51+s1+$0x0], $0xffff  }
0x18b: {  	v58 =	vadd.s32 $0x6000, v3;
	s2 =	sor.u32 $0x80, s2;
	[tilespmem:s20+$0x10000] =	vst v53;
	v8 =	vld.idx.msk [tilespmem:v54+s1+$0x0], $0xffff  }
0x18c: {  	s21 =	sor.u32 s11, s19;
	v60 =	vadd.s32 $0x6000, v0;
	v59 =	vld.idx.msk [tilespmem:v56+s1+$0x0], $0xffff;
	[tilespmem:s2+$0x10000] =	vst v55  }
0x18d: {  	s22 =	sor.u32 s10, s19;
	s23 =	sor.u32 $0x12000, s15;
	v62 =	vadd.s32 $0x6000, v1;
	[tilespmem:s21+$0x0] =	vst v9;
	v61 =	vld.idx.msk [tilespmem:v57+s1+$0x0], $0xffff  }
0x18e: {  	v63 =	vadd.s32 $0x6000, v2;
	[tilespmem:s22+$0x0] =	vst v7;
	s25 =	sor.u32 s14, s23  }
0x18f: {  	s30 =	sor.u32 s0, s23;
	[tilespmem:s25+$0x0] =	vst v6  }
0x190: {  	s10 =	sor.u32 s12, s23;
	[tilespmem:s30+$0x0] =	vst v8;
	v3 =	vld.idx.msk [tilespmem:v58+s1+$0x0], $0xffff  }
0x191: {  	s11 =	sor.u32 s16, s23;
	[tilespmem:s10+$0x0] =	vst v59;
	v0 =	vld.idx.msk [tilespmem:v60+s1+$0x0], $0xffff  }
0x192: {  	s13 =	sor.u32 s9, s19;
	v1 =	vld.idx.msk [tilespmem:v62+s1+$0x0], $0xffff;
	[tilespmem:s11+$0x0] =	vst v61  }
0x193: {  	s18 =	sor.u32 $0x12080, s15;
	s17 =	sor.u32 s8, s19;
	[tilespmem:s13+$0x0] =	vst v4;
	v2 =	vld.idx.msk [tilespmem:v63+s1+$0x0], $0xffff  }
0x194: {  	s19 =	sor.u32 s14, s18;
	[tilespmem:s17+$0x0] =	vst v5  }
0x195: {  	s20 =	sor.u32 s0, s18;
	[tilespmem:s19+$0x0] =	vst v3  }
0x196: {  	s21 =	sor.u32 s12, s18;
	[tilespmem:s20+$0x0] =	vst v0  }
0x197: {  	s2 =	sor.u32 s16, s18;
	[tilespmem:s21+$0x0] =	vst v1  }
0x198: {  	[tilespmem:s2+$0x0] =	vst v2  }
0x199: {  	s0 =	rddreg [dreg:$0x18]  }
0x19a: {  	[hbm4b:s0+s31] =	stream.strided.scatter [tilespmem:s24], [sflag:$0x4], $0x2000, s29, s31, $0x38;
	[tilespmem:$0x14000] =	vst v63  }
0x19b: {  	s22 =	rddreg [dreg:$0x19]  }
0x19c: {  	[hbm4b:s22+s31] =	stream.strided.scatter [tilespmem:s3], [sflag:$0x4], $0x2000, s29, s31, $0x38;
	[tilespmem:$0x14000] =	vst v63  }
0x19d: {  	s23 =	rddreg [dreg:$0x1a]  }
0x19e: {  	[hbm4b:s23+s31] =	stream.strided.scatter [tilespmem:s24], [sflag:$0x4], $0x2000, s29, s31, $0x38;
	[tilespmem:$0x14000] =	vst v63  }
0x19f: {  	s25 =	rddreg [dreg:$0x1b]  }
0x1a0: {  	[hbm4b:s25+s31] =	stream.strided.scatter [tilespmem:s3], [sflag:$0x4], $0x2000, s29, s31, $0x38;
	[tilespmem:$0x14000] =	vst v63  }
0x1a1: {  	_ =	swait.ge [sflag:s5], $0x2000  }
0x1a2: {  	[sflag:s5] =	ssyncset.done $0x0  }
0x1a3: {  	[sflag:s5] =	ssyncadd.s32 $0xFFFFE000  }
0x1a4: {  	_ =	swait.ge [sflag:s5], $0x2000  }
0x1a5: {  	[sflag:s5] =	ssyncset.done $0x0  }
0x1a6: {  	[sflag:s5] =	ssyncadd.s32 $0xFFFFE000  }
0x1a7: {  	_ =	swait.ge [sflag:s5], $0x2000  }
0x1a8: {  	[sflag:s5] =	ssyncset.done $0x0  }
0x1a9: {  	[sflag:s5] =	ssyncadd.s32 $0xFFFFE000  }
0x1aa: {  	_ =	swait.ge [sflag:s5], $0x2000  }
0x1ab: {  	[sflag:s5] =	ssyncset.done $0x0  }
0x1ac: {  	[sflag:s5] =	ssyncadd.s32 $0xFFFFE000  }
0x1ad: {  	_ =	swait.ge [sflag:s6], $0x2000  }
0x1ae: {  	[sflag:s6] =	ssyncset.done $0x0  }
0x1af: {  	[sflag:s6] =	ssyncadd.s32 $0xFFFFE000  }
0x1b0: {  	_ =	swait.ge [sflag:s6], $0x2000  }
0x1b1: {  	[sflag:s6] =	ssyncset.done $0x0  }
0x1b2: {  	[sflag:s6] =	ssyncadd.s32 $0xFFFFE000  }
0x1b3: {  	_ =	swait.ge [sflag:s6], $0x2000  }
0x1b4: {  	[sflag:s6] =	ssyncset.done $0x0  }
0x1b5: {  	[sflag:s6] =	ssyncadd.s32 $0xFFFFE000  }
0x1b6: {  	_ =	swait.ge [sflag:s6], $0x2000  }
0x1b7: {  	s7 =	sadd.s32 $0x1, s7;
	s30 =	rddreg [dreg:$0x1c]  }
0x1b8: {  	p0 =	sne.s32 s7, s30  }
.Ltmp4:
0x1b9: {  	_ = 	snop;
	(pc) =	sbr.rel @p0 .LBB2_1-.Ltmp4, $3  }
0x1ba: {  	_ =	sdelay $0x1  }
0x1bb: {  	[sflag:s6] =	ssyncset.done $0x0  }
0x1bc: {  	[sflag:s6] =	ssyncadd.s32 $0xFFFFE000  }
0x1bd: {  	_ =	sfence.sel $0x180000  }
0x1be: {  	[bflag:$0x0] =	sbarrier.arrive $0xFFFF  }
0x1bf: {  	_ =	strace $0x90000047  }
0x1c0: {  	s0 =	stileid.u32;
	[bflag:$0x2] =	sbarrier.arrive $0xFFFF  }
0x1c1: {  	p0 =	sne.s32 s0, $0x0;
	s0 =	rddreg [dreg:$0x5]  }
0x1c2: {  	s0 =	sadd.s32 @!p0 $0x100000, s0  }
0x1c3: {  	[sflag:s0] =	ssyncadd.tile.s32 @!p0 $0x1;
	_ =	shalt  }
.Lfunc_end2:
_tile_overlayer_lowered:
.L_overlay_start_2:
0x1c4: {  	(tag) =	ssettag $0x2  }
0x1c5: {  	s0 =	rddreg [dreg:$0x0];
	s2 =	stileid.u32  }
0x1c6: {  	s1 =	rddreg [dreg:$0x1];
	p0 =	sne.s32 s2, $0x0  }
0x1c7: {  	s3 =	rddreg [dreg:$0x2];
	[bflag:$0x3] =	sbarrier.arrive $0xFFFF;
	s2 =	simm.s32 @!p0 $0x1C05  }
0x1c8: {  	[timem:s3], [sflag:s2] =	dma.local @!p0 [hbm:s0], s1  }
0x1c9: {  	s0 =	simm.s32 @!p0 $0x5  }
0x1ca: {  	_ =	swait.ge @!p0 [sflag:s0], s1  }
0x1cb: {  	s1 =	ssub.s32 @!p0 $0x0, s1;
	[sflag:s0] =	ssyncset.done @!p0 $0x0  }
0x1cc: {  	[sflag:s0] =	ssyncadd.s32 @!p0 s1  }
0x1cd: {  	[bflag:$0x3] =	sbarrier.arrive $0xFFFF  }
0x1ce: {  	_ =	shalt  }

</sc_bundles>
